<compile_context>
chip_gen: v7x
topology: tpu7x:2x2x1
jax: 0.10.2.dev20260603
libtpu: 0.0.44.dev20260713+nightly
codegen_flags: <defaults>
</compile_context>

<pallas_src>
import functools

import jax
import jax.numpy as jnp
from jax import lax
from jax.experimental import pallas as pl
from jax.experimental.pallas import tpu as pltpu
from jax.experimental.pallas import tpu_sc as plsc

HALF = 128
B, S = 4096, 50
N = B * S
NC, NS = 2, 16
NW = NC * NS
BPW = B // NW
ROWS_PER_W = BPW * S
XOFF = S * BPW
NBUF = 3
PAIRS = 2 * ROWS_PER_W


def _body(idx_hbm, x_hbm, y_hbm, out_hbm, idx_all, idx_u, obuf, gsem, wsem):
  wid = lax.axis_index("s") * NC + lax.axis_index("c")
  pltpu.sync_copy(idx_hbm.at[wid], idx_all)
  lanes = lax.iota(jnp.int32, 16)

  def unzip(s):
    for p in range(BPW // 16):
      g = (p * 16 + lanes) * S + s
      idx_u[pl.ds(s * BPW + p * 16, 16)] = plsc.load_gather(idx_all, [2 * g])
      idx_u[pl.ds(XOFF + s * BPW + p * 16, 16)] = plsc.load_gather(
          idx_all, [2 * g + 1])

  def start_g(s, b):
    pltpu.async_copy(x_hbm.at[idx_u.at[pl.ds(s * BPW, BPW)]],
                     obuf.at[b, :, pl.ds(0, HALF)], gsem.at[b])
    pltpu.async_copy(y_hbm.at[idx_u.at[pl.ds(XOFF + s * BPW, BPW)]],
                     obuf.at[b, :, pl.ds(HALF, HALF)], gsem.at[b])

  def wait_g(b):
    pltpu.make_async_copy(x_hbm.at[idx_u.at[pl.ds(0, BPW)]],
                          obuf.at[b, :, pl.ds(0, HALF)], gsem.at[b]).wait()
    pltpu.make_async_copy(y_hbm.at[idx_u.at[pl.ds(0, BPW)]],
                          obuf.at[b, :, pl.ds(HALF, HALF)], gsem.at[b]).wait()

  def start_w(s, b):
    pltpu.async_copy(obuf.at[b], out_hbm.at[s, pl.ds(wid * BPW, BPW)],
                     wsem.at[b])

  def wait_w(b):
    pltpu.make_async_copy(obuf.at[b], out_hbm.at[0, pl.ds(0, BPW)],
                          wsem.at[b]).wait()

  def chunk(s, b):
    @pl.when(s >= 1)
    def _():
      wait_w((b + NBUF - 1) % NBUF)

    @pl.when(s + NBUF - 1 < S)
    def _():
      unzip(s + NBUF - 1)
      start_g(s + NBUF - 1, (b + NBUF - 1) % NBUF)

    wait_g(b)
    start_w(s, b)

  for c in range(NBUF - 1):
    unzip(c)
    start_g(c, c)

  @pl.loop(0, S - S % NBUF, step=NBUF)
  def _(s0):
    for b in range(NBUF):
      chunk(s0 + b, b)

  for s in range(S - S % NBUF, S):
    b = s % NBUF
    wait_w((b + NBUF - 1) % NBUF)
    if s + NBUF - 1 < S:
      unzip(s + NBUF - 1)
      start_g(s + NBUF - 1, (b + NBUF - 1) % NBUF)
    wait_g(b)
    start_w(s, b)

  wait_w((S - 1) % NBUF)


@functools.partial(jax.jit, donate_argnums=())
def _run(idx, x_table, y_table):
  mesh = plsc.VectorSubcoreMesh(core_axis_name="c", subcore_axis_name="s")
  kfn = pl.kernel(
      _body,
      out_type=jax.ShapeDtypeStruct((S, B, 2 * HALF), jnp.float32),
      mesh=mesh,
      scratch_types=[
          pltpu.VMEM((PAIRS,), jnp.int32),
          pltpu.VMEM((PAIRS,), jnp.int32),
          pltpu.VMEM((NBUF, BPW, 2 * HALF), jnp.float32),
          pltpu.SemaphoreType.DMA((NBUF,)),
          pltpu.SemaphoreType.DMA((NBUF,)),
      ],
      compiler_params=pltpu.CompilerParams(needs_layout_passes=False),
  )
  return kfn(idx, x_table, y_table)


def kernel(coords, x_table, y_table):
  idx = jnp.asarray(coords, jnp.int32).reshape(NW, PAIRS)
  out = _run(idx, x_table, y_table)
  return jnp.transpose(out, (1, 0, 2))

# --- scband reference (transcript-rebuilt; emitter-appended) ---
"""Pipeline reference for scband-abs-xy-10436770529345 (READ-ONLY COPY).

The authoritative reference and input builder live on the scoring server;
editing this copy changes nothing except your own understanding.
"""

import jax, jax.numpy as jnp
import numpy as np

MAX_SIZE = 65536
DIM = 256
HALF = DIM // 2


def setup_inputs(seed: int = 0) -> dict:
    key = jax.random.key(seed)
    k_coords, k_x, k_y = jax.random.split(key, 3)
    coords = jax.random.randint(k_coords, (4096, 50, 2), 0, MAX_SIZE, dtype=jnp.int64)
    x_table = jax.random.normal(k_x, (MAX_SIZE, HALF), dtype=jnp.float32)
    y_table = jax.random.normal(k_y, (MAX_SIZE, HALF), dtype=jnp.float32)
    return {"coords": coords, "x_table": x_table, "y_table": y_table}


def reference(coords, x_table, y_table):
    # x_embed(coords[..., 0]) -> gather from x_table
    x = jnp.take(x_table, coords[..., 0], axis=0)
    # y_embed(coords[..., 1]) -> gather from y_table
    y = jnp.take(y_table, coords[..., 1], axis=0)
    return jnp.concatenate([x, y], axis=-1)

if __name__ == "__main__":
    import jax
    _d = setup_inputs()
    print(jax.jit(kernel)(*tuple(_d.values())))

</pallas_src>

<mosaic_0001>
#map = affine_map<(d0, d1) -> (0, 0)>
#map1 = affine_map<(d0, d1) -> (0, 0, 0)>
module attributes {stable_mosaic.version = 14 : i64} {
  func.func @_body(%arg0: i32, %arg1: i32, %arg2: memref<32x12800xi32, #tpu.memory_space<hbm>>, %arg3: memref<65536x128xf32, #tpu.memory_space<hbm>>, %arg4: memref<65536x128xf32, #tpu.memory_space<hbm>>, %arg5: memref<50x4096x256xf32, #tpu.memory_space<hbm>>, %arg6: memref<12800xi32, #tpu.memory_space<vmem>>, %arg7: memref<12800xi32, #tpu.memory_space<vmem>>, %arg8: memref<3x128x256xf32, #tpu.memory_space<vmem>>, %arg9: memref<3x!tpu.dma_semaphore, #tpu.memory_space<semaphore_mem>>, %arg10: memref<3x!tpu.dma_semaphore, #tpu.memory_space<semaphore_mem>>) attributes {dimension_semantics = [#tpu.dimension_semantics<core_parallel>, #tpu.dimension_semantics<subcore_parallel>], iteration_bounds = array<i64: 2, 16>, scalar_prefetch = 0 : i64, scratch_operands = 5 : i64, tpu.core_type = #tpu.core_type<sc_vector_subcore>, window_params = [{transform_indices = #map}, {transform_indices = #map}, {transform_indices = #map}, {transform_indices = #map1}]} {
    %mul3A = arith.constant 2 : i32
    %mul3A_0 = arith.muli %arg1, %mul3A : i32
    %add3A = arith.addi %mul3A_0, %arg0 : i32
    "tpu.region"() ({
      %run_scoped3A = tpu.sem_alloc : memref<!tpu.dma_semaphore, #tpu.memory_space<semaphore_mem>>
      %dma_start3A_594 = arith.constant 0 : i32
      %dma_start3A_595 = tpu.memref_slice %arg2[%add3A, %dma_start3A_594] : memref<32x12800xi32, #tpu.memory_space<hbm>> -> memref<1x12800xi32, #tpu.memory_space<hbm>>
      %dma_start3A_596 = tpu.memref_squeeze %dma_start3A_595 : memref<1x12800xi32, #tpu.memory_space<hbm>> -> memref<12800xi32, #tpu.memory_space<hbm>>
      %dma_start3A_597 = arith.constant 0 : i32
      %dma_start3A_598 = tpu.memref_slice %arg2[%add3A, %dma_start3A_597] : memref<32x12800xi32, #tpu.memory_space<hbm>> -> memref<1x12800xi32, #tpu.memory_space<hbm>>
      %dma_start3A_599 = tpu.memref_squeeze %dma_start3A_598 : memref<1x12800xi32, #tpu.memory_space<hbm>> -> memref<12800xi32, #tpu.memory_space<hbm>>
      tpu.enqueue_dma source(%dma_start3A_599 : memref<12800xi32, #tpu.memory_space<hbm>>) target(%arg6 : memref<12800xi32, #tpu.memory_space<vmem>>) target_semaphore(%run_scoped3A : memref<!tpu.dma_semaphore, #tpu.memory_space<semaphore_mem>>)
      %dma_wait3A_600 = arith.constant 0 : i32
      %dma_wait3A_601 = tpu.memref_slice %arg2[%add3A, %dma_wait3A_600] : memref<32x12800xi32, #tpu.memory_space<hbm>> -> memref<1x12800xi32, #tpu.memory_space<hbm>>
      %dma_wait3A_602 = tpu.memref_squeeze %dma_wait3A_601 : memref<1x12800xi32, #tpu.memory_space<hbm>> -> memref<12800xi32, #tpu.memory_space<hbm>>
      %dma_wait3A_603 = arith.constant 0 : i32
      %dma_wait3A_604 = tpu.memref_slice %arg2[%add3A, %dma_wait3A_603] : memref<32x12800xi32, #tpu.memory_space<hbm>> -> memref<1x12800xi32, #tpu.memory_space<hbm>>
      %dma_wait3A_605 = tpu.memref_squeeze %dma_wait3A_604 : memref<1x12800xi32, #tpu.memory_space<hbm>> -> memref<12800xi32, #tpu.memory_space<hbm>>
      tpu.wait_dma2 semaphore(%run_scoped3A : memref<!tpu.dma_semaphore, #tpu.memory_space<semaphore_mem>>) src(%dma_wait3A_605 : memref<12800xi32, #tpu.memory_space<hbm>>) dst(%arg6 : memref<12800xi32, #tpu.memory_space<vmem>>)
      tpu.yield
    }) : () -> ()
    %iota3A = tpu.iota {dimensions = array<i32: 0>} : vector<16xi32>
    %add3A_1 = arith.constant 0 : i32
    %add3A_2 = vector.broadcast %add3A_1 : i32 to vector<16xi32>
    %add3A_3 = arith.addi %add3A_2, %iota3A : vector<16xi32>
    %mul3A_4 = arith.constant 50 : i32
    %mul3A_5 = vector.broadcast %mul3A_4 : i32 to vector<16xi32>
    %mul3A_6 = arith.muli %add3A_3, %mul3A_5 : vector<16xi32>
    %add3A_7 = arith.constant 0 : i32
    %add3A_8 = vector.broadcast %add3A_7 : i32 to vector<16xi32>
    %add3A_9 = arith.addi %mul3A_6, %add3A_8 : vector<16xi32>
    %mul3A_10 = arith.constant 2 : i32
    %mul3A_11 = vector.broadcast %mul3A_10 : i32 to vector<16xi32>
    %mul3A_12 = arith.muli %mul3A_11, %add3A_9 : vector<16xi32>
    %gather3A = tpu.vector_load_idx %arg6[%mul3A_12] : memref<12800xi32, #tpu.memory_space<vmem>>[vector<16xi32>], vector<16xi32>,
    %swap3A = arith.constant 0 : index
    %swap3A_13 = tpu.vector_load %arg7[%swap3A] {strides = array<i32>} : memref<12800xi32, #tpu.memory_space<vmem>>, vector<16xi32>,
    tpu.vector_store %arg7[%swap3A], %gather3A {strides = array<i32>} : memref<12800xi32, #tpu.memory_space<vmem>>, vector<16xi32>,
    %mul3A_14 = arith.constant 2 : i32
    %mul3A_15 = vector.broadcast %mul3A_14 : i32 to vector<16xi32>
    %mul3A_16 = arith.muli %mul3A_15, %add3A_9 : vector<16xi32>
    %add3A_17 = arith.constant 1 : i32
    %add3A_18 = vector.broadcast %add3A_17 : i32 to vector<16xi32>
    %add3A_19 = arith.addi %mul3A_16, %add3A_18 : vector<16xi32>
    %gather3A_20 = tpu.vector_load_idx %arg6[%add3A_19] : memref<12800xi32, #tpu.memory_space<vmem>>[vector<16xi32>], vector<16xi32>,
    %swap3A_21 = arith.constant 6400 : index
    %swap3A_22 = tpu.vector_load %arg7[%swap3A_21] {strides = array<i32>} : memref<12800xi32, #tpu.memory_space<vmem>>, vector<16xi32>,
    tpu.vector_store %arg7[%swap3A_21], %gather3A_20 {strides = array<i32>} : memref<12800xi32, #tpu.memory_space<vmem>>, vector<16xi32>,
    %add3A_23 = arith.constant 16 : i32
    %add3A_24 = vector.broadcast %add3A_23 : i32 to vector<16xi32>
    %add3A_25 = arith.addi %add3A_24, %iota3A : vector<16xi32>
    %mul3A_26 = arith.constant 50 : i32
    %mul3A_27 = vector.broadcast %mul3A_26 : i32 to vector<16xi32>
    %mul3A_28 = arith.muli %add3A_25, %mul3A_27 : vector<16xi32>
    %add3A_29 = arith.constant 0 : i32
    %add3A_30 = vector.broadcast %add3A_29 : i32 to vector<16xi32>
    %add3A_31 = arith.addi %mul3A_28, %add3A_30 : vector<16xi32>
    %mul3A_32 = arith.constant 2 : i32
    %mul3A_33 = vector.broadcast %mul3A_32 : i32 to vector<16xi32>
    %mul3A_34 = arith.muli %mul3A_33, %add3A_31 : vector<16xi32>
    %gather3A_35 = tpu.vector_load_idx %arg6[%mul3A_34] : memref<12800xi32, #tpu.memory_space<vmem>>[vector<16xi32>], vector<16xi32>,
    %swap3A_36 = arith.constant 16 : index
    %swap3A_37 = tpu.vector_load %arg7[%swap3A_36] {strides = array<i32>} : memref<12800xi32, #tpu.memory_space<vmem>>, vector<16xi32>,
    tpu.vector_store %arg7[%swap3A_36], %gather3A_35 {strides = array<i32>} : memref<12800xi32, #tpu.memory_space<vmem>>, vector<16xi32>,
    %mul3A_38 = arith.constant 2 : i32
    %mul3A_39 = vector.broadcast %mul3A_38 : i32 to vector<16xi32>
    %mul3A_40 = arith.muli %mul3A_39, %add3A_31 : vector<16xi32>
    %add3A_41 = arith.constant 1 : i32
    %add3A_42 = vector.broadcast %add3A_41 : i32 to vector<16xi32>
    %add3A_43 = arith.addi %mul3A_40, %add3A_42 : vector<16xi32>
    %gather3A_44 = tpu.vector_load_idx %arg6[%add3A_43] : memref<12800xi32, #tpu.memory_space<vmem>>[vector<16xi32>], vector<16xi32>,
    %swap3A_45 = arith.constant 6416 : index
    %swap3A_46 = tpu.vector_load %arg7[%swap3A_45] {strides = array<i32>} : memref<12800xi32, #tpu.memory_space<vmem>>, vector<16xi32>,
    tpu.vector_store %arg7[%swap3A_45], %gather3A_44 {strides = array<i32>} : memref<12800xi32, #tpu.memory_space<vmem>>, vector<16xi32>,
    %add3A_47 = arith.constant 32 : i32
    %add3A_48 = vector.broadcast %add3A_47 : i32 to vector<16xi32>
    %add3A_49 = arith.addi %add3A_48, %iota3A : vector<16xi32>
    %mul3A_50 = arith.constant 50 : i32
    %mul3A_51 = vector.broadcast %mul3A_50 : i32 to vector<16xi32>
    %mul3A_52 = arith.muli %add3A_49, %mul3A_51 : vector<16xi32>
    %add3A_53 = arith.constant 0 : i32
    %add3A_54 = vector.broadcast %add3A_53 : i32 to vector<16xi32>
    %add3A_55 = arith.addi %mul3A_52, %add3A_54 : vector<16xi32>
    %mul3A_56 = arith.constant 2 : i32
    %mul3A_57 = vector.broadcast %mul3A_56 : i32 to vector<16xi32>
    %mul3A_58 = arith.muli %mul3A_57, %add3A_55 : vector<16xi32>
    %gather3A_59 = tpu.vector_load_idx %arg6[%mul3A_58] : memref<12800xi32, #tpu.memory_space<vmem>>[vector<16xi32>], vector<16xi32>,
    %swap3A_60 = arith.constant 32 : index
    %swap3A_61 = tpu.vector_load %arg7[%swap3A_60] {strides = array<i32>} : memref<12800xi32, #tpu.memory_space<vmem>>, vector<16xi32>,
    tpu.vector_store %arg7[%swap3A_60], %gather3A_59 {strides = array<i32>} : memref<12800xi32, #tpu.memory_space<vmem>>, vector<16xi32>,
    %mul3A_62 = arith.constant 2 : i32
    %mul3A_63 = vector.broadcast %mul3A_62 : i32 to vector<16xi32>
    %mul3A_64 = arith.muli %mul3A_63, %add3A_55 : vector<16xi32>
    %add3A_65 = arith.constant 1 : i32
    %add3A_66 = vector.broadcast %add3A_65 : i32 to vector<16xi32>
    %add3A_67 = arith.addi %mul3A_64, %add3A_66 : vector<16xi32>
    %gather3A_68 = tpu.vector_load_idx %arg6[%add3A_67] : memref<12800xi32, #tpu.memory_space<vmem>>[vector<16xi32>], vector<16xi32>,
    %swap3A_69 = arith.constant 6432 : index
    %swap3A_70 = tpu.vector_load %arg7[%swap3A_69] {strides = array<i32>} : memref<12800xi32, #tpu.memory_space<vmem>>, vector<16xi32>,
    tpu.vector_store %arg7[%swap3A_69], %gather3A_68 {strides = array<i32>} : memref<12800xi32, #tpu.memory_space<vmem>>, vector<16xi32>,
    %add3A_71 = arith.constant 48 : i32
    %add3A_72 = vector.broadcast %add3A_71 : i32 to vector<16xi32>
    %add3A_73 = arith.addi %add3A_72, %iota3A : vector<16xi32>
    %mul3A_74 = arith.constant 50 : i32
    %mul3A_75 = vector.broadcast %mul3A_74 : i32 to vector<16xi32>
    %mul3A_76 = arith.muli %add3A_73, %mul3A_75 : vector<16xi32>
    %add3A_77 = arith.constant 0 : i32
    %add3A_78 = vector.broadcast %add3A_77 : i32 to vector<16xi32>
    %add3A_79 = arith.addi %mul3A_76, %add3A_78 : vector<16xi32>
    %mul3A_80 = arith.constant 2 : i32
    %mul3A_81 = vector.broadcast %mul3A_80 : i32 to vector<16xi32>
    %mul3A_82 = arith.muli %mul3A_81, %add3A_79 : vector<16xi32>
    %gather3A_83 = tpu.vector_load_idx %arg6[%mul3A_82] : memref<12800xi32, #tpu.memory_space<vmem>>[vector<16xi32>], vector<16xi32>,
    %swap3A_84 = arith.constant 48 : index
    %swap3A_85 = tpu.vector_load %arg7[%swap3A_84] {strides = array<i32>} : memref<12800xi32, #tpu.memory_space<vmem>>, vector<16xi32>,
    tpu.vector_store %arg7[%swap3A_84], %gather3A_83 {strides = array<i32>} : memref<12800xi32, #tpu.memory_space<vmem>>, vector<16xi32>,
    %mul3A_86 = arith.constant 2 : i32
    %mul3A_87 = vector.broadcast %mul3A_86 : i32 to vector<16xi32>
    %mul3A_88 = arith.muli %mul3A_87, %add3A_79 : vector<16xi32>
    %add3A_89 = arith.constant 1 : i32
    %add3A_90 = vector.broadcast %add3A_89 : i32 to vector<16xi32>
    %add3A_91 = arith.addi %mul3A_88, %add3A_90 : vector<16xi32>
    %gather3A_92 = tpu.vector_load_idx %arg6[%add3A_91] : memref<12800xi32, #tpu.memory_space<vmem>>[vector<16xi32>], vector<16xi32>,
    %swap3A_93 = arith.constant 6448 : index
    %swap3A_94 = tpu.vector_load %arg7[%swap3A_93] {strides = array<i32>} : memref<12800xi32, #tpu.memory_space<vmem>>, vector<16xi32>,
    tpu.vector_store %arg7[%swap3A_93], %gather3A_92 {strides = array<i32>} : memref<12800xi32, #tpu.memory_space<vmem>>, vector<16xi32>,
    %add3A_95 = arith.constant 64 : i32
    %add3A_96 = vector.broadcast %add3A_95 : i32 to vector<16xi32>
    %add3A_97 = arith.addi %add3A_96, %iota3A : vector<16xi32>
    %mul3A_98 = arith.constant 50 : i32
    %mul3A_99 = vector.broadcast %mul3A_98 : i32 to vector<16xi32>
    %mul3A_100 = arith.muli %add3A_97, %mul3A_99 : vector<16xi32>
    %add3A_101 = arith.constant 0 : i32
    %add3A_102 = vector.broadcast %add3A_101 : i32 to vector<16xi32>
    %add3A_103 = arith.addi %mul3A_100, %add3A_102 : vector<16xi32>
    %mul3A_104 = arith.constant 2 : i32
    %mul3A_105 = vector.broadcast %mul3A_104 : i32 to vector<16xi32>
    %mul3A_106 = arith.muli %mul3A_105, %add3A_103 : vector<16xi32>
    %gather3A_107 = tpu.vector_load_idx %arg6[%mul3A_106] : memref<12800xi32, #tpu.memory_space<vmem>>[vector<16xi32>], vector<16xi32>,
    %swap3A_108 = arith.constant 64 : index
    %swap3A_109 = tpu.vector_load %arg7[%swap3A_108] {strides = array<i32>} : memref<12800xi32, #tpu.memory_space<vmem>>, vector<16xi32>,
    tpu.vector_store %arg7[%swap3A_108], %gather3A_107 {strides = array<i32>} : memref<12800xi32, #tpu.memory_space<vmem>>, vector<16xi32>,
    %mul3A_110 = arith.constant 2 : i32
    %mul3A_111 = vector.broadcast %mul3A_110 : i32 to vector<16xi32>
    %mul3A_112 = arith.muli %mul3A_111, %add3A_103 : vector<16xi32>
    %add3A_113 = arith.constant 1 : i32
    %add3A_114 = vector.broadcast %add3A_113 : i32 to vector<16xi32>
    %add3A_115 = arith.addi %mul3A_112, %add3A_114 : vector<16xi32>
    %gather3A_116 = tpu.vector_load_idx %arg6[%add3A_115] : memref<12800xi32, #tpu.memory_space<vmem>>[vector<16xi32>], vector<16xi32>,
    %swap3A_117 = arith.constant 6464 : index
    %swap3A_118 = tpu.vector_load %arg7[%swap3A_117] {strides = array<i32>} : memref<12800xi32, #tpu.memory_space<vmem>>, vector<16xi32>,
    tpu.vector_store %arg7[%swap3A_117], %gather3A_116 {strides = array<i32>} : memref<12800xi32, #tpu.memory_space<vmem>>, vector<16xi32>,
    %add3A_119 = arith.constant 80 : i32
    %add3A_120 = vector.broadcast %add3A_119 : i32 to vector<16xi32>
    %add3A_121 = arith.addi %add3A_120, %iota3A : vector<16xi32>
    %mul3A_122 = arith.constant 50 : i32
    %mul3A_123 = vector.broadcast %mul3A_122 : i32 to vector<16xi32>
    %mul3A_124 = arith.muli %add3A_121, %mul3A_123 : vector<16xi32>
    %add3A_125 = arith.constant 0 : i32
    %add3A_126 = vector.broadcast %add3A_125 : i32 to vector<16xi32>
    %add3A_127 = arith.addi %mul3A_124, %add3A_126 : vector<16xi32>
    %mul3A_128 = arith.constant 2 : i32
    %mul3A_129 = vector.broadcast %mul3A_128 : i32 to vector<16xi32>
    %mul3A_130 = arith.muli %mul3A_129, %add3A_127 : vector<16xi32>
    %gather3A_131 = tpu.vector_load_idx %arg6[%mul3A_130] : memref<12800xi32, #tpu.memory_space<vmem>>[vector<16xi32>], vector<16xi32>,
    %swap3A_132 = arith.constant 80 : index
    %swap3A_133 = tpu.vector_load %arg7[%swap3A_132] {strides = array<i32>} : memref<12800xi32, #tpu.memory_space<vmem>>, vector<16xi32>,
    tpu.vector_store %arg7[%swap3A_132], %gather3A_131 {strides = array<i32>} : memref<12800xi32, #tpu.memory_space<vmem>>, vector<16xi32>,
    %mul3A_134 = arith.constant 2 : i32
    %mul3A_135 = vector.broadcast %mul3A_134 : i32 to vector<16xi32>
    %mul3A_136 = arith.muli %mul3A_135, %add3A_127 : vector<16xi32>
    %add3A_137 = arith.constant 1 : i32
    %add3A_138 = vector.broadcast %add3A_137 : i32 to vector<16xi32>
    %add3A_139 = arith.addi %mul3A_136, %add3A_138 : vector<16xi32>
    %gather3A_140 = tpu.vector_load_idx %arg6[%add3A_139] : memref<12800xi32, #tpu.memory_space<vmem>>[vector<16xi32>], vector<16xi32>,
    %swap3A_141 = arith.constant 6480 : index
    %swap3A_142 = tpu.vector_load %arg7[%swap3A_141] {strides = array<i32>} : memref<12800xi32, #tpu.memory_space<vmem>>, vector<16xi32>,
    tpu.vector_store %arg7[%swap3A_141], %gather3A_140 {strides = array<i32>} : memref<12800xi32, #tpu.memory_space<vmem>>, vector<16xi32>,
    %add3A_143 = arith.constant 96 : i32
    %add3A_144 = vector.broadcast %add3A_143 : i32 to vector<16xi32>
    %add3A_145 = arith.addi %add3A_144, %iota3A : vector<16xi32>
    %mul3A_146 = arith.constant 50 : i32
    %mul3A_147 = vector.broadcast %mul3A_146 : i32 to vector<16xi32>
    %mul3A_148 = arith.muli %add3A_145, %mul3A_147 : vector<16xi32>
    %add3A_149 = arith.constant 0 : i32
    %add3A_150 = vector.broadcast %add3A_149 : i32 to vector<16xi32>
    %add3A_151 = arith.addi %mul3A_148, %add3A_150 : vector<16xi32>
    %mul3A_152 = arith.constant 2 : i32
    %mul3A_153 = vector.broadcast %mul3A_152 : i32 to vector<16xi32>
    %mul3A_154 = arith.muli %mul3A_153, %add3A_151 : vector<16xi32>
    %gather3A_155 = tpu.vector_load_idx %arg6[%mul3A_154] : memref<12800xi32, #tpu.memory_space<vmem>>[vector<16xi32>], vector<16xi32>,
    %swap3A_156 = arith.constant 96 : index
    %swap3A_157 = tpu.vector_load %arg7[%swap3A_156] {strides = array<i32>} : memref<12800xi32, #tpu.memory_space<vmem>>, vector<16xi32>,
    tpu.vector_store %arg7[%swap3A_156], %gather3A_155 {strides = array<i32>} : memref<12800xi32, #tpu.memory_space<vmem>>, vector<16xi32>,
    %mul3A_158 = arith.constant 2 : i32
    %mul3A_159 = vector.broadcast %mul3A_158 : i32 to vector<16xi32>
    %mul3A_160 = arith.muli %mul3A_159, %add3A_151 : vector<16xi32>
    %add3A_161 = arith.constant 1 : i32
    %add3A_162 = vector.broadcast %add3A_161 : i32 to vector<16xi32>
    %add3A_163 = arith.addi %mul3A_160, %add3A_162 : vector<16xi32>
    %gather3A_164 = tpu.vector_load_idx %arg6[%add3A_163] : memref<12800xi32, #tpu.memory_space<vmem>>[vector<16xi32>], vector<16xi32>,
    %swap3A_165 = arith.constant 6496 : index
    %swap3A_166 = tpu.vector_load %arg7[%swap3A_165] {strides = array<i32>} : memref<12800xi32, #tpu.memory_space<vmem>>, vector<16xi32>,
    tpu.vector_store %arg7[%swap3A_165], %gather3A_164 {strides = array<i32>} : memref<12800xi32, #tpu.memory_space<vmem>>, vector<16xi32>,
    %add3A_167 = arith.constant 112 : i32
    %add3A_168 = vector.broadcast %add3A_167 : i32 to vector<16xi32>
    %add3A_169 = arith.addi %add3A_168, %iota3A : vector<16xi32>
    %mul3A_170 = arith.constant 50 : i32
    %mul3A_171 = vector.broadcast %mul3A_170 : i32 to vector<16xi32>
    %mul3A_172 = arith.muli %add3A_169, %mul3A_171 : vector<16xi32>
    %add3A_173 = arith.constant 0 : i32
    %add3A_174 = vector.broadcast %add3A_173 : i32 to vector<16xi32>
    %add3A_175 = arith.addi %mul3A_172, %add3A_174 : vector<16xi32>
    %mul3A_176 = arith.constant 2 : i32
    %mul3A_177 = vector.broadcast %mul3A_176 : i32 to vector<16xi32>
    %mul3A_178 = arith.muli %mul3A_177, %add3A_175 : vector<16xi32>
    %gather3A_179 = tpu.vector_load_idx %arg6[%mul3A_178] : memref<12800xi32, #tpu.memory_space<vmem>>[vector<16xi32>], vector<16xi32>,
    %swap3A_180 = arith.constant 112 : index
    %swap3A_181 = tpu.vector_load %arg7[%swap3A_180] {strides = array<i32>} : memref<12800xi32, #tpu.memory_space<vmem>>, vector<16xi32>,
    tpu.vector_store %arg7[%swap3A_180], %gather3A_179 {strides = array<i32>} : memref<12800xi32, #tpu.memory_space<vmem>>, vector<16xi32>,
    %mul3A_182 = arith.constant 2 : i32
    %mul3A_183 = vector.broadcast %mul3A_182 : i32 to vector<16xi32>
    %mul3A_184 = arith.muli %mul3A_183, %add3A_175 : vector<16xi32>
    %add3A_185 = arith.constant 1 : i32
    %add3A_186 = vector.broadcast %add3A_185 : i32 to vector<16xi32>
    %add3A_187 = arith.addi %mul3A_184, %add3A_186 : vector<16xi32>
    %gather3A_188 = tpu.vector_load_idx %arg6[%add3A_187] : memref<12800xi32, #tpu.memory_space<vmem>>[vector<16xi32>], vector<16xi32>,
    %swap3A_189 = arith.constant 6512 : index
    %swap3A_190 = tpu.vector_load %arg7[%swap3A_189] {strides = array<i32>} : memref<12800xi32, #tpu.memory_space<vmem>>, vector<16xi32>,
    tpu.vector_store %arg7[%swap3A_189], %gather3A_188 {strides = array<i32>} : memref<12800xi32, #tpu.memory_space<vmem>>, vector<16xi32>,
    %dma_start3A = arith.constant 0 : i32
    %dma_start3A_191 = arith.constant 0 : i32
    %dma_start3A_192 = arith.constant 0 : i32
    %dma_start3A_193 = arith.constant 0 : i32
    %dma_start3A_194 = tpu.memref_slice %arg8[%dma_start3A, %dma_start3A_192, %dma_start3A_193] : memref<3x128x256xf32, #tpu.memory_space<vmem>> -> memref<1x128x128xf32, #tpu.memory_space<vmem>>
    %dma_start3A_195 = tpu.memref_squeeze %dma_start3A_194 : memref<1x128x128xf32, #tpu.memory_space<vmem>> -> memref<128x128xf32, #tpu.memory_space<vmem>>
    %dma_start3A_196 = arith.constant 0 : i32
    %dma_start3A_197 = tpu.memref_slice %arg7[%dma_start3A_196] : memref<12800xi32, #tpu.memory_space<vmem>> -> memref<128xi32, #tpu.memory_space<vmem>>
    %dma_start3A_198 = arith.constant 0 : i32
    %dma_start3A_199 = arith.constant 0 : i32
    %dma_start3A_200 = tpu.memref_slice %arg3[%dma_start3A_198, %dma_start3A_199] : memref<65536x128xf32, #tpu.memory_space<hbm>> -> memref<65536x128xf32, #tpu.memory_space<hbm>>
    %dma_start3A_201 = tpu.memref_slice %arg9[%dma_start3A_191] : memref<3x!tpu.dma_semaphore, #tpu.memory_space<semaphore_mem>> -> memref<1x!tpu.dma_semaphore, #tpu.memory_space<semaphore_mem>>
    %dma_start3A_202 = tpu.memref_squeeze %dma_start3A_201 : memref<1x!tpu.dma_semaphore, #tpu.memory_space<semaphore_mem>> -> memref<!tpu.dma_semaphore, #tpu.memory_space<semaphore_mem>>
    tpu.enqueue_indirect_dma source(%dma_start3A_200 : memref<65536x128xf32, #tpu.memory_space<hbm>>) target(%dma_start3A_195 : memref<128x128xf32, #tpu.memory_space<vmem>>) offsets(%dma_start3A_197 : memref<128xi32, #tpu.memory_space<vmem>>) semaphore(%dma_start3A_202 : memref<!tpu.dma_semaphore, #tpu.memory_space<semaphore_mem>>)
    %dma_start3A_203 = arith.constant 0 : i32
    %dma_start3A_204 = arith.constant 0 : i32
    %dma_start3A_205 = arith.constant 0 : i32
    %dma_start3A_206 = arith.constant 128 : i32
    %dma_start3A_207 = tpu.memref_slice %arg8[%dma_start3A_203, %dma_start3A_205, %dma_start3A_206] : memref<3x128x256xf32, #tpu.memory_space<vmem>> -> memref<1x128x128xf32, #tpu.memory_space<vmem>>
    %dma_start3A_208 = tpu.memref_squeeze %dma_start3A_207 : memref<1x128x128xf32, #tpu.memory_space<vmem>> -> memref<128x128xf32, #tpu.memory_space<vmem>>
    %dma_start3A_209 = arith.constant 6400 : i32
    %dma_start3A_210 = tpu.memref_slice %arg7[%dma_start3A_209] : memref<12800xi32, #tpu.memory_space<vmem>> -> memref<128xi32, #tpu.memory_space<vmem>>
    %dma_start3A_211 = arith.constant 0 : i32
    %dma_start3A_212 = arith.constant 0 : i32
    %dma_start3A_213 = tpu.memref_slice %arg4[%dma_start3A_211, %dma_start3A_212] : memref<65536x128xf32, #tpu.memory_space<hbm>> -> memref<65536x128xf32, #tpu.memory_space<hbm>>
    %dma_start3A_214 = tpu.memref_slice %arg9[%dma_start3A_204] : memref<3x!tpu.dma_semaphore, #tpu.memory_space<semaphore_mem>> -> memref<1x!tpu.dma_semaphore, #tpu.memory_space<semaphore_mem>>
    %dma_start3A_215 = tpu.memref_squeeze %dma_start3A_214 : memref<1x!tpu.dma_semaphore, #tpu.memory_space<semaphore_mem>> -> memref<!tpu.dma_semaphore, #tpu.memory_space<semaphore_mem>>
    tpu.enqueue_indirect_dma source(%dma_start3A_213 : memref<65536x128xf32, #tpu.memory_space<hbm>>) target(%dma_start3A_208 : memref<128x128xf32, #tpu.memory_space<vmem>>) offsets(%dma_start3A_210 : memref<128xi32, #tpu.memory_space<vmem>>) semaphore(%dma_start3A_215 : memref<!tpu.dma_semaphore, #tpu.memory_space<semaphore_mem>>)
    %add3A_216 = arith.constant 0 : i32
    %add3A_217 = vector.broadcast %add3A_216 : i32 to vector<16xi32>
    %add3A_218 = arith.addi %add3A_217, %iota3A : vector<16xi32>
    %mul3A_219 = arith.constant 50 : i32
    %mul3A_220 = vector.broadcast %mul3A_219 : i32 to vector<16xi32>
    %mul3A_221 = arith.muli %add3A_218, %mul3A_220 : vector<16xi32>
    %add3A_222 = arith.constant 1 : i32
    %add3A_223 = vector.broadcast %add3A_222 : i32 to vector<16xi32>
    %add3A_224 = arith.addi %mul3A_221, %add3A_223 : vector<16xi32>
    %mul3A_225 = arith.constant 2 : i32
    %mul3A_226 = vector.broadcast %mul3A_225 : i32 to vector<16xi32>
    %mul3A_227 = arith.muli %mul3A_226, %add3A_224 : vector<16xi32>
    %gather3A_228 = tpu.vector_load_idx %arg6[%mul3A_227] : memref<12800xi32, #tpu.memory_space<vmem>>[vector<16xi32>], vector<16xi32>,
    %swap3A_229 = arith.constant 128 : index
    %swap3A_230 = tpu.vector_load %arg7[%swap3A_229] {strides = array<i32>} : memref<12800xi32, #tpu.memory_space<vmem>>, vector<16xi32>,
    tpu.vector_store %arg7[%swap3A_229], %gather3A_228 {strides = array<i32>} : memref<12800xi32, #tpu.memory_space<vmem>>, vector<16xi32>,
    %mul3A_231 = arith.constant 2 : i32
    %mul3A_232 = vector.broadcast %mul3A_231 : i32 to vector<16xi32>
    %mul3A_233 = arith.muli %mul3A_232, %add3A_224 : vector<16xi32>
    %add3A_234 = arith.constant 1 : i32
    %add3A_235 = vector.broadcast %add3A_234 : i32 to vector<16xi32>
    %add3A_236 = arith.addi %mul3A_233, %add3A_235 : vector<16xi32>
    %gather3A_237 = tpu.vector_load_idx %arg6[%add3A_236] : memref<12800xi32, #tpu.memory_space<vmem>>[vector<16xi32>], vector<16xi32>,
    %swap3A_238 = arith.constant 6528 : index
    %swap3A_239 = tpu.vector_load %arg7[%swap3A_238] {strides = array<i32>} : memref<12800xi32, #tpu.memory_space<vmem>>, vector<16xi32>,
    tpu.vector_store %arg7[%swap3A_238], %gather3A_237 {strides = array<i32>} : memref<12800xi32, #tpu.memory_space<vmem>>, vector<16xi32>,
    %add3A_240 = arith.constant 16 : i32
    %add3A_241 = vector.broadcast %add3A_240 : i32 to vector<16xi32>
    %add3A_242 = arith.addi %add3A_241, %iota3A : vector<16xi32>
    %mul3A_243 = arith.constant 50 : i32
    %mul3A_244 = vector.broadcast %mul3A_243 : i32 to vector<16xi32>
    %mul3A_245 = arith.muli %add3A_242, %mul3A_244 : vector<16xi32>
    %add3A_246 = arith.constant 1 : i32
    %add3A_247 = vector.broadcast %add3A_246 : i32 to vector<16xi32>
    %add3A_248 = arith.addi %mul3A_245, %add3A_247 : vector<16xi32>
    %mul3A_249 = arith.constant 2 : i32
    %mul3A_250 = vector.broadcast %mul3A_249 : i32 to vector<16xi32>
    %mul3A_251 = arith.muli %mul3A_250, %add3A_248 : vector<16xi32>
    %gather3A_252 = tpu.vector_load_idx %arg6[%mul3A_251] : memref<12800xi32, #tpu.memory_space<vmem>>[vector<16xi32>], vector<16xi32>,
    %swap3A_253 = arith.constant 144 : index
    %swap3A_254 = tpu.vector_load %arg7[%swap3A_253] {strides = array<i32>} : memref<12800xi32, #tpu.memory_space<vmem>>, vector<16xi32>,
    tpu.vector_store %arg7[%swap3A_253], %gather3A_252 {strides = array<i32>} : memref<12800xi32, #tpu.memory_space<vmem>>, vector<16xi32>,
    %mul3A_255 = arith.constant 2 : i32
    %mul3A_256 = vector.broadcast %mul3A_255 : i32 to vector<16xi32>
    %mul3A_257 = arith.muli %mul3A_256, %add3A_248 : vector<16xi32>
    %add3A_258 = arith.constant 1 : i32
    %add3A_259 = vector.broadcast %add3A_258 : i32 to vector<16xi32>
    %add3A_260 = arith.addi %mul3A_257, %add3A_259 : vector<16xi32>
    %gather3A_261 = tpu.vector_load_idx %arg6[%add3A_260] : memref<12800xi32, #tpu.memory_space<vmem>>[vector<16xi32>], vector<16xi32>,
    %swap3A_262 = arith.constant 6544 : index
    %swap3A_263 = tpu.vector_load %arg7[%swap3A_262] {strides = array<i32>} : memref<12800xi32, #tpu.memory_space<vmem>>, vector<16xi32>,
    tpu.vector_store %arg7[%swap3A_262], %gather3A_261 {strides = array<i32>} : memref<12800xi32, #tpu.memory_space<vmem>>, vector<16xi32>,
    %add3A_264 = arith.constant 32 : i32
    %add3A_265 = vector.broadcast %add3A_264 : i32 to vector<16xi32>
    %add3A_266 = arith.addi %add3A_265, %iota3A : vector<16xi32>
    %mul3A_267 = arith.constant 50 : i32
    %mul3A_268 = vector.broadcast %mul3A_267 : i32 to vector<16xi32>
    %mul3A_269 = arith.muli %add3A_266, %mul3A_268 : vector<16xi32>
    %add3A_270 = arith.constant 1 : i32
    %add3A_271 = vector.broadcast %add3A_270 : i32 to vector<16xi32>
    %add3A_272 = arith.addi %mul3A_269, %add3A_271 : vector<16xi32>
    %mul3A_273 = arith.constant 2 : i32
    %mul3A_274 = vector.broadcast %mul3A_273 : i32 to vector<16xi32>
    %mul3A_275 = arith.muli %mul3A_274, %add3A_272 : vector<16xi32>
    %gather3A_276 = tpu.vector_load_idx %arg6[%mul3A_275] : memref<12800xi32, #tpu.memory_space<vmem>>[vector<16xi32>], vector<16xi32>,
    %swap3A_277 = arith.constant 160 : index
    %swap3A_278 = tpu.vector_load %arg7[%swap3A_277] {strides = array<i32>} : memref<12800xi32, #tpu.memory_space<vmem>>, vector<16xi32>,
    tpu.vector_store %arg7[%swap3A_277], %gather3A_276 {strides = array<i32>} : memref<12800xi32, #tpu.memory_space<vmem>>, vector<16xi32>,
    %mul3A_279 = arith.constant 2 : i32
    %mul3A_280 = vector.broadcast %mul3A_279 : i32 to vector<16xi32>
    %mul3A_281 = arith.muli %mul3A_280, %add3A_272 : vector<16xi32>
    %add3A_282 = arith.constant 1 : i32
    %add3A_283 = vector.broadcast %add3A_282 : i32 to vector<16xi32>
    %add3A_284 = arith.addi %mul3A_281, %add3A_283 : vector<16xi32>
    %gather3A_285 = tpu.vector_load_idx %arg6[%add3A_284] : memref<12800xi32, #tpu.memory_space<vmem>>[vector<16xi32>], vector<16xi32>,
    %swap3A_286 = arith.constant 6560 : index
    %swap3A_287 = tpu.vector_load %arg7[%swap3A_286] {strides = array<i32>} : memref<12800xi32, #tpu.memory_space<vmem>>, vector<16xi32>,
    tpu.vector_store %arg7[%swap3A_286], %gather3A_285 {strides = array<i32>} : memref<12800xi32, #tpu.memory_space<vmem>>, vector<16xi32>,
    %add3A_288 = arith.constant 48 : i32
    %add3A_289 = vector.broadcast %add3A_288 : i32 to vector<16xi32>
    %add3A_290 = arith.addi %add3A_289, %iota3A : vector<16xi32>
    %mul3A_291 = arith.constant 50 : i32
    %mul3A_292 = vector.broadcast %mul3A_291 : i32 to vector<16xi32>
    %mul3A_293 = arith.muli %add3A_290, %mul3A_292 : vector<16xi32>
    %add3A_294 = arith.constant 1 : i32
    %add3A_295 = vector.broadcast %add3A_294 : i32 to vector<16xi32>
    %add3A_296 = arith.addi %mul3A_293, %add3A_295 : vector<16xi32>
    %mul3A_297 = arith.constant 2 : i32
    %mul3A_298 = vector.broadcast %mul3A_297 : i32 to vector<16xi32>
    %mul3A_299 = arith.muli %mul3A_298, %add3A_296 : vector<16xi32>
    %gather3A_300 = tpu.vector_load_idx %arg6[%mul3A_299] : memref<12800xi32, #tpu.memory_space<vmem>>[vector<16xi32>], vector<16xi32>,
    %swap3A_301 = arith.constant 176 : index
    %swap3A_302 = tpu.vector_load %arg7[%swap3A_301] {strides = array<i32>} : memref<12800xi32, #tpu.memory_space<vmem>>, vector<16xi32>,
    tpu.vector_store %arg7[%swap3A_301], %gather3A_300 {strides = array<i32>} : memref<12800xi32, #tpu.memory_space<vmem>>, vector<16xi32>,
    %mul3A_303 = arith.constant 2 : i32
    %mul3A_304 = vector.broadcast %mul3A_303 : i32 to vector<16xi32>
    %mul3A_305 = arith.muli %mul3A_304, %add3A_296 : vector<16xi32>
    %add3A_306 = arith.constant 1 : i32
    %add3A_307 = vector.broadcast %add3A_306 : i32 to vector<16xi32>
    %add3A_308 = arith.addi %mul3A_305, %add3A_307 : vector<16xi32>
    %gather3A_309 = tpu.vector_load_idx %arg6[%add3A_308] : memref<12800xi32, #tpu.memory_space<vmem>>[vector<16xi32>], vector<16xi32>,
    %swap3A_310 = arith.constant 6576 : index
    %swap3A_311 = tpu.vector_load %arg7[%swap3A_310] {strides = array<i32>} : memref<12800xi32, #tpu.memory_space<vmem>>, vector<16xi32>,
    tpu.vector_store %arg7[%swap3A_310], %gather3A_309 {strides = array<i32>} : memref<12800xi32, #tpu.memory_space<vmem>>, vector<16xi32>,
    %add3A_312 = arith.constant 64 : i32
    %add3A_313 = vector.broadcast %add3A_312 : i32 to vector<16xi32>
    %add3A_314 = arith.addi %add3A_313, %iota3A : vector<16xi32>
    %mul3A_315 = arith.constant 50 : i32
    %mul3A_316 = vector.broadcast %mul3A_315 : i32 to vector<16xi32>
    %mul3A_317 = arith.muli %add3A_314, %mul3A_316 : vector<16xi32>
    %add3A_318 = arith.constant 1 : i32
    %add3A_319 = vector.broadcast %add3A_318 : i32 to vector<16xi32>
    %add3A_320 = arith.addi %mul3A_317, %add3A_319 : vector<16xi32>
    %mul3A_321 = arith.constant 2 : i32
    %mul3A_322 = vector.broadcast %mul3A_321 : i32 to vector<16xi32>
    %mul3A_323 = arith.muli %mul3A_322, %add3A_320 : vector<16xi32>
    %gather3A_324 = tpu.vector_load_idx %arg6[%mul3A_323] : memref<12800xi32, #tpu.memory_space<vmem>>[vector<16xi32>], vector<16xi32>,
    %swap3A_325 = arith.constant 192 : index
    %swap3A_326 = tpu.vector_load %arg7[%swap3A_325] {strides = array<i32>} : memref<12800xi32, #tpu.memory_space<vmem>>, vector<16xi32>,
    tpu.vector_store %arg7[%swap3A_325], %gather3A_324 {strides = array<i32>} : memref<12800xi32, #tpu.memory_space<vmem>>, vector<16xi32>,
    %mul3A_327 = arith.constant 2 : i32
    %mul3A_328 = vector.broadcast %mul3A_327 : i32 to vector<16xi32>
    %mul3A_329 = arith.muli %mul3A_328, %add3A_320 : vector<16xi32>
    %add3A_330 = arith.constant 1 : i32
    %add3A_331 = vector.broadcast %add3A_330 : i32 to vector<16xi32>
    %add3A_332 = arith.addi %mul3A_329, %add3A_331 : vector<16xi32>
    %gather3A_333 = tpu.vector_load_idx %arg6[%add3A_332] : memref<12800xi32, #tpu.memory_space<vmem>>[vector<16xi32>], vector<16xi32>,
    %swap3A_334 = arith.constant 6592 : index
    %swap3A_335 = tpu.vector_load %arg7[%swap3A_334] {strides = array<i32>} : memref<12800xi32, #tpu.memory_space<vmem>>, vector<16xi32>,
    tpu.vector_store %arg7[%swap3A_334], %gather3A_333 {strides = array<i32>} : memref<12800xi32, #tpu.memory_space<vmem>>, vector<16xi32>,
    %add3A_336 = arith.constant 80 : i32
    %add3A_337 = vector.broadcast %add3A_336 : i32 to vector<16xi32>
    %add3A_338 = arith.addi %add3A_337, %iota3A : vector<16xi32>
    %mul3A_339 = arith.constant 50 : i32
    %mul3A_340 = vector.broadcast %mul3A_339 : i32 to vector<16xi32>
    %mul3A_341 = arith.muli %add3A_338, %mul3A_340 : vector<16xi32>
    %add3A_342 = arith.constant 1 : i32
    %add3A_343 = vector.broadcast %add3A_342 : i32 to vector<16xi32>
    %add3A_344 = arith.addi %mul3A_341, %add3A_343 : vector<16xi32>
    %mul3A_345 = arith.constant 2 : i32
    %mul3A_346 = vector.broadcast %mul3A_345 : i32 to vector<16xi32>
    %mul3A_347 = arith.muli %mul3A_346, %add3A_344 : vector<16xi32>
    %gather3A_348 = tpu.vector_load_idx %arg6[%mul3A_347] : memref<12800xi32, #tpu.memory_space<vmem>>[vector<16xi32>], vector<16xi32>,
    %swap3A_349 = arith.constant 208 : index
    %swap3A_350 = tpu.vector_load %arg7[%swap3A_349] {strides = array<i32>} : memref<12800xi32, #tpu.memory_space<vmem>>, vector<16xi32>,
    tpu.vector_store %arg7[%swap3A_349], %gather3A_348 {strides = array<i32>} : memref<12800xi32, #tpu.memory_space<vmem>>, vector<16xi32>,
    %mul3A_351 = arith.constant 2 : i32
    %mul3A_352 = vector.broadcast %mul3A_351 : i32 to vector<16xi32>
    %mul3A_353 = arith.muli %mul3A_352, %add3A_344 : vector<16xi32>
    %add3A_354 = arith.constant 1 : i32
    %add3A_355 = vector.broadcast %add3A_354 : i32 to vector<16xi32>
    %add3A_356 = arith.addi %mul3A_353, %add3A_355 : vector<16xi32>
    %gather3A_357 = tpu.vector_load_idx %arg6[%add3A_356] : memref<12800xi32, #tpu.memory_space<vmem>>[vector<16xi32>], vector<16xi32>,
    %swap3A_358 = arith.constant 6608 : index
    %swap3A_359 = tpu.vector_load %arg7[%swap3A_358] {strides = array<i32>} : memref<12800xi32, #tpu.memory_space<vmem>>, vector<16xi32>,
    tpu.vector_store %arg7[%swap3A_358], %gather3A_357 {strides = array<i32>} : memref<12800xi32, #tpu.memory_space<vmem>>, vector<16xi32>,
    %add3A_360 = arith.constant 96 : i32
    %add3A_361 = vector.broadcast %add3A_360 : i32 to vector<16xi32>
    %add3A_362 = arith.addi %add3A_361, %iota3A : vector<16xi32>
    %mul3A_363 = arith.constant 50 : i32
    %mul3A_364 = vector.broadcast %mul3A_363 : i32 to vector<16xi32>
    %mul3A_365 = arith.muli %add3A_362, %mul3A_364 : vector<16xi32>
    %add3A_366 = arith.constant 1 : i32
    %add3A_367 = vector.broadcast %add3A_366 : i32 to vector<16xi32>
    %add3A_368 = arith.addi %mul3A_365, %add3A_367 : vector<16xi32>
    %mul3A_369 = arith.constant 2 : i32
    %mul3A_370 = vector.broadcast %mul3A_369 : i32 to vector<16xi32>
    %mul3A_371 = arith.muli %mul3A_370, %add3A_368 : vector<16xi32>
    %gather3A_372 = tpu.vector_load_idx %arg6[%mul3A_371] : memref<12800xi32, #tpu.memory_space<vmem>>[vector<16xi32>], vector<16xi32>,
    %swap3A_373 = arith.constant 224 : index
    %swap3A_374 = tpu.vector_load %arg7[%swap3A_373] {strides = array<i32>} : memref<12800xi32, #tpu.memory_space<vmem>>, vector<16xi32>,
    tpu.vector_store %arg7[%swap3A_373], %gather3A_372 {strides = array<i32>} : memref<12800xi32, #tpu.memory_space<vmem>>, vector<16xi32>,
    %mul3A_375 = arith.constant 2 : i32
    %mul3A_376 = vector.broadcast %mul3A_375 : i32 to vector<16xi32>
    %mul3A_377 = arith.muli %mul3A_376, %add3A_368 : vector<16xi32>
    %add3A_378 = arith.constant 1 : i32
    %add3A_379 = vector.broadcast %add3A_378 : i32 to vector<16xi32>
    %add3A_380 = arith.addi %mul3A_377, %add3A_379 : vector<16xi32>
    %gather3A_381 = tpu.vector_load_idx %arg6[%add3A_380] : memref<12800xi32, #tpu.memory_space<vmem>>[vector<16xi32>], vector<16xi32>,
    %swap3A_382 = arith.constant 6624 : index
    %swap3A_383 = tpu.vector_load %arg7[%swap3A_382] {strides = array<i32>} : memref<12800xi32, #tpu.memory_space<vmem>>, vector<16xi32>,
    tpu.vector_store %arg7[%swap3A_382], %gather3A_381 {strides = array<i32>} : memref<12800xi32, #tpu.memory_space<vmem>>, vector<16xi32>,
    %add3A_384 = arith.constant 112 : i32
    %add3A_385 = vector.broadcast %add3A_384 : i32 to vector<16xi32>
    %add3A_386 = arith.addi %add3A_385, %iota3A : vector<16xi32>
    %mul3A_387 = arith.constant 50 : i32
    %mul3A_388 = vector.broadcast %mul3A_387 : i32 to vector<16xi32>
    %mul3A_389 = arith.muli %add3A_386, %mul3A_388 : vector<16xi32>
    %add3A_390 = arith.constant 1 : i32
    %add3A_391 = vector.broadcast %add3A_390 : i32 to vector<16xi32>
    %add3A_392 = arith.addi %mul3A_389, %add3A_391 : vector<16xi32>
    %mul3A_393 = arith.constant 2 : i32
    %mul3A_394 = vector.broadcast %mul3A_393 : i32 to vector<16xi32>
    %mul3A_395 = arith.muli %mul3A_394, %add3A_392 : vector<16xi32>
    %gather3A_396 = tpu.vector_load_idx %arg6[%mul3A_395] : memref<12800xi32, #tpu.memory_space<vmem>>[vector<16xi32>], vector<16xi32>,
    %swap3A_397 = arith.constant 240 : index
    %swap3A_398 = tpu.vector_load %arg7[%swap3A_397] {strides = array<i32>} : memref<12800xi32, #tpu.memory_space<vmem>>, vector<16xi32>,
    tpu.vector_store %arg7[%swap3A_397], %gather3A_396 {strides = array<i32>} : memref<12800xi32, #tpu.memory_space<vmem>>, vector<16xi32>,
    %mul3A_399 = arith.constant 2 : i32
    %mul3A_400 = vector.broadcast %mul3A_399 : i32 to vector<16xi32>
    %mul3A_401 = arith.muli %mul3A_400, %add3A_392 : vector<16xi32>
    %add3A_402 = arith.constant 1 : i32
    %add3A_403 = vector.broadcast %add3A_402 : i32 to vector<16xi32>
    %add3A_404 = arith.addi %mul3A_401, %add3A_403 : vector<16xi32>
    %gather3A_405 = tpu.vector_load_idx %arg6[%add3A_404] : memref<12800xi32, #tpu.memory_space<vmem>>[vector<16xi32>], vector<16xi32>,
    %swap3A_406 = arith.constant 6640 : index
    %swap3A_407 = tpu.vector_load %arg7[%swap3A_406] {strides = array<i32>} : memref<12800xi32, #tpu.memory_space<vmem>>, vector<16xi32>,
    tpu.vector_store %arg7[%swap3A_406], %gather3A_405 {strides = array<i32>} : memref<12800xi32, #tpu.memory_space<vmem>>, vector<16xi32>,
    %dma_start3A_408 = arith.constant 1 : i32
    %dma_start3A_409 = arith.constant 1 : i32
    %dma_start3A_410 = arith.constant 0 : i32
    %dma_start3A_411 = arith.constant 0 : i32
    %dma_start3A_412 = tpu.memref_slice %arg8[%dma_start3A_408, %dma_start3A_410, %dma_start3A_411] : memref<3x128x256xf32, #tpu.memory_space<vmem>> -> memref<1x128x128xf32, #tpu.memory_space<vmem>>
    %dma_start3A_413 = tpu.memref_squeeze %dma_start3A_412 : memref<1x128x128xf32, #tpu.memory_space<vmem>> -> memref<128x128xf32, #tpu.memory_space<vmem>>
    %dma_start3A_414 = arith.constant 128 : i32
    %dma_start3A_415 = tpu.memref_slice %arg7[%dma_start3A_414] : memref<12800xi32, #tpu.memory_space<vmem>> -> memref<128xi32, #tpu.memory_space<vmem>>
    %dma_start3A_416 = arith.constant 0 : i32
    %dma_start3A_417 = arith.constant 0 : i32
    %dma_start3A_418 = tpu.memref_slice %arg3[%dma_start3A_416, %dma_start3A_417] : memref<65536x128xf32, #tpu.memory_space<hbm>> -> memref<65536x128xf32, #tpu.memory_space<hbm>>
    %dma_start3A_419 = tpu.memref_slice %arg9[%dma_start3A_409] : memref<3x!tpu.dma_semaphore, #tpu.memory_space<semaphore_mem>> -> memref<1x!tpu.dma_semaphore, #tpu.memory_space<semaphore_mem>>
    %dma_start3A_420 = tpu.memref_squeeze %dma_start3A_419 : memref<1x!tpu.dma_semaphore, #tpu.memory_space<semaphore_mem>> -> memref<!tpu.dma_semaphore, #tpu.memory_space<semaphore_mem>>
    tpu.enqueue_indirect_dma source(%dma_start3A_418 : memref<65536x128xf32, #tpu.memory_space<hbm>>) target(%dma_start3A_413 : memref<128x128xf32, #tpu.memory_space<vmem>>) offsets(%dma_start3A_415 : memref<128xi32, #tpu.memory_space<vmem>>) semaphore(%dma_start3A_420 : memref<!tpu.dma_semaphore, #tpu.memory_space<semaphore_mem>>)
    %dma_start3A_421 = arith.constant 1 : i32
    %dma_start3A_422 = arith.constant 1 : i32
    %dma_start3A_423 = arith.constant 0 : i32
    %dma_start3A_424 = arith.constant 128 : i32
    %dma_start3A_425 = tpu.memref_slice %arg8[%dma_start3A_421, %dma_start3A_423, %dma_start3A_424] : memref<3x128x256xf32, #tpu.memory_space<vmem>> -> memref<1x128x128xf32, #tpu.memory_space<vmem>>
    %dma_start3A_426 = tpu.memref_squeeze %dma_start3A_425 : memref<1x128x128xf32, #tpu.memory_space<vmem>> -> memref<128x128xf32, #tpu.memory_space<vmem>>
    %dma_start3A_427 = arith.constant 6528 : i32
    %dma_start3A_428 = tpu.memref_slice %arg7[%dma_start3A_427] : memref<12800xi32, #tpu.memory_space<vmem>> -> memref<128xi32, #tpu.memory_space<vmem>>
    %dma_start3A_429 = arith.constant 0 : i32
    %dma_start3A_430 = arith.constant 0 : i32
    %dma_start3A_431 = tpu.memref_slice %arg4[%dma_start3A_429, %dma_start3A_430] : memref<65536x128xf32, #tpu.memory_space<hbm>> -> memref<65536x128xf32, #tpu.memory_space<hbm>>
    %dma_start3A_432 = tpu.memref_slice %arg9[%dma_start3A_422] : memref<3x!tpu.dma_semaphore, #tpu.memory_space<semaphore_mem>> -> memref<1x!tpu.dma_semaphore, #tpu.memory_space<semaphore_mem>>
    %dma_start3A_433 = tpu.memref_squeeze %dma_start3A_432 : memref<1x!tpu.dma_semaphore, #tpu.memory_space<semaphore_mem>> -> memref<!tpu.dma_semaphore, #tpu.memory_space<semaphore_mem>>
    tpu.enqueue_indirect_dma source(%dma_start3A_431 : memref<65536x128xf32, #tpu.memory_space<hbm>>) target(%dma_start3A_426 : memref<128x128xf32, #tpu.memory_space<vmem>>) offsets(%dma_start3A_428 : memref<128xi32, #tpu.memory_space<vmem>>) semaphore(%dma_start3A_433 : memref<!tpu.dma_semaphore, #tpu.memory_space<semaphore_mem>>)
    %scan3A = arith.constant 0 : i32
    %scan3A_434 = arith.constant 16 : i32
    %scan3A_435 = arith.addi %scan3A, %scan3A_434 : i32
    %scan3A_436 = arith.constant 1 : i32
    scf.for %scan3A_594 = %scan3A to %scan3A_435 step %scan3A_436  : i32 {
      %mul3A_595 = arith.constant 3 : i32
      %mul3A_596 = arith.muli %scan3A_594, %mul3A_595 : i32
      %add3A_597 = arith.constant 0 : i32
      %add3A_598 = arith.addi %add3A_597, %mul3A_596 : i32
      %add3A_599 = arith.constant 0 : i32
      %add3A_600 = arith.addi %add3A_598, %add3A_599 : i32
      %ge3A = arith.constant 1 : i32
      %ge3A_601 = arith.cmpi sge, %add3A_600, %ge3A : i32
      %convert_element_type3A = arith.extui %ge3A_601 : i1 to i32
      %cond3A = arith.constant 0 : i32
      %cond3A_602 = arith.cmpi ne, %convert_element_type3A, %cond3A : i32
      scf.if %cond3A_602 {
        %dma_wait3A_780 = arith.constant 2 : i32
        %dma_wait3A_781 = arith.constant 0 : i32
        %dma_wait3A_782 = arith.constant 2 : i32
        %dma_wait3A_783 = arith.constant 0 : i32
        %dma_wait3A_784 = arith.constant 0 : i32
        %dma_wait3A_785 = tpu.memref_slice %arg8[%dma_wait3A_780, %dma_wait3A_783, %dma_wait3A_784] : memref<3x128x256xf32, #tpu.memory_space<vmem>> -> memref<1x128x256xf32, #tpu.memory_space<vmem>>
        %dma_wait3A_786 = tpu.memref_squeeze %dma_wait3A_785 : memref<1x128x256xf32, #tpu.memory_space<vmem>> -> memref<128x256xf32, #tpu.memory_space<vmem>>
        %dma_wait3A_787 = arith.constant 0 : i32
        %dma_wait3A_788 = arith.constant 0 : i32
        %dma_wait3A_789 = tpu.memref_slice %arg5[%dma_wait3A_781, %dma_wait3A_787, %dma_wait3A_788] : memref<50x4096x256xf32, #tpu.memory_space<hbm>> -> memref<1x128x256xf32, #tpu.memory_space<hbm>>
        %dma_wait3A_790 = tpu.memref_squeeze %dma_wait3A_789 : memref<1x128x256xf32, #tpu.memory_space<hbm>> -> memref<128x256xf32, #tpu.memory_space<hbm>>
        %dma_wait3A_791 = tpu.memref_slice %arg10[%dma_wait3A_782] : memref<3x!tpu.dma_semaphore, #tpu.memory_space<semaphore_mem>> -> memref<1x!tpu.dma_semaphore, #tpu.memory_space<semaphore_mem>>
        %dma_wait3A_792 = tpu.memref_squeeze %dma_wait3A_791 : memref<1x!tpu.dma_semaphore, #tpu.memory_space<semaphore_mem>> -> memref<!tpu.dma_semaphore, #tpu.memory_space<semaphore_mem>>
        %dma_wait3A_793 = arith.constant 0 : i32
        %dma_wait3A_794 = arith.constant 0 : i32
        %dma_wait3A_795 = tpu.memref_slice %arg5[%dma_wait3A_781, %dma_wait3A_793, %dma_wait3A_794] : memref<50x4096x256xf32, #tpu.memory_space<hbm>> -> memref<1x128x256xf32, #tpu.memory_space<hbm>>
        %dma_wait3A_796 = tpu.memref_squeeze %dma_wait3A_795 : memref<1x128x256xf32, #tpu.memory_space<hbm>> -> memref<128x256xf32, #tpu.memory_space<hbm>>
        %dma_wait3A_797 = arith.constant 0 : i32
        %dma_wait3A_798 = arith.constant 0 : i32
        %dma_wait3A_799 = tpu.memref_slice %arg8[%dma_wait3A_780, %dma_wait3A_797, %dma_wait3A_798] : memref<3x128x256xf32, #tpu.memory_space<vmem>> -> memref<1x128x256xf32, #tpu.memory_space<vmem>>
        %dma_wait3A_800 = tpu.memref_squeeze %dma_wait3A_799 : memref<1x128x256xf32, #tpu.memory_space<vmem>> -> memref<128x256xf32, #tpu.memory_space<vmem>>
        tpu.wait_dma2 semaphore(%dma_wait3A_792 : memref<!tpu.dma_semaphore, #tpu.memory_space<semaphore_mem>>) src(%dma_wait3A_800 : memref<128x256xf32, #tpu.memory_space<vmem>>) dst(%dma_wait3A_796 : memref<128x256xf32, #tpu.memory_space<hbm>>)
      } else {
      }
      %add3A_603 = arith.constant 3 : i32
      %add3A_604 = arith.addi %add3A_600, %add3A_603 : i32
      %sub3A = arith.constant 1 : i32
      %sub3A_605 = arith.subi %add3A_604, %sub3A : i32
      %lt3A = arith.constant 50 : i32
      %lt3A_606 = arith.cmpi slt, %sub3A_605, %lt3A : i32
      %convert_element_type3A_607 = arith.extui %lt3A_606 : i1 to i32
      %cond3A_608 = arith.constant 0 : i32
      %cond3A_609 = arith.cmpi ne, %convert_element_type3A_607, %cond3A_608 : i32
      scf.if %cond3A_609 {
        %add3A_780 = arith.constant 3 : i32
        %add3A_781 = arith.addi %add3A_600, %add3A_780 : i32
        %sub3A_782 = arith.constant 1 : i32
        %sub3A_783 = arith.subi %add3A_781, %sub3A_782 : i32
        %add3A_784 = arith.constant 0 : i32
        %add3A_785 = vector.broadcast %add3A_784 : i32 to vector<16xi32>
        %add3A_786 = arith.addi %add3A_785, %iota3A : vector<16xi32>
        %mul3A_787 = arith.constant 50 : i32
        %mul3A_788 = vector.broadcast %mul3A_787 : i32 to vector<16xi32>
        %mul3A_789 = arith.muli %add3A_786, %mul3A_788 : vector<16xi32>
        %add3A_790 = vector.broadcast %sub3A_783 : i32 to vector<16xi32>
        %add3A_791 = arith.addi %mul3A_789, %add3A_790 : vector<16xi32>
        %mul3A_792 = arith.constant 2 : i32
        %mul3A_793 = vector.broadcast %mul3A_792 : i32 to vector<16xi32>
        %mul3A_794 = arith.muli %mul3A_793, %add3A_791 : vector<16xi32>
        %gather3A_795 = tpu.vector_load_idx %arg6[%mul3A_794] : memref<12800xi32, #tpu.memory_space<vmem>>[vector<16xi32>], vector<16xi32>,
        %mul3A_796 = arith.constant 128 : i32
        %mul3A_797 = arith.muli %sub3A_783, %mul3A_796 : i32
        %add3A_798 = arith.constant 0 : i32
        %add3A_799 = arith.addi %mul3A_797, %add3A_798 : i32
        %swap3A_800 = arith.index_cast %add3A_799 : i32 to index
        %swap3A_801 = tpu.vector_load %arg7[%swap3A_800] {strides = array<i32>} : memref<12800xi32, #tpu.memory_space<vmem>>, vector<16xi32>,
        tpu.vector_store %arg7[%swap3A_800], %gather3A_795 {strides = array<i32>} : memref<12800xi32, #tpu.memory_space<vmem>>, vector<16xi32>,
        %mul3A_802 = arith.constant 2 : i32
        %mul3A_803 = vector.broadcast %mul3A_802 : i32 to vector<16xi32>
        %mul3A_804 = arith.muli %mul3A_803, %add3A_791 : vector<16xi32>
        %add3A_805 = arith.constant 1 : i32
        %add3A_806 = vector.broadcast %add3A_805 : i32 to vector<16xi32>
        %add3A_807 = arith.addi %mul3A_804, %add3A_806 : vector<16xi32>
        %gather3A_808 = tpu.vector_load_idx %arg6[%add3A_807] : memref<12800xi32, #tpu.memory_space<vmem>>[vector<16xi32>], vector<16xi32>,
        %mul3A_809 = arith.constant 128 : i32
        %mul3A_810 = arith.muli %sub3A_783, %mul3A_809 : i32
        %add3A_811 = arith.constant 6400 : i32
        %add3A_812 = arith.addi %add3A_811, %mul3A_810 : i32
        %add3A_813 = arith.constant 0 : i32
        %add3A_814 = arith.addi %add3A_812, %add3A_813 : i32
        %swap3A_815 = arith.index_cast %add3A_814 : i32 to index
        %swap3A_816 = tpu.vector_load %arg7[%swap3A_815] {strides = array<i32>} : memref<12800xi32, #tpu.memory_space<vmem>>, vector<16xi32>,
        tpu.vector_store %arg7[%swap3A_815], %gather3A_808 {strides = array<i32>} : memref<12800xi32, #tpu.memory_space<vmem>>, vector<16xi32>,
        %add3A_817 = arith.constant 16 : i32
        %add3A_818 = vector.broadcast %add3A_817 : i32 to vector<16xi32>
        %add3A_819 = arith.addi %add3A_818, %iota3A : vector<16xi32>
        %mul3A_820 = arith.constant 50 : i32
        %mul3A_821 = vector.broadcast %mul3A_820 : i32 to vector<16xi32>
        %mul3A_822 = arith.muli %add3A_819, %mul3A_821 : vector<16xi32>
        %add3A_823 = vector.broadcast %sub3A_783 : i32 to vector<16xi32>
        %add3A_824 = arith.addi %mul3A_822, %add3A_823 : vector<16xi32>
        %mul3A_825 = arith.constant 2 : i32
        %mul3A_826 = vector.broadcast %mul3A_825 : i32 to vector<16xi32>
        %mul3A_827 = arith.muli %mul3A_826, %add3A_824 : vector<16xi32>
        %gather3A_828 = tpu.vector_load_idx %arg6[%mul3A_827] : memref<12800xi32, #tpu.memory_space<vmem>>[vector<16xi32>], vector<16xi32>,
        %mul3A_829 = arith.constant 128 : i32
        %mul3A_830 = arith.muli %sub3A_783, %mul3A_829 : i32
        %add3A_831 = arith.constant 16 : i32
        %add3A_832 = arith.addi %mul3A_830, %add3A_831 : i32
        %swap3A_833 = arith.index_cast %add3A_832 : i32 to index
        %swap3A_834 = tpu.vector_load %arg7[%swap3A_833] {strides = array<i32>} : memref<12800xi32, #tpu.memory_space<vmem>>, vector<16xi32>,
        tpu.vector_store %arg7[%swap3A_833], %gather3A_828 {strides = array<i32>} : memref<12800xi32, #tpu.memory_space<vmem>>, vector<16xi32>,
        %mul3A_835 = arith.constant 2 : i32
        %mul3A_836 = vector.broadcast %mul3A_835 : i32 to vector<16xi32>
        %mul3A_837 = arith.muli %mul3A_836, %add3A_824 : vector<16xi32>
        %add3A_838 = arith.constant 1 : i32
        %add3A_839 = vector.broadcast %add3A_838 : i32 to vector<16xi32>
        %add3A_840 = arith.addi %mul3A_837, %add3A_839 : vector<16xi32>
        %gather3A_841 = tpu.vector_load_idx %arg6[%add3A_840] : memref<12800xi32, #tpu.memory_space<vmem>>[vector<16xi32>], vector<16xi32>,
        %mul3A_842 = arith.constant 128 : i32
        %mul3A_843 = arith.muli %sub3A_783, %mul3A_842 : i32
        %add3A_844 = arith.constant 6400 : i32
        %add3A_845 = arith.addi %add3A_844, %mul3A_843 : i32
        %add3A_846 = arith.constant 16 : i32
        %add3A_847 = arith.addi %add3A_845, %add3A_846 : i32
        %swap3A_848 = arith.index_cast %add3A_847 : i32 to index
        %swap3A_849 = tpu.vector_load %arg7[%swap3A_848] {strides = array<i32>} : memref<12800xi32, #tpu.memory_space<vmem>>, vector<16xi32>,
        tpu.vector_store %arg7[%swap3A_848], %gather3A_841 {strides = array<i32>} : memref<12800xi32, #tpu.memory_space<vmem>>, vector<16xi32>,
        %add3A_850 = arith.constant 32 : i32
        %add3A_851 = vector.broadcast %add3A_850 : i32 to vector<16xi32>
        %add3A_852 = arith.addi %add3A_851, %iota3A : vector<16xi32>
        %mul3A_853 = arith.constant 50 : i32
        %mul3A_854 = vector.broadcast %mul3A_853 : i32 to vector<16xi32>
        %mul3A_855 = arith.muli %add3A_852, %mul3A_854 : vector<16xi32>
        %add3A_856 = vector.broadcast %sub3A_783 : i32 to vector<16xi32>
        %add3A_857 = arith.addi %mul3A_855, %add3A_856 : vector<16xi32>
        %mul3A_858 = arith.constant 2 : i32
        %mul3A_859 = vector.broadcast %mul3A_858 : i32 to vector<16xi32>
        %mul3A_860 = arith.muli %mul3A_859, %add3A_857 : vector<16xi32>
        %gather3A_861 = tpu.vector_load_idx %arg6[%mul3A_860] : memref<12800xi32, #tpu.memory_space<vmem>>[vector<16xi32>], vector<16xi32>,
        %mul3A_862 = arith.constant 128 : i32
        %mul3A_863 = arith.muli %sub3A_783, %mul3A_862 : i32
        %add3A_864 = arith.constant 32 : i32
        %add3A_865 = arith.addi %mul3A_863, %add3A_864 : i32
        %swap3A_866 = arith.index_cast %add3A_865 : i32 to index
        %swap3A_867 = tpu.vector_load %arg7[%swap3A_866] {strides = array<i32>} : memref<12800xi32, #tpu.memory_space<vmem>>, vector<16xi32>,
        tpu.vector_store %arg7[%swap3A_866], %gather3A_861 {strides = array<i32>} : memref<12800xi32, #tpu.memory_space<vmem>>, vector<16xi32>,
        %mul3A_868 = arith.constant 2 : i32
        %mul3A_869 = vector.broadcast %mul3A_868 : i32 to vector<16xi32>
        %mul3A_870 = arith.muli %mul3A_869, %add3A_857 : vector<16xi32>
        %add3A_871 = arith.constant 1 : i32
        %add3A_872 = vector.broadcast %add3A_871 : i32 to vector<16xi32>
        %add3A_873 = arith.addi %mul3A_870, %add3A_872 : vector<16xi32>
        %gather3A_874 = tpu.vector_load_idx %arg6[%add3A_873] : memref<12800xi32, #tpu.memory_space<vmem>>[vector<16xi32>], vector<16xi32>,
        %mul3A_875 = arith.constant 128 : i32
        %mul3A_876 = arith.muli %sub3A_783, %mul3A_875 : i32
        %add3A_877 = arith.constant 6400 : i32
        %add3A_878 = arith.addi %add3A_877, %mul3A_876 : i32
        %add3A_879 = arith.constant 32 : i32
        %add3A_880 = arith.addi %add3A_878, %add3A_879 : i32
        %swap3A_881 = arith.index_cast %add3A_880 : i32 to index
        %swap3A_882 = tpu.vector_load %arg7[%swap3A_881] {strides = array<i32>} : memref<12800xi32, #tpu.memory_space<vmem>>, vector<16xi32>,
        tpu.vector_store %arg7[%swap3A_881], %gather3A_874 {strides = array<i32>} : memref<12800xi32, #tpu.memory_space<vmem>>, vector<16xi32>,
        %add3A_883 = arith.constant 48 : i32
        %add3A_884 = vector.broadcast %add3A_883 : i32 to vector<16xi32>
        %add3A_885 = arith.addi %add3A_884, %iota3A : vector<16xi32>
        %mul3A_886 = arith.constant 50 : i32
        %mul3A_887 = vector.broadcast %mul3A_886 : i32 to vector<16xi32>
        %mul3A_888 = arith.muli %add3A_885, %mul3A_887 : vector<16xi32>
        %add3A_889 = vector.broadcast %sub3A_783 : i32 to vector<16xi32>
        %add3A_890 = arith.addi %mul3A_888, %add3A_889 : vector<16xi32>
        %mul3A_891 = arith.constant 2 : i32
        %mul3A_892 = vector.broadcast %mul3A_891 : i32 to vector<16xi32>
        %mul3A_893 = arith.muli %mul3A_892, %add3A_890 : vector<16xi32>
        %gather3A_894 = tpu.vector_load_idx %arg6[%mul3A_893] : memref<12800xi32, #tpu.memory_space<vmem>>[vector<16xi32>], vector<16xi32>,
        %mul3A_895 = arith.constant 128 : i32
        %mul3A_896 = arith.muli %sub3A_783, %mul3A_895 : i32
        %add3A_897 = arith.constant 48 : i32
        %add3A_898 = arith.addi %mul3A_896, %add3A_897 : i32
        %swap3A_899 = arith.index_cast %add3A_898 : i32 to index
        %swap3A_900 = tpu.vector_load %arg7[%swap3A_899] {strides = array<i32>} : memref<12800xi32, #tpu.memory_space<vmem>>, vector<16xi32>,
        tpu.vector_store %arg7[%swap3A_899], %gather3A_894 {strides = array<i32>} : memref<12800xi32, #tpu.memory_space<vmem>>, vector<16xi32>,
        %mul3A_901 = arith.constant 2 : i32
        %mul3A_902 = vector.broadcast %mul3A_901 : i32 to vector<16xi32>
        %mul3A_903 = arith.muli %mul3A_902, %add3A_890 : vector<16xi32>
        %add3A_904 = arith.constant 1 : i32
        %add3A_905 = vector.broadcast %add3A_904 : i32 to vector<16xi32>
        %add3A_906 = arith.addi %mul3A_903, %add3A_905 : vector<16xi32>
        %gather3A_907 = tpu.vector_load_idx %arg6[%add3A_906] : memref<12800xi32, #tpu.memory_space<vmem>>[vector<16xi32>], vector<16xi32>,
        %mul3A_908 = arith.constant 128 : i32
        %mul3A_909 = arith.muli %sub3A_783, %mul3A_908 : i32
        %add3A_910 = arith.constant 6400 : i32
        %add3A_911 = arith.addi %add3A_910, %mul3A_909 : i32
        %add3A_912 = arith.constant 48 : i32
        %add3A_913 = arith.addi %add3A_911, %add3A_912 : i32
        %swap3A_914 = arith.index_cast %add3A_913 : i32 to index
        %swap3A_915 = tpu.vector_load %arg7[%swap3A_914] {strides = array<i32>} : memref<12800xi32, #tpu.memory_space<vmem>>, vector<16xi32>,
        tpu.vector_store %arg7[%swap3A_914], %gather3A_907 {strides = array<i32>} : memref<12800xi32, #tpu.memory_space<vmem>>, vector<16xi32>,
        %add3A_916 = arith.constant 64 : i32
        %add3A_917 = vector.broadcast %add3A_916 : i32 to vector<16xi32>
        %add3A_918 = arith.addi %add3A_917, %iota3A : vector<16xi32>
        %mul3A_919 = arith.constant 50 : i32
        %mul3A_920 = vector.broadcast %mul3A_919 : i32 to vector<16xi32>
        %mul3A_921 = arith.muli %add3A_918, %mul3A_920 : vector<16xi32>
        %add3A_922 = vector.broadcast %sub3A_783 : i32 to vector<16xi32>
        %add3A_923 = arith.addi %mul3A_921, %add3A_922 : vector<16xi32>
        %mul3A_924 = arith.constant 2 : i32
        %mul3A_925 = vector.broadcast %mul3A_924 : i32 to vector<16xi32>
        %mul3A_926 = arith.muli %mul3A_925, %add3A_923 : vector<16xi32>
        %gather3A_927 = tpu.vector_load_idx %arg6[%mul3A_926] : memref<12800xi32, #tpu.memory_space<vmem>>[vector<16xi32>], vector<16xi32>,
        %mul3A_928 = arith.constant 128 : i32
        %mul3A_929 = arith.muli %sub3A_783, %mul3A_928 : i32
        %add3A_930 = arith.constant 64 : i32
        %add3A_931 = arith.addi %mul3A_929, %add3A_930 : i32
        %swap3A_932 = arith.index_cast %add3A_931 : i32 to index
        %swap3A_933 = tpu.vector_load %arg7[%swap3A_932] {strides = array<i32>} : memref<12800xi32, #tpu.memory_space<vmem>>, vector<16xi32>,
        tpu.vector_store %arg7[%swap3A_932], %gather3A_927 {strides = array<i32>} : memref<12800xi32, #tpu.memory_space<vmem>>, vector<16xi32>,
        %mul3A_934 = arith.constant 2 : i32
        %mul3A_935 = vector.broadcast %mul3A_934 : i32 to vector<16xi32>
        %mul3A_936 = arith.muli %mul3A_935, %add3A_923 : vector<16xi32>
        %add3A_937 = arith.constant 1 : i32
        %add3A_938 = vector.broadcast %add3A_937 : i32 to vector<16xi32>
        %add3A_939 = arith.addi %mul3A_936, %add3A_938 : vector<16xi32>
        %gather3A_940 = tpu.vector_load_idx %arg6[%add3A_939] : memref<12800xi32, #tpu.memory_space<vmem>>[vector<16xi32>], vector<16xi32>,
        %mul3A_941 = arith.constant 128 : i32
        %mul3A_942 = arith.muli %sub3A_783, %mul3A_941 : i32
        %add3A_943 = arith.constant 6400 : i32
        %add3A_944 = arith.addi %add3A_943, %mul3A_942 : i32
        %add3A_945 = arith.constant 64 : i32
        %add3A_946 = arith.addi %add3A_944, %add3A_945 : i32
        %swap3A_947 = arith.index_cast %add3A_946 : i32 to index
        %swap3A_948 = tpu.vector_load %arg7[%swap3A_947] {strides = array<i32>} : memref<12800xi32, #tpu.memory_space<vmem>>, vector<16xi32>,
        tpu.vector_store %arg7[%swap3A_947], %gather3A_940 {strides = array<i32>} : memref<12800xi32, #tpu.memory_space<vmem>>, vector<16xi32>,
        %add3A_949 = arith.constant 80 : i32
        %add3A_950 = vector.broadcast %add3A_949 : i32 to vector<16xi32>
        %add3A_951 = arith.addi %add3A_950, %iota3A : vector<16xi32>
        %mul3A_952 = arith.constant 50 : i32
        %mul3A_953 = vector.broadcast %mul3A_952 : i32 to vector<16xi32>
        %mul3A_954 = arith.muli %add3A_951, %mul3A_953 : vector<16xi32>
        %add3A_955 = vector.broadcast %sub3A_783 : i32 to vector<16xi32>
        %add3A_956 = arith.addi %mul3A_954, %add3A_955 : vector<16xi32>
        %mul3A_957 = arith.constant 2 : i32
        %mul3A_958 = vector.broadcast %mul3A_957 : i32 to vector<16xi32>
        %mul3A_959 = arith.muli %mul3A_958, %add3A_956 : vector<16xi32>
        %gather3A_960 = tpu.vector_load_idx %arg6[%mul3A_959] : memref<12800xi32, #tpu.memory_space<vmem>>[vector<16xi32>], vector<16xi32>,
        %mul3A_961 = arith.constant 128 : i32
        %mul3A_962 = arith.muli %sub3A_783, %mul3A_961 : i32
        %add3A_963 = arith.constant 80 : i32
        %add3A_964 = arith.addi %mul3A_962, %add3A_963 : i32
        %swap3A_965 = arith.index_cast %add3A_964 : i32 to index
        %swap3A_966 = tpu.vector_load %arg7[%swap3A_965] {strides = array<i32>} : memref<12800xi32, #tpu.memory_space<vmem>>, vector<16xi32>,
        tpu.vector_store %arg7[%swap3A_965], %gather3A_960 {strides = array<i32>} : memref<12800xi32, #tpu.memory_space<vmem>>, vector<16xi32>,
        %mul3A_967 = arith.constant 2 : i32
        %mul3A_968 = vector.broadcast %mul3A_967 : i32 to vector<16xi32>
        %mul3A_969 = arith.muli %mul3A_968, %add3A_956 : vector<16xi32>
        %add3A_970 = arith.constant 1 : i32
        %add3A_971 = vector.broadcast %add3A_970 : i32 to vector<16xi32>
        %add3A_972 = arith.addi %mul3A_969, %add3A_971 : vector<16xi32>
        %gather3A_973 = tpu.vector_load_idx %arg6[%add3A_972] : memref<12800xi32, #tpu.memory_space<vmem>>[vector<16xi32>], vector<16xi32>,
        %mul3A_974 = arith.constant 128 : i32
        %mul3A_975 = arith.muli %sub3A_783, %mul3A_974 : i32
        %add3A_976 = arith.constant 6400 : i32
        %add3A_977 = arith.addi %add3A_976, %mul3A_975 : i32
        %add3A_978 = arith.constant 80 : i32
        %add3A_979 = arith.addi %add3A_977, %add3A_978 : i32
        %swap3A_980 = arith.index_cast %add3A_979 : i32 to index
        %swap3A_981 = tpu.vector_load %arg7[%swap3A_980] {strides = array<i32>} : memref<12800xi32, #tpu.memory_space<vmem>>, vector<16xi32>,
        tpu.vector_store %arg7[%swap3A_980], %gather3A_973 {strides = array<i32>} : memref<12800xi32, #tpu.memory_space<vmem>>, vector<16xi32>,
        %add3A_982 = arith.constant 96 : i32
        %add3A_983 = vector.broadcast %add3A_982 : i32 to vector<16xi32>
        %add3A_984 = arith.addi %add3A_983, %iota3A : vector<16xi32>
        %mul3A_985 = arith.constant 50 : i32
        %mul3A_986 = vector.broadcast %mul3A_985 : i32 to vector<16xi32>
        %mul3A_987 = arith.muli %add3A_984, %mul3A_986 : vector<16xi32>
        %add3A_988 = vector.broadcast %sub3A_783 : i32 to vector<16xi32>
        %add3A_989 = arith.addi %mul3A_987, %add3A_988 : vector<16xi32>
        %mul3A_990 = arith.constant 2 : i32
        %mul3A_991 = vector.broadcast %mul3A_990 : i32 to vector<16xi32>
        %mul3A_992 = arith.muli %mul3A_991, %add3A_989 : vector<16xi32>
        %gather3A_993 = tpu.vector_load_idx %arg6[%mul3A_992] : memref<12800xi32, #tpu.memory_space<vmem>>[vector<16xi32>], vector<16xi32>,
        %mul3A_994 = arith.constant 128 : i32
        %mul3A_995 = arith.muli %sub3A_783, %mul3A_994 : i32
        %add3A_996 = arith.constant 96 : i32
        %add3A_997 = arith.addi %mul3A_995, %add3A_996 : i32
        %swap3A_998 = arith.index_cast %add3A_997 : i32 to index
        %swap3A_999 = tpu.vector_load %arg7[%swap3A_998] {strides = array<i32>} : memref<12800xi32, #tpu.memory_space<vmem>>, vector<16xi32>,
        tpu.vector_store %arg7[%swap3A_998], %gather3A_993 {strides = array<i32>} : memref<12800xi32, #tpu.memory_space<vmem>>, vector<16xi32>,
        %mul3A_1000 = arith.constant 2 : i32
        %mul3A_1001 = vector.broadcast %mul3A_1000 : i32 to vector<16xi32>
        %mul3A_1002 = arith.muli %mul3A_1001, %add3A_989 : vector<16xi32>
        %add3A_1003 = arith.constant 1 : i32
        %add3A_1004 = vector.broadcast %add3A_1003 : i32 to vector<16xi32>
        %add3A_1005 = arith.addi %mul3A_1002, %add3A_1004 : vector<16xi32>
        %gather3A_1006 = tpu.vector_load_idx %arg6[%add3A_1005] : memref<12800xi32, #tpu.memory_space<vmem>>[vector<16xi32>], vector<16xi32>,
        %mul3A_1007 = arith.constant 128 : i32
        %mul3A_1008 = arith.muli %sub3A_783, %mul3A_1007 : i32
        %add3A_1009 = arith.constant 6400 : i32
        %add3A_1010 = arith.addi %add3A_1009, %mul3A_1008 : i32
        %add3A_1011 = arith.constant 96 : i32
        %add3A_1012 = arith.addi %add3A_1010, %add3A_1011 : i32
        %swap3A_1013 = arith.index_cast %add3A_1012 : i32 to index
        %swap3A_1014 = tpu.vector_load %arg7[%swap3A_1013] {strides = array<i32>} : memref<12800xi32, #tpu.memory_space<vmem>>, vector<16xi32>,
        tpu.vector_store %arg7[%swap3A_1013], %gather3A_1006 {strides = array<i32>} : memref<12800xi32, #tpu.memory_space<vmem>>, vector<16xi32>,
        %add3A_1015 = arith.constant 112 : i32
        %add3A_1016 = vector.broadcast %add3A_1015 : i32 to vector<16xi32>
        %add3A_1017 = arith.addi %add3A_1016, %iota3A : vector<16xi32>
        %mul3A_1018 = arith.constant 50 : i32
        %mul3A_1019 = vector.broadcast %mul3A_1018 : i32 to vector<16xi32>
        %mul3A_1020 = arith.muli %add3A_1017, %mul3A_1019 : vector<16xi32>
        %add3A_1021 = vector.broadcast %sub3A_783 : i32 to vector<16xi32>
        %add3A_1022 = arith.addi %mul3A_1020, %add3A_1021 : vector<16xi32>
        %mul3A_1023 = arith.constant 2 : i32
        %mul3A_1024 = vector.broadcast %mul3A_1023 : i32 to vector<16xi32>
        %mul3A_1025 = arith.muli %mul3A_1024, %add3A_1022 : vector<16xi32>
        %gather3A_1026 = tpu.vector_load_idx %arg6[%mul3A_1025] : memref<12800xi32, #tpu.memory_space<vmem>>[vector<16xi32>], vector<16xi32>,
        %mul3A_1027 = arith.constant 128 : i32
        %mul3A_1028 = arith.muli %sub3A_783, %mul3A_1027 : i32
        %add3A_1029 = arith.constant 112 : i32
        %add3A_1030 = arith.addi %mul3A_1028, %add3A_1029 : i32
        %swap3A_1031 = arith.index_cast %add3A_1030 : i32 to index
        %swap3A_1032 = tpu.vector_load %arg7[%swap3A_1031] {strides = array<i32>} : memref<12800xi32, #tpu.memory_space<vmem>>, vector<16xi32>,
        tpu.vector_store %arg7[%swap3A_1031], %gather3A_1026 {strides = array<i32>} : memref<12800xi32, #tpu.memory_space<vmem>>, vector<16xi32>,
        %mul3A_1033 = arith.constant 2 : i32
        %mul3A_1034 = vector.broadcast %mul3A_1033 : i32 to vector<16xi32>
        %mul3A_1035 = arith.muli %mul3A_1034, %add3A_1022 : vector<16xi32>
        %add3A_1036 = arith.constant 1 : i32
        %add3A_1037 = vector.broadcast %add3A_1036 : i32 to vector<16xi32>
        %add3A_1038 = arith.addi %mul3A_1035, %add3A_1037 : vector<16xi32>
        %gather3A_1039 = tpu.vector_load_idx %arg6[%add3A_1038] : memref<12800xi32, #tpu.memory_space<vmem>>[vector<16xi32>], vector<16xi32>,
        %mul3A_1040 = arith.constant 128 : i32
        %mul3A_1041 = arith.muli %sub3A_783, %mul3A_1040 : i32
        %add3A_1042 = arith.constant 6400 : i32
        %add3A_1043 = arith.addi %add3A_1042, %mul3A_1041 : i32
        %add3A_1044 = arith.constant 112 : i32
        %add3A_1045 = arith.addi %add3A_1043, %add3A_1044 : i32
        %swap3A_1046 = arith.index_cast %add3A_1045 : i32 to index
        %swap3A_1047 = tpu.vector_load %arg7[%swap3A_1046] {strides = array<i32>} : memref<12800xi32, #tpu.memory_space<vmem>>, vector<16xi32>,
        tpu.vector_store %arg7[%swap3A_1046], %gather3A_1039 {strides = array<i32>} : memref<12800xi32, #tpu.memory_space<vmem>>, vector<16xi32>,
        %add3A_1048 = arith.constant 3 : i32
        %add3A_1049 = arith.addi %add3A_600, %add3A_1048 : i32
        %sub3A_1050 = arith.constant 1 : i32
        %sub3A_1051 = arith.subi %add3A_1049, %sub3A_1050 : i32
        %mul3A_1052 = arith.constant 128 : i32
        %mul3A_1053 = arith.muli %sub3A_1051, %mul3A_1052 : i32
        %dma_start3A_1054 = arith.constant 2 : i32
        %dma_start3A_1055 = arith.constant 2 : i32
        %dma_start3A_1056 = arith.constant 0 : i32
        %dma_start3A_1057 = arith.constant 0 : i32
        %dma_start3A_1058 = tpu.memref_slice %arg8[%dma_start3A_1054, %dma_start3A_1056, %dma_start3A_1057] : memref<3x128x256xf32, #tpu.memory_space<vmem>> -> memref<1x128x128xf32, #tpu.memory_space<vmem>>
        %dma_start3A_1059 = tpu.memref_squeeze %dma_start3A_1058 : memref<1x128x128xf32, #tpu.memory_space<vmem>> -> memref<128x128xf32, #tpu.memory_space<vmem>>
        %dma_start3A_1060 = tpu.memref_slice %arg7[%mul3A_1053] : memref<12800xi32, #tpu.memory_space<vmem>> -> memref<128xi32, #tpu.memory_space<vmem>>
        %dma_start3A_1061 = arith.constant 0 : i32
        %dma_start3A_1062 = arith.constant 0 : i32
        %dma_start3A_1063 = tpu.memref_slice %arg3[%dma_start3A_1061, %dma_start3A_1062] : memref<65536x128xf32, #tpu.memory_space<hbm>> -> memref<65536x128xf32, #tpu.memory_space<hbm>>
        %dma_start3A_1064 = tpu.memref_slice %arg9[%dma_start3A_1055] : memref<3x!tpu.dma_semaphore, #tpu.memory_space<semaphore_mem>> -> memref<1x!tpu.dma_semaphore, #tpu.memory_space<semaphore_mem>>
        %dma_start3A_1065 = tpu.memref_squeeze %dma_start3A_1064 : memref<1x!tpu.dma_semaphore, #tpu.memory_space<semaphore_mem>> -> memref<!tpu.dma_semaphore, #tpu.memory_space<semaphore_mem>>
        tpu.enqueue_indirect_dma source(%dma_start3A_1063 : memref<65536x128xf32, #tpu.memory_space<hbm>>) target(%dma_start3A_1059 : memref<128x128xf32, #tpu.memory_space<vmem>>) offsets(%dma_start3A_1060 : memref<128xi32, #tpu.memory_space<vmem>>) semaphore(%dma_start3A_1065 : memref<!tpu.dma_semaphore, #tpu.memory_space<semaphore_mem>>)
        %mul3A_1066 = arith.constant 128 : i32
        %mul3A_1067 = arith.muli %sub3A_1051, %mul3A_1066 : i32
        %add3A_1068 = arith.constant 6400 : i32
        %add3A_1069 = arith.addi %add3A_1068, %mul3A_1067 : i32
        %dma_start3A_1070 = arith.constant 2 : i32
        %dma_start3A_1071 = arith.constant 2 : i32
        %dma_start3A_1072 = arith.constant 0 : i32
        %dma_start3A_1073 = arith.constant 128 : i32
        %dma_start3A_1074 = tpu.memref_slice %arg8[%dma_start3A_1070, %dma_start3A_1072, %dma_start3A_1073] : memref<3x128x256xf32, #tpu.memory_space<vmem>> -> memref<1x128x128xf32, #tpu.memory_space<vmem>>
        %dma_start3A_1075 = tpu.memref_squeeze %dma_start3A_1074 : memref<1x128x128xf32, #tpu.memory_space<vmem>> -> memref<128x128xf32, #tpu.memory_space<vmem>>
        %dma_start3A_1076 = tpu.memref_slice %arg7[%add3A_1069] : memref<12800xi32, #tpu.memory_space<vmem>> -> memref<128xi32, #tpu.memory_space<vmem>>
        %dma_start3A_1077 = arith.constant 0 : i32
        %dma_start3A_1078 = arith.constant 0 : i32
        %dma_start3A_1079 = tpu.memref_slice %arg4[%dma_start3A_1077, %dma_start3A_1078] : memref<65536x128xf32, #tpu.memory_space<hbm>> -> memref<65536x128xf32, #tpu.memory_space<hbm>>
        %dma_start3A_1080 = tpu.memref_slice %arg9[%dma_start3A_1071] : memref<3x!tpu.dma_semaphore, #tpu.memory_space<semaphore_mem>> -> memref<1x!tpu.dma_semaphore, #tpu.memory_space<semaphore_mem>>
        %dma_start3A_1081 = tpu.memref_squeeze %dma_start3A_1080 : memref<1x!tpu.dma_semaphore, #tpu.memory_space<semaphore_mem>> -> memref<!tpu.dma_semaphore, #tpu.memory_space<semaphore_mem>>
        tpu.enqueue_indirect_dma source(%dma_start3A_1079 : memref<65536x128xf32, #tpu.memory_space<hbm>>) target(%dma_start3A_1075 : memref<128x128xf32, #tpu.memory_space<vmem>>) offsets(%dma_start3A_1076 : memref<128xi32, #tpu.memory_space<vmem>>) semaphore(%dma_start3A_1081 : memref<!tpu.dma_semaphore, #tpu.memory_space<semaphore_mem>>)
      } else {
      }
      %dma_wait3A_610 = arith.constant 0 : i32
      %dma_wait3A_611 = arith.constant 0 : i32
      %dma_wait3A_612 = arith.constant 0 : i32
      %dma_wait3A_613 = arith.constant 0 : i32
      %dma_wait3A_614 = tpu.memref_slice %arg8[%dma_wait3A_610, %dma_wait3A_612, %dma_wait3A_613] : memref<3x128x256xf32, #tpu.memory_space<vmem>> -> memref<1x128x128xf32, #tpu.memory_space<vmem>>
      %dma_wait3A_615 = tpu.memref_squeeze %dma_wait3A_614 : memref<1x128x128xf32, #tpu.memory_space<vmem>> -> memref<128x128xf32, #tpu.memory_space<vmem>>
      %dma_wait3A_616 = arith.constant 0 : i32
      %dma_wait3A_617 = tpu.memref_slice %arg7[%dma_wait3A_616] : memref<12800xi32, #tpu.memory_space<vmem>> -> memref<128xi32, #tpu.memory_space<vmem>>
      %dma_wait3A_618 = arith.constant 0 : i32
      %dma_wait3A_619 = arith.constant 0 : i32
      %dma_wait3A_620 = tpu.memref_slice %arg3[%dma_wait3A_618, %dma_wait3A_619] : memref<65536x128xf32, #tpu.memory_space<hbm>> -> memref<65536x128xf32, #tpu.memory_space<hbm>>
      %dma_wait3A_621 = tpu.memref_slice %arg9[%dma_wait3A_611] : memref<3x!tpu.dma_semaphore, #tpu.memory_space<semaphore_mem>> -> memref<1x!tpu.dma_semaphore, #tpu.memory_space<semaphore_mem>>
      %dma_wait3A_622 = tpu.memref_squeeze %dma_wait3A_621 : memref<1x!tpu.dma_semaphore, #tpu.memory_space<semaphore_mem>> -> memref<!tpu.dma_semaphore, #tpu.memory_space<semaphore_mem>>
      tpu.wait_indirect_dma semaphore(%dma_wait3A_622 : memref<!tpu.dma_semaphore, #tpu.memory_space<semaphore_mem>>) src(%dma_wait3A_620 : memref<65536x128xf32, #tpu.memory_space<hbm>>) dst(%dma_wait3A_615 : memref<128x128xf32, #tpu.memory_space<vmem>>)
      %dma_wait3A_623 = arith.constant 0 : i32
      %dma_wait3A_624 = arith.constant 0 : i32
      %dma_wait3A_625 = arith.constant 0 : i32
      %dma_wait3A_626 = arith.constant 128 : i32
      %dma_wait3A_627 = tpu.memref_slice %arg8[%dma_wait3A_623, %dma_wait3A_625, %dma_wait3A_626] : memref<3x128x256xf32, #tpu.memory_space<vmem>> -> memref<1x128x128xf32, #tpu.memory_space<vmem>>
      %dma_wait3A_628 = tpu.memref_squeeze %dma_wait3A_627 : memref<1x128x128xf32, #tpu.memory_space<vmem>> -> memref<128x128xf32, #tpu.memory_space<vmem>>
      %dma_wait3A_629 = arith.constant 0 : i32
      %dma_wait3A_630 = tpu.memref_slice %arg7[%dma_wait3A_629] : memref<12800xi32, #tpu.memory_space<vmem>> -> memref<128xi32, #tpu.memory_space<vmem>>
      %dma_wait3A_631 = arith.constant 0 : i32
      %dma_wait3A_632 = arith.constant 0 : i32
      %dma_wait3A_633 = tpu.memref_slice %arg4[%dma_wait3A_631, %dma_wait3A_632] : memref<65536x128xf32, #tpu.memory_space<hbm>> -> memref<65536x128xf32, #tpu.memory_space<hbm>>
      %dma_wait3A_634 = tpu.memref_slice %arg9[%dma_wait3A_624] : memref<3x!tpu.dma_semaphore, #tpu.memory_space<semaphore_mem>> -> memref<1x!tpu.dma_semaphore, #tpu.memory_space<semaphore_mem>>
      %dma_wait3A_635 = tpu.memref_squeeze %dma_wait3A_634 : memref<1x!tpu.dma_semaphore, #tpu.memory_space<semaphore_mem>> -> memref<!tpu.dma_semaphore, #tpu.memory_space<semaphore_mem>>
      tpu.wait_indirect_dma semaphore(%dma_wait3A_635 : memref<!tpu.dma_semaphore, #tpu.memory_space<semaphore_mem>>) src(%dma_wait3A_633 : memref<65536x128xf32, #tpu.memory_space<hbm>>) dst(%dma_wait3A_628 : memref<128x128xf32, #tpu.memory_space<vmem>>)
      %mul3A_636 = arith.constant 128 : i32
      %mul3A_637 = arith.muli %add3A, %mul3A_636 : i32
      %dma_start3A_638 = arith.constant 0 : i32
      %dma_start3A_639 = arith.constant 0 : i32
      %dma_start3A_640 = arith.constant 0 : i32
      %dma_start3A_641 = arith.constant 0 : i32
      %dma_start3A_642 = tpu.memref_slice %arg8[%dma_start3A_638, %dma_start3A_640, %dma_start3A_641] : memref<3x128x256xf32, #tpu.memory_space<vmem>> -> memref<1x128x256xf32, #tpu.memory_space<vmem>>
      %dma_start3A_643 = tpu.memref_squeeze %dma_start3A_642 : memref<1x128x256xf32, #tpu.memory_space<vmem>> -> memref<128x256xf32, #tpu.memory_space<vmem>>
      %dma_start3A_644 = arith.constant 0 : i32
      %dma_start3A_645 = tpu.memref_slice %arg5[%add3A_600, %mul3A_637, %dma_start3A_644] : memref<50x4096x256xf32, #tpu.memory_space<hbm>> -> memref<1x128x256xf32, #tpu.memory_space<hbm>>
      %dma_start3A_646 = tpu.memref_squeeze %dma_start3A_645 : memref<1x128x256xf32, #tpu.memory_space<hbm>> -> memref<128x256xf32, #tpu.memory_space<hbm>>
      %dma_start3A_647 = tpu.memref_slice %arg10[%dma_start3A_639] : memref<3x!tpu.dma_semaphore, #tpu.memory_space<semaphore_mem>> -> memref<1x!tpu.dma_semaphore, #tpu.memory_space<semaphore_mem>>
      %dma_start3A_648 = tpu.memref_squeeze %dma_start3A_647 : memref<1x!tpu.dma_semaphore, #tpu.memory_space<semaphore_mem>> -> memref<!tpu.dma_semaphore, #tpu.memory_space<semaphore_mem>>
      %dma_start3A_649 = arith.constant 0 : i32
      %dma_start3A_650 = tpu.memref_slice %arg5[%add3A_600, %mul3A_637, %dma_start3A_649] : memref<50x4096x256xf32, #tpu.memory_space<hbm>> -> memref<1x128x256xf32, #tpu.memory_space<hbm>>
      %dma_start3A_651 = tpu.memref_squeeze %dma_start3A_650 : memref<1x128x256xf32, #tpu.memory_space<hbm>> -> memref<128x256xf32, #tpu.memory_space<hbm>>
      %dma_start3A_652 = arith.constant 0 : i32
      %dma_start3A_653 = arith.constant 0 : i32
      %dma_start3A_654 = tpu.memref_slice %arg8[%dma_start3A_638, %dma_start3A_652, %dma_start3A_653] : memref<3x128x256xf32, #tpu.memory_space<vmem>> -> memref<1x128x256xf32, #tpu.memory_space<vmem>>
      %dma_start3A_655 = tpu.memref_squeeze %dma_start3A_654 : memref<1x128x256xf32, #tpu.memory_space<vmem>> -> memref<128x256xf32, #tpu.memory_space<vmem>>
      tpu.enqueue_dma source(%dma_start3A_655 : memref<128x256xf32, #tpu.memory_space<vmem>>) target(%dma_start3A_651 : memref<128x256xf32, #tpu.memory_space<hbm>>) target_semaphore(%dma_start3A_648 : memref<!tpu.dma_semaphore, #tpu.memory_space<semaphore_mem>>)
      %add3A_656 = arith.constant 1 : i32
      %add3A_657 = arith.addi %add3A_598, %add3A_656 : i32
      %ge3A_658 = arith.constant 1 : i32
      %ge3A_659 = arith.cmpi sge, %add3A_657, %ge3A_658 : i32
      %convert_element_type3A_660 = arith.extui %ge3A_659 : i1 to i32
      %cond3A_661 = arith.constant 0 : i32
      %cond3A_662 = arith.cmpi ne, %convert_element_type3A_660, %cond3A_661 : i32
      scf.if %cond3A_662 {
        %dma_wait3A_780 = arith.constant 0 : i32
        %dma_wait3A_781 = arith.constant 0 : i32
        %dma_wait3A_782 = arith.constant 0 : i32
        %dma_wait3A_783 = arith.constant 0 : i32
        %dma_wait3A_784 = arith.constant 0 : i32
        %dma_wait3A_785 = tpu.memref_slice %arg8[%dma_wait3A_780, %dma_wait3A_783, %dma_wait3A_784] : memref<3x128x256xf32, #tpu.memory_space<vmem>> -> memref<1x128x256xf32, #tpu.memory_space<vmem>>
        %dma_wait3A_786 = tpu.memref_squeeze %dma_wait3A_785 : memref<1x128x256xf32, #tpu.memory_space<vmem>> -> memref<128x256xf32, #tpu.memory_space<vmem>>
        %dma_wait3A_787 = arith.constant 0 : i32
        %dma_wait3A_788 = arith.constant 0 : i32
        %dma_wait3A_789 = tpu.memref_slice %arg5[%dma_wait3A_781, %dma_wait3A_787, %dma_wait3A_788] : memref<50x4096x256xf32, #tpu.memory_space<hbm>> -> memref<1x128x256xf32, #tpu.memory_space<hbm>>
        %dma_wait3A_790 = tpu.memref_squeeze %dma_wait3A_789 : memref<1x128x256xf32, #tpu.memory_space<hbm>> -> memref<128x256xf32, #tpu.memory_space<hbm>>
        %dma_wait3A_791 = tpu.memref_slice %arg10[%dma_wait3A_782] : memref<3x!tpu.dma_semaphore, #tpu.memory_space<semaphore_mem>> -> memref<1x!tpu.dma_semaphore, #tpu.memory_space<semaphore_mem>>
        %dma_wait3A_792 = tpu.memref_squeeze %dma_wait3A_791 : memref<1x!tpu.dma_semaphore, #tpu.memory_space<semaphore_mem>> -> memref<!tpu.dma_semaphore, #tpu.memory_space<semaphore_mem>>
        %dma_wait3A_793 = arith.constant 0 : i32
        %dma_wait3A_794 = arith.constant 0 : i32
        %dma_wait3A_795 = tpu.memref_slice %arg5[%dma_wait3A_781, %dma_wait3A_793, %dma_wait3A_794] : memref<50x4096x256xf32, #tpu.memory_space<hbm>> -> memref<1x128x256xf32, #tpu.memory_space<hbm>>
        %dma_wait3A_796 = tpu.memref_squeeze %dma_wait3A_795 : memref<1x128x256xf32, #tpu.memory_space<hbm>> -> memref<128x256xf32, #tpu.memory_space<hbm>>
        %dma_wait3A_797 = arith.constant 0 : i32
        %dma_wait3A_798 = arith.constant 0 : i32
        %dma_wait3A_799 = tpu.memref_slice %arg8[%dma_wait3A_780, %dma_wait3A_797, %dma_wait3A_798] : memref<3x128x256xf32, #tpu.memory_space<vmem>> -> memref<1x128x256xf32, #tpu.memory_space<vmem>>
        %dma_wait3A_800 = tpu.memref_squeeze %dma_wait3A_799 : memref<1x128x256xf32, #tpu.memory_space<vmem>> -> memref<128x256xf32, #tpu.memory_space<vmem>>
        tpu.wait_dma2 semaphore(%dma_wait3A_792 : memref<!tpu.dma_semaphore, #tpu.memory_space<semaphore_mem>>) src(%dma_wait3A_800 : memref<128x256xf32, #tpu.memory_space<vmem>>) dst(%dma_wait3A_796 : memref<128x256xf32, #tpu.memory_space<hbm>>)
      } else {
      }
      %add3A_663 = arith.constant 3 : i32
      %add3A_664 = arith.addi %add3A_657, %add3A_663 : i32
      %sub3A_665 = arith.constant 1 : i32
      %sub3A_666 = arith.subi %add3A_664, %sub3A_665 : i32
      %lt3A_667 = arith.constant 50 : i32
      %lt3A_668 = arith.cmpi slt, %sub3A_666, %lt3A_667 : i32
      %convert_element_type3A_669 = arith.extui %lt3A_668 : i1 to i32
      %cond3A_670 = arith.constant 0 : i32
      %cond3A_671 = arith.cmpi ne, %convert_element_type3A_669, %cond3A_670 : i32
      scf.if %cond3A_671 {
        %add3A_780 = arith.constant 3 : i32
        %add3A_781 = arith.addi %add3A_657, %add3A_780 : i32
        %sub3A_782 = arith.constant 1 : i32
        %sub3A_783 = arith.subi %add3A_781, %sub3A_782 : i32
        %add3A_784 = arith.constant 0 : i32
        %add3A_785 = vector.broadcast %add3A_784 : i32 to vector<16xi32>
        %add3A_786 = arith.addi %add3A_785, %iota3A : vector<16xi32>
        %mul3A_787 = arith.constant 50 : i32
        %mul3A_788 = vector.broadcast %mul3A_787 : i32 to vector<16xi32>
        %mul3A_789 = arith.muli %add3A_786, %mul3A_788 : vector<16xi32>
        %add3A_790 = vector.broadcast %sub3A_783 : i32 to vector<16xi32>
        %add3A_791 = arith.addi %mul3A_789, %add3A_790 : vector<16xi32>
        %mul3A_792 = arith.constant 2 : i32
        %mul3A_793 = vector.broadcast %mul3A_792 : i32 to vector<16xi32>
        %mul3A_794 = arith.muli %mul3A_793, %add3A_791 : vector<16xi32>
        %gather3A_795 = tpu.vector_load_idx %arg6[%mul3A_794] : memref<12800xi32, #tpu.memory_space<vmem>>[vector<16xi32>], vector<16xi32>,
        %mul3A_796 = arith.constant 128 : i32
        %mul3A_797 = arith.muli %sub3A_783, %mul3A_796 : i32
        %add3A_798 = arith.constant 0 : i32
        %add3A_799 = arith.addi %mul3A_797, %add3A_798 : i32
        %swap3A_800 = arith.index_cast %add3A_799 : i32 to index
        %swap3A_801 = tpu.vector_load %arg7[%swap3A_800] {strides = array<i32>} : memref<12800xi32, #tpu.memory_space<vmem>>, vector<16xi32>,
        tpu.vector_store %arg7[%swap3A_800], %gather3A_795 {strides = array<i32>} : memref<12800xi32, #tpu.memory_space<vmem>>, vector<16xi32>,
        %mul3A_802 = arith.constant 2 : i32
        %mul3A_803 = vector.broadcast %mul3A_802 : i32 to vector<16xi32>
        %mul3A_804 = arith.muli %mul3A_803, %add3A_791 : vector<16xi32>
        %add3A_805 = arith.constant 1 : i32
        %add3A_806 = vector.broadcast %add3A_805 : i32 to vector<16xi32>
        %add3A_807 = arith.addi %mul3A_804, %add3A_806 : vector<16xi32>
        %gather3A_808 = tpu.vector_load_idx %arg6[%add3A_807] : memref<12800xi32, #tpu.memory_space<vmem>>[vector<16xi32>], vector<16xi32>,
        %mul3A_809 = arith.constant 128 : i32
        %mul3A_810 = arith.muli %sub3A_783, %mul3A_809 : i32
        %add3A_811 = arith.constant 6400 : i32
        %add3A_812 = arith.addi %add3A_811, %mul3A_810 : i32
        %add3A_813 = arith.constant 0 : i32
        %add3A_814 = arith.addi %add3A_812, %add3A_813 : i32
        %swap3A_815 = arith.index_cast %add3A_814 : i32 to index
        %swap3A_816 = tpu.vector_load %arg7[%swap3A_815] {strides = array<i32>} : memref<12800xi32, #tpu.memory_space<vmem>>, vector<16xi32>,
        tpu.vector_store %arg7[%swap3A_815], %gather3A_808 {strides = array<i32>} : memref<12800xi32, #tpu.memory_space<vmem>>, vector<16xi32>,
        %add3A_817 = arith.constant 16 : i32
        %add3A_818 = vector.broadcast %add3A_817 : i32 to vector<16xi32>
        %add3A_819 = arith.addi %add3A_818, %iota3A : vector<16xi32>
        %mul3A_820 = arith.constant 50 : i32
        %mul3A_821 = vector.broadcast %mul3A_820 : i32 to vector<16xi32>
        %mul3A_822 = arith.muli %add3A_819, %mul3A_821 : vector<16xi32>
        %add3A_823 = vector.broadcast %sub3A_783 : i32 to vector<16xi32>
        %add3A_824 = arith.addi %mul3A_822, %add3A_823 : vector<16xi32>
        %mul3A_825 = arith.constant 2 : i32
        %mul3A_826 = vector.broadcast %mul3A_825 : i32 to vector<16xi32>
        %mul3A_827 = arith.muli %mul3A_826, %add3A_824 : vector<16xi32>
        %gather3A_828 = tpu.vector_load_idx %arg6[%mul3A_827] : memref<12800xi32, #tpu.memory_space<vmem>>[vector<16xi32>], vector<16xi32>,
        %mul3A_829 = arith.constant 128 : i32
        %mul3A_830 = arith.muli %sub3A_783, %mul3A_829 : i32
        %add3A_831 = arith.constant 16 : i32
        %add3A_832 = arith.addi %mul3A_830, %add3A_831 : i32
        %swap3A_833 = arith.index_cast %add3A_832 : i32 to index
        %swap3A_834 = tpu.vector_load %arg7[%swap3A_833] {strides = array<i32>} : memref<12800xi32, #tpu.memory_space<vmem>>, vector<16xi32>,
        tpu.vector_store %arg7[%swap3A_833], %gather3A_828 {strides = array<i32>} : memref<12800xi32, #tpu.memory_space<vmem>>, vector<16xi32>,
        %mul3A_835 = arith.constant 2 : i32
        %mul3A_836 = vector.broadcast %mul3A_835 : i32 to vector<16xi32>
        %mul3A_837 = arith.muli %mul3A_836, %add3A_824 : vector<16xi32>
        %add3A_838 = arith.constant 1 : i32
        %add3A_839 = vector.broadcast %add3A_838 : i32 to vector<16xi32>
        %add3A_840 = arith.addi %mul3A_837, %add3A_839 : vector<16xi32>
        %gather3A_841 = tpu.vector_load_idx %arg6[%add3A_840] : memref<12800xi32, #tpu.memory_space<vmem>>[vector<16xi32>], vector<16xi32>,
        %mul3A_842 = arith.constant 128 : i32
        %mul3A_843 = arith.muli %sub3A_783, %mul3A_842 : i32
        %add3A_844 = arith.constant 6400 : i32
        %add3A_845 = arith.addi %add3A_844, %mul3A_843 : i32
        %add3A_846 = arith.constant 16 : i32
        %add3A_847 = arith.addi %add3A_845, %add3A_846 : i32
        %swap3A_848 = arith.index_cast %add3A_847 : i32 to index
        %swap3A_849 = tpu.vector_load %arg7[%swap3A_848] {strides = array<i32>} : memref<12800xi32, #tpu.memory_space<vmem>>, vector<16xi32>,
        tpu.vector_store %arg7[%swap3A_848], %gather3A_841 {strides = array<i32>} : memref<12800xi32, #tpu.memory_space<vmem>>, vector<16xi32>,
        %add3A_850 = arith.constant 32 : i32
        %add3A_851 = vector.broadcast %add3A_850 : i32 to vector<16xi32>
        %add3A_852 = arith.addi %add3A_851, %iota3A : vector<16xi32>
        %mul3A_853 = arith.constant 50 : i32
        %mul3A_854 = vector.broadcast %mul3A_853 : i32 to vector<16xi32>
        %mul3A_855 = arith.muli %add3A_852, %mul3A_854 : vector<16xi32>
        %add3A_856 = vector.broadcast %sub3A_783 : i32 to vector<16xi32>
        %add3A_857 = arith.addi %mul3A_855, %add3A_856 : vector<16xi32>
        %mul3A_858 = arith.constant 2 : i32
        %mul3A_859 = vector.broadcast %mul3A_858 : i32 to vector<16xi32>
        %mul3A_860 = arith.muli %mul3A_859, %add3A_857 : vector<16xi32>
        %gather3A_861 = tpu.vector_load_idx %arg6[%mul3A_860] : memref<12800xi32, #tpu.memory_space<vmem>>[vector<16xi32>], vector<16xi32>,
        %mul3A_862 = arith.constant 128 : i32
        %mul3A_863 = arith.muli %sub3A_783, %mul3A_862 : i32
        %add3A_864 = arith.constant 32 : i32
        %add3A_865 = arith.addi %mul3A_863, %add3A_864 : i32
        %swap3A_866 = arith.index_cast %add3A_865 : i32 to index
        %swap3A_867 = tpu.vector_load %arg7[%swap3A_866] {strides = array<i32>} : memref<12800xi32, #tpu.memory_space<vmem>>, vector<16xi32>,
        tpu.vector_store %arg7[%swap3A_866], %gather3A_861 {strides = array<i32>} : memref<12800xi32, #tpu.memory_space<vmem>>, vector<16xi32>,
        %mul3A_868 = arith.constant 2 : i32
        %mul3A_869 = vector.broadcast %mul3A_868 : i32 to vector<16xi32>
        %mul3A_870 = arith.muli %mul3A_869, %add3A_857 : vector<16xi32>
        %add3A_871 = arith.constant 1 : i32
        %add3A_872 = vector.broadcast %add3A_871 : i32 to vector<16xi32>
        %add3A_873 = arith.addi %mul3A_870, %add3A_872 : vector<16xi32>
        %gather3A_874 = tpu.vector_load_idx %arg6[%add3A_873] : memref<12800xi32, #tpu.memory_space<vmem>>[vector<16xi32>], vector<16xi32>,
        %mul3A_875 = arith.constant 128 : i32
        %mul3A_876 = arith.muli %sub3A_783, %mul3A_875 : i32
        %add3A_877 = arith.constant 6400 : i32
        %add3A_878 = arith.addi %add3A_877, %mul3A_876 : i32
        %add3A_879 = arith.constant 32 : i32
        %add3A_880 = arith.addi %add3A_878, %add3A_879 : i32
        %swap3A_881 = arith.index_cast %add3A_880 : i32 to index
        %swap3A_882 = tpu.vector_load %arg7[%swap3A_881] {strides = array<i32>} : memref<12800xi32, #tpu.memory_space<vmem>>, vector<16xi32>,
        tpu.vector_store %arg7[%swap3A_881], %gather3A_874 {strides = array<i32>} : memref<12800xi32, #tpu.memory_space<vmem>>, vector<16xi32>,
        %add3A_883 = arith.constant 48 : i32
        %add3A_884 = vector.broadcast %add3A_883 : i32 to vector<16xi32>
        %add3A_885 = arith.addi %add3A_884, %iota3A : vector<16xi32>
        %mul3A_886 = arith.constant 50 : i32
        %mul3A_887 = vector.broadcast %mul3A_886 : i32 to vector<16xi32>
        %mul3A_888 = arith.muli %add3A_885, %mul3A_887 : vector<16xi32>
        %add3A_889 = vector.broadcast %sub3A_783 : i32 to vector<16xi32>
        %add3A_890 = arith.addi %mul3A_888, %add3A_889 : vector<16xi32>
        %mul3A_891 = arith.constant 2 : i32
        %mul3A_892 = vector.broadcast %mul3A_891 : i32 to vector<16xi32>
        %mul3A_893 = arith.muli %mul3A_892, %add3A_890 : vector<16xi32>
        %gather3A_894 = tpu.vector_load_idx %arg6[%mul3A_893] : memref<12800xi32, #tpu.memory_space<vmem>>[vector<16xi32>], vector<16xi32>,
        %mul3A_895 = arith.constant 128 : i32
        %mul3A_896 = arith.muli %sub3A_783, %mul3A_895 : i32
        %add3A_897 = arith.constant 48 : i32
        %add3A_898 = arith.addi %mul3A_896, %add3A_897 : i32
        %swap3A_899 = arith.index_cast %add3A_898 : i32 to index
        %swap3A_900 = tpu.vector_load %arg7[%swap3A_899] {strides = array<i32>} : memref<12800xi32, #tpu.memory_space<vmem>>, vector<16xi32>,
        tpu.vector_store %arg7[%swap3A_899], %gather3A_894 {strides = array<i32>} : memref<12800xi32, #tpu.memory_space<vmem>>, vector<16xi32>,
        %mul3A_901 = arith.constant 2 : i32
        %mul3A_902 = vector.broadcast %mul3A_901 : i32 to vector<16xi32>
        %mul3A_903 = arith.muli %mul3A_902, %add3A_890 : vector<16xi32>
        %add3A_904 = arith.constant 1 : i32
        %add3A_905 = vector.broadcast %add3A_904 : i32 to vector<16xi32>
        %add3A_906 = arith.addi %mul3A_903, %add3A_905 : vector<16xi32>
        %gather3A_907 = tpu.vector_load_idx %arg6[%add3A_906] : memref<12800xi32, #tpu.memory_space<vmem>>[vector<16xi32>], vector<16xi32>,
        %mul3A_908 = arith.constant 128 : i32
        %mul3A_909 = arith.muli %sub3A_783, %mul3A_908 : i32
        %add3A_910 = arith.constant 6400 : i32
        %add3A_911 = arith.addi %add3A_910, %mul3A_909 : i32
        %add3A_912 = arith.constant 48 : i32
        %add3A_913 = arith.addi %add3A_911, %add3A_912 : i32
        %swap3A_914 = arith.index_cast %add3A_913 : i32 to index
        %swap3A_915 = tpu.vector_load %arg7[%swap3A_914] {strides = array<i32>} : memref<12800xi32, #tpu.memory_space<vmem>>, vector<16xi32>,
        tpu.vector_store %arg7[%swap3A_914], %gather3A_907 {strides = array<i32>} : memref<12800xi32, #tpu.memory_space<vmem>>, vector<16xi32>,
        %add3A_916 = arith.constant 64 : i32
        %add3A_917 = vector.broadcast %add3A_916 : i32 to vector<16xi32>
        %add3A_918 = arith.addi %add3A_917, %iota3A : vector<16xi32>
        %mul3A_919 = arith.constant 50 : i32
        %mul3A_920 = vector.broadcast %mul3A_919 : i32 to vector<16xi32>
        %mul3A_921 = arith.muli %add3A_918, %mul3A_920 : vector<16xi32>
        %add3A_922 = vector.broadcast %sub3A_783 : i32 to vector<16xi32>
        %add3A_923 = arith.addi %mul3A_921, %add3A_922 : vector<16xi32>
        %mul3A_924 = arith.constant 2 : i32
        %mul3A_925 = vector.broadcast %mul3A_924 : i32 to vector<16xi32>
        %mul3A_926 = arith.muli %mul3A_925, %add3A_923 : vector<16xi32>
        %gather3A_927 = tpu.vector_load_idx %arg6[%mul3A_926] : memref<12800xi32, #tpu.memory_space<vmem>>[vector<16xi32>], vector<16xi32>,
        %mul3A_928 = arith.constant 128 : i32
        %mul3A_929 = arith.muli %sub3A_783, %mul3A_928 : i32
        %add3A_930 = arith.constant 64 : i32
        %add3A_931 = arith.addi %mul3A_929, %add3A_930 : i32
        %swap3A_932 = arith.index_cast %add3A_931 : i32 to index
        %swap3A_933 = tpu.vector_load %arg7[%swap3A_932] {strides = array<i32>} : memref<12800xi32, #tpu.memory_space<vmem>>, vector<16xi32>,
        tpu.vector_store %arg7[%swap3A_932], %gather3A_927 {strides = array<i32>} : memref<12800xi32, #tpu.memory_space<vmem>>, vector<16xi32>,
        %mul3A_934 = arith.constant 2 : i32
        %mul3A_935 = vector.broadcast %mul3A_934 : i32 to vector<16xi32>
        %mul3A_936 = arith.muli %mul3A_935, %add3A_923 : vector<16xi32>
        %add3A_937 = arith.constant 1 : i32
        %add3A_938 = vector.broadcast %add3A_937 : i32 to vector<16xi32>
        %add3A_939 = arith.addi %mul3A_936, %add3A_938 : vector<16xi32>
        %gather3A_940 = tpu.vector_load_idx %arg6[%add3A_939] : memref<12800xi32, #tpu.memory_space<vmem>>[vector<16xi32>], vector<16xi32>,
        %mul3A_941 = arith.constant 128 : i32
        %mul3A_942 = arith.muli %sub3A_783, %mul3A_941 : i32
        %add3A_943 = arith.constant 6400 : i32
        %add3A_944 = arith.addi %add3A_943, %mul3A_942 : i32
        %add3A_945 = arith.constant 64 : i32
        %add3A_946 = arith.addi %add3A_944, %add3A_945 : i32
        %swap3A_947 = arith.index_cast %add3A_946 : i32 to index
        %swap3A_948 = tpu.vector_load %arg7[%swap3A_947] {strides = array<i32>} : memref<12800xi32, #tpu.memory_space<vmem>>, vector<16xi32>,
        tpu.vector_store %arg7[%swap3A_947], %gather3A_940 {strides = array<i32>} : memref<12800xi32, #tpu.memory_space<vmem>>, vector<16xi32>,
        %add3A_949 = arith.constant 80 : i32
        %add3A_950 = vector.broadcast %add3A_949 : i32 to vector<16xi32>
        %add3A_951 = arith.addi %add3A_950, %iota3A : vector<16xi32>
        %mul3A_952 = arith.constant 50 : i32
        %mul3A_953 = vector.broadcast %mul3A_952 : i32 to vector<16xi32>
        %mul3A_954 = arith.muli %add3A_951, %mul3A_953 : vector<16xi32>
        %add3A_955 = vector.broadcast %sub3A_783 : i32 to vector<16xi32>
        %add3A_956 = arith.addi %mul3A_954, %add3A_955 : vector<16xi32>
        %mul3A_957 = arith.constant 2 : i32
        %mul3A_958 = vector.broadcast %mul3A_957 : i32 to vector<16xi32>
        %mul3A_959 = arith.muli %mul3A_958, %add3A_956 : vector<16xi32>
        %gather3A_960 = tpu.vector_load_idx %arg6[%mul3A_959] : memref<12800xi32, #tpu.memory_space<vmem>>[vector<16xi32>], vector<16xi32>,
        %mul3A_961 = arith.constant 128 : i32
        %mul3A_962 = arith.muli %sub3A_783, %mul3A_961 : i32
        %add3A_963 = arith.constant 80 : i32
        %add3A_964 = arith.addi %mul3A_962, %add3A_963 : i32
        %swap3A_965 = arith.index_cast %add3A_964 : i32 to index
        %swap3A_966 = tpu.vector_load %arg7[%swap3A_965] {strides = array<i32>} : memref<12800xi32, #tpu.memory_space<vmem>>, vector<16xi32>,
        tpu.vector_store %arg7[%swap3A_965], %gather3A_960 {strides = array<i32>} : memref<12800xi32, #tpu.memory_space<vmem>>, vector<16xi32>,
        %mul3A_967 = arith.constant 2 : i32
        %mul3A_968 = vector.broadcast %mul3A_967 : i32 to vector<16xi32>
        %mul3A_969 = arith.muli %mul3A_968, %add3A_956 : vector<16xi32>
        %add3A_970 = arith.constant 1 : i32
        %add3A_971 = vector.broadcast %add3A_970 : i32 to vector<16xi32>
        %add3A_972 = arith.addi %mul3A_969, %add3A_971 : vector<16xi32>
        %gather3A_973 = tpu.vector_load_idx %arg6[%add3A_972] : memref<12800xi32, #tpu.memory_space<vmem>>[vector<16xi32>], vector<16xi32>,
        %mul3A_974 = arith.constant 128 : i32
        %mul3A_975 = arith.muli %sub3A_783, %mul3A_974 : i32
        %add3A_976 = arith.constant 6400 : i32
        %add3A_977 = arith.addi %add3A_976, %mul3A_975 : i32
        %add3A_978 = arith.constant 80 : i32
        %add3A_979 = arith.addi %add3A_977, %add3A_978 : i32
        %swap3A_980 = arith.index_cast %add3A_979 : i32 to index
        %swap3A_981 = tpu.vector_load %arg7[%swap3A_980] {strides = array<i32>} : memref<12800xi32, #tpu.memory_space<vmem>>, vector<16xi32>,
        tpu.vector_store %arg7[%swap3A_980], %gather3A_973 {strides = array<i32>} : memref<12800xi32, #tpu.memory_space<vmem>>, vector<16xi32>,
        %add3A_982 = arith.constant 96 : i32
        %add3A_983 = vector.broadcast %add3A_982 : i32 to vector<16xi32>
        %add3A_984 = arith.addi %add3A_983, %iota3A : vector<16xi32>
        %mul3A_985 = arith.constant 50 : i32
        %mul3A_986 = vector.broadcast %mul3A_985 : i32 to vector<16xi32>
        %mul3A_987 = arith.muli %add3A_984, %mul3A_986 : vector<16xi32>
        %add3A_988 = vector.broadcast %sub3A_783 : i32 to vector<16xi32>
        %add3A_989 = arith.addi %mul3A_987, %add3A_988 : vector<16xi32>
        %mul3A_990 = arith.constant 2 : i32
        %mul3A_991 = vector.broadcast %mul3A_990 : i32 to vector<16xi32>
        %mul3A_992 = arith.muli %mul3A_991, %add3A_989 : vector<16xi32>
        %gather3A_993 = tpu.vector_load_idx %arg6[%mul3A_992] : memref<12800xi32, #tpu.memory_space<vmem>>[vector<16xi32>], vector<16xi32>,
        %mul3A_994 = arith.constant 128 : i32
        %mul3A_995 = arith.muli %sub3A_783, %mul3A_994 : i32
        %add3A_996 = arith.constant 96 : i32
        %add3A_997 = arith.addi %mul3A_995, %add3A_996 : i32
        %swap3A_998 = arith.index_cast %add3A_997 : i32 to index
        %swap3A_999 = tpu.vector_load %arg7[%swap3A_998] {strides = array<i32>} : memref<12800xi32, #tpu.memory_space<vmem>>, vector<16xi32>,
        tpu.vector_store %arg7[%swap3A_998], %gather3A_993 {strides = array<i32>} : memref<12800xi32, #tpu.memory_space<vmem>>, vector<16xi32>,
        %mul3A_1000 = arith.constant 2 : i32
        %mul3A_1001 = vector.broadcast %mul3A_1000 : i32 to vector<16xi32>
        %mul3A_1002 = arith.muli %mul3A_1001, %add3A_989 : vector<16xi32>
        %add3A_1003 = arith.constant 1 : i32
        %add3A_1004 = vector.broadcast %add3A_1003 : i32 to vector<16xi32>
        %add3A_1005 = arith.addi %mul3A_1002, %add3A_1004 : vector<16xi32>
        %gather3A_1006 = tpu.vector_load_idx %arg6[%add3A_1005] : memref<12800xi32, #tpu.memory_space<vmem>>[vector<16xi32>], vector<16xi32>,
        %mul3A_1007 = arith.constant 128 : i32
        %mul3A_1008 = arith.muli %sub3A_783, %mul3A_1007 : i32
        %add3A_1009 = arith.constant 6400 : i32
        %add3A_1010 = arith.addi %add3A_1009, %mul3A_1008 : i32
        %add3A_1011 = arith.constant 96 : i32
        %add3A_1012 = arith.addi %add3A_1010, %add3A_1011 : i32
        %swap3A_1013 = arith.index_cast %add3A_1012 : i32 to index
        %swap3A_1014 = tpu.vector_load %arg7[%swap3A_1013] {strides = array<i32>} : memref<12800xi32, #tpu.memory_space<vmem>>, vector<16xi32>,
        tpu.vector_store %arg7[%swap3A_1013], %gather3A_1006 {strides = array<i32>} : memref<12800xi32, #tpu.memory_space<vmem>>, vector<16xi32>,
        %add3A_1015 = arith.constant 112 : i32
        %add3A_1016 = vector.broadcast %add3A_1015 : i32 to vector<16xi32>
        %add3A_1017 = arith.addi %add3A_1016, %iota3A : vector<16xi32>
        %mul3A_1018 = arith.constant 50 : i32
        %mul3A_1019 = vector.broadcast %mul3A_1018 : i32 to vector<16xi32>
        %mul3A_1020 = arith.muli %add3A_1017, %mul3A_1019 : vector<16xi32>
        %add3A_1021 = vector.broadcast %sub3A_783 : i32 to vector<16xi32>
        %add3A_1022 = arith.addi %mul3A_1020, %add3A_1021 : vector<16xi32>
        %mul3A_1023 = arith.constant 2 : i32
        %mul3A_1024 = vector.broadcast %mul3A_1023 : i32 to vector<16xi32>
        %mul3A_1025 = arith.muli %mul3A_1024, %add3A_1022 : vector<16xi32>
        %gather3A_1026 = tpu.vector_load_idx %arg6[%mul3A_1025] : memref<12800xi32, #tpu.memory_space<vmem>>[vector<16xi32>], vector<16xi32>,
        %mul3A_1027 = arith.constant 128 : i32
        %mul3A_1028 = arith.muli %sub3A_783, %mul3A_1027 : i32
        %add3A_1029 = arith.constant 112 : i32
        %add3A_1030 = arith.addi %mul3A_1028, %add3A_1029 : i32
        %swap3A_1031 = arith.index_cast %add3A_1030 : i32 to index
        %swap3A_1032 = tpu.vector_load %arg7[%swap3A_1031] {strides = array<i32>} : memref<12800xi32, #tpu.memory_space<vmem>>, vector<16xi32>,
        tpu.vector_store %arg7[%swap3A_1031], %gather3A_1026 {strides = array<i32>} : memref<12800xi32, #tpu.memory_space<vmem>>, vector<16xi32>,
        %mul3A_1033 = arith.constant 2 : i32
        %mul3A_1034 = vector.broadcast %mul3A_1033 : i32 to vector<16xi32>
        %mul3A_1035 = arith.muli %mul3A_1034, %add3A_1022 : vector<16xi32>
        %add3A_1036 = arith.constant 1 : i32
        %add3A_1037 = vector.broadcast %add3A_1036 : i32 to vector<16xi32>
        %add3A_1038 = arith.addi %mul3A_1035, %add3A_1037 : vector<16xi32>
        %gather3A_1039 = tpu.vector_load_idx %arg6[%add3A_1038] : memref<12800xi32, #tpu.memory_space<vmem>>[vector<16xi32>], vector<16xi32>,
        %mul3A_1040 = arith.constant 128 : i32
        %mul3A_1041 = arith.muli %sub3A_783, %mul3A_1040 : i32
        %add3A_1042 = arith.constant 6400 : i32
        %add3A_1043 = arith.addi %add3A_1042, %mul3A_1041 : i32
        %add3A_1044 = arith.constant 112 : i32
        %add3A_1045 = arith.addi %add3A_1043, %add3A_1044 : i32
        %swap3A_1046 = arith.index_cast %add3A_1045 : i32 to index
        %swap3A_1047 = tpu.vector_load %arg7[%swap3A_1046] {strides = array<i32>} : memref<12800xi32, #tpu.memory_space<vmem>>, vector<16xi32>,
        tpu.vector_store %arg7[%swap3A_1046], %gather3A_1039 {strides = array<i32>} : memref<12800xi32, #tpu.memory_space<vmem>>, vector<16xi32>,
        %add3A_1048 = arith.constant 3 : i32
        %add3A_1049 = arith.addi %add3A_657, %add3A_1048 : i32
        %sub3A_1050 = arith.constant 1 : i32
        %sub3A_1051 = arith.subi %add3A_1049, %sub3A_1050 : i32
        %mul3A_1052 = arith.constant 128 : i32
        %mul3A_1053 = arith.muli %sub3A_1051, %mul3A_1052 : i32
        %dma_start3A_1054 = arith.constant 0 : i32
        %dma_start3A_1055 = arith.constant 0 : i32
        %dma_start3A_1056 = arith.constant 0 : i32
        %dma_start3A_1057 = arith.constant 0 : i32
        %dma_start3A_1058 = tpu.memref_slice %arg8[%dma_start3A_1054, %dma_start3A_1056, %dma_start3A_1057] : memref<3x128x256xf32, #tpu.memory_space<vmem>> -> memref<1x128x128xf32, #tpu.memory_space<vmem>>
        %dma_start3A_1059 = tpu.memref_squeeze %dma_start3A_1058 : memref<1x128x128xf32, #tpu.memory_space<vmem>> -> memref<128x128xf32, #tpu.memory_space<vmem>>
        %dma_start3A_1060 = tpu.memref_slice %arg7[%mul3A_1053] : memref<12800xi32, #tpu.memory_space<vmem>> -> memref<128xi32, #tpu.memory_space<vmem>>
        %dma_start3A_1061 = arith.constant 0 : i32
        %dma_start3A_1062 = arith.constant 0 : i32
        %dma_start3A_1063 = tpu.memref_slice %arg3[%dma_start3A_1061, %dma_start3A_1062] : memref<65536x128xf32, #tpu.memory_space<hbm>> -> memref<65536x128xf32, #tpu.memory_space<hbm>>
        %dma_start3A_1064 = tpu.memref_slice %arg9[%dma_start3A_1055] : memref<3x!tpu.dma_semaphore, #tpu.memory_space<semaphore_mem>> -> memref<1x!tpu.dma_semaphore, #tpu.memory_space<semaphore_mem>>
        %dma_start3A_1065 = tpu.memref_squeeze %dma_start3A_1064 : memref<1x!tpu.dma_semaphore, #tpu.memory_space<semaphore_mem>> -> memref<!tpu.dma_semaphore, #tpu.memory_space<semaphore_mem>>
        tpu.enqueue_indirect_dma source(%dma_start3A_1063 : memref<65536x128xf32, #tpu.memory_space<hbm>>) target(%dma_start3A_1059 : memref<128x128xf32, #tpu.memory_space<vmem>>) offsets(%dma_start3A_1060 : memref<128xi32, #tpu.memory_space<vmem>>) semaphore(%dma_start3A_1065 : memref<!tpu.dma_semaphore, #tpu.memory_space<semaphore_mem>>)
        %mul3A_1066 = arith.constant 128 : i32
        %mul3A_1067 = arith.muli %sub3A_1051, %mul3A_1066 : i32
        %add3A_1068 = arith.constant 6400 : i32
        %add3A_1069 = arith.addi %add3A_1068, %mul3A_1067 : i32
        %dma_start3A_1070 = arith.constant 0 : i32
        %dma_start3A_1071 = arith.constant 0 : i32
        %dma_start3A_1072 = arith.constant 0 : i32
        %dma_start3A_1073 = arith.constant 128 : i32
        %dma_start3A_1074 = tpu.memref_slice %arg8[%dma_start3A_1070, %dma_start3A_1072, %dma_start3A_1073] : memref<3x128x256xf32, #tpu.memory_space<vmem>> -> memref<1x128x128xf32, #tpu.memory_space<vmem>>
        %dma_start3A_1075 = tpu.memref_squeeze %dma_start3A_1074 : memref<1x128x128xf32, #tpu.memory_space<vmem>> -> memref<128x128xf32, #tpu.memory_space<vmem>>
        %dma_start3A_1076 = tpu.memref_slice %arg7[%add3A_1069] : memref<12800xi32, #tpu.memory_space<vmem>> -> memref<128xi32, #tpu.memory_space<vmem>>
        %dma_start3A_1077 = arith.constant 0 : i32
        %dma_start3A_1078 = arith.constant 0 : i32
        %dma_start3A_1079 = tpu.memref_slice %arg4[%dma_start3A_1077, %dma_start3A_1078] : memref<65536x128xf32, #tpu.memory_space<hbm>> -> memref<65536x128xf32, #tpu.memory_space<hbm>>
        %dma_start3A_1080 = tpu.memref_slice %arg9[%dma_start3A_1071] : memref<3x!tpu.dma_semaphore, #tpu.memory_space<semaphore_mem>> -> memref<1x!tpu.dma_semaphore, #tpu.memory_space<semaphore_mem>>
        %dma_start3A_1081 = tpu.memref_squeeze %dma_start3A_1080 : memref<1x!tpu.dma_semaphore, #tpu.memory_space<semaphore_mem>> -> memref<!tpu.dma_semaphore, #tpu.memory_space<semaphore_mem>>
        tpu.enqueue_indirect_dma source(%dma_start3A_1079 : memref<65536x128xf32, #tpu.memory_space<hbm>>) target(%dma_start3A_1075 : memref<128x128xf32, #tpu.memory_space<vmem>>) offsets(%dma_start3A_1076 : memref<128xi32, #tpu.memory_space<vmem>>) semaphore(%dma_start3A_1081 : memref<!tpu.dma_semaphore, #tpu.memory_space<semaphore_mem>>)
      } else {
      }
      %dma_wait3A_672 = arith.constant 1 : i32
      %dma_wait3A_673 = arith.constant 1 : i32
      %dma_wait3A_674 = arith.constant 0 : i32
      %dma_wait3A_675 = arith.constant 0 : i32
      %dma_wait3A_676 = tpu.memref_slice %arg8[%dma_wait3A_672, %dma_wait3A_674, %dma_wait3A_675] : memref<3x128x256xf32, #tpu.memory_space<vmem>> -> memref<1x128x128xf32, #tpu.memory_space<vmem>>
      %dma_wait3A_677 = tpu.memref_squeeze %dma_wait3A_676 : memref<1x128x128xf32, #tpu.memory_space<vmem>> -> memref<128x128xf32, #tpu.memory_space<vmem>>
      %dma_wait3A_678 = arith.constant 0 : i32
      %dma_wait3A_679 = tpu.memref_slice %arg7[%dma_wait3A_678] : memref<12800xi32, #tpu.memory_space<vmem>> -> memref<128xi32, #tpu.memory_space<vmem>>
      %dma_wait3A_680 = arith.constant 0 : i32
      %dma_wait3A_681 = arith.constant 0 : i32
      %dma_wait3A_682 = tpu.memref_slice %arg3[%dma_wait3A_680, %dma_wait3A_681] : memref<65536x128xf32, #tpu.memory_space<hbm>> -> memref<65536x128xf32, #tpu.memory_space<hbm>>
      %dma_wait3A_683 = tpu.memref_slice %arg9[%dma_wait3A_673] : memref<3x!tpu.dma_semaphore, #tpu.memory_space<semaphore_mem>> -> memref<1x!tpu.dma_semaphore, #tpu.memory_space<semaphore_mem>>
      %dma_wait3A_684 = tpu.memref_squeeze %dma_wait3A_683 : memref<1x!tpu.dma_semaphore, #tpu.memory_space<semaphore_mem>> -> memref<!tpu.dma_semaphore, #tpu.memory_space<semaphore_mem>>
      tpu.wait_indirect_dma semaphore(%dma_wait3A_684 : memref<!tpu.dma_semaphore, #tpu.memory_space<semaphore_mem>>) src(%dma_wait3A_682 : memref<65536x128xf32, #tpu.memory_space<hbm>>) dst(%dma_wait3A_677 : memref<128x128xf32, #tpu.memory_space<vmem>>)
      %dma_wait3A_685 = arith.constant 1 : i32
      %dma_wait3A_686 = arith.constant 1 : i32
      %dma_wait3A_687 = arith.constant 0 : i32
      %dma_wait3A_688 = arith.constant 128 : i32
      %dma_wait3A_689 = tpu.memref_slice %arg8[%dma_wait3A_685, %dma_wait3A_687, %dma_wait3A_688] : memref<3x128x256xf32, #tpu.memory_space<vmem>> -> memref<1x128x128xf32, #tpu.memory_space<vmem>>
      %dma_wait3A_690 = tpu.memref_squeeze %dma_wait3A_689 : memref<1x128x128xf32, #tpu.memory_space<vmem>> -> memref<128x128xf32, #tpu.memory_space<vmem>>
      %dma_wait3A_691 = arith.constant 0 : i32
      %dma_wait3A_692 = tpu.memref_slice %arg7[%dma_wait3A_691] : memref<12800xi32, #tpu.memory_space<vmem>> -> memref<128xi32, #tpu.memory_space<vmem>>
      %dma_wait3A_693 = arith.constant 0 : i32
      %dma_wait3A_694 = arith.constant 0 : i32
      %dma_wait3A_695 = tpu.memref_slice %arg4[%dma_wait3A_693, %dma_wait3A_694] : memref<65536x128xf32, #tpu.memory_space<hbm>> -> memref<65536x128xf32, #tpu.memory_space<hbm>>
      %dma_wait3A_696 = tpu.memref_slice %arg9[%dma_wait3A_686] : memref<3x!tpu.dma_semaphore, #tpu.memory_space<semaphore_mem>> -> memref<1x!tpu.dma_semaphore, #tpu.memory_space<semaphore_mem>>
      %dma_wait3A_697 = tpu.memref_squeeze %dma_wait3A_696 : memref<1x!tpu.dma_semaphore, #tpu.memory_space<semaphore_mem>> -> memref<!tpu.dma_semaphore, #tpu.memory_space<semaphore_mem>>
      tpu.wait_indirect_dma semaphore(%dma_wait3A_697 : memref<!tpu.dma_semaphore, #tpu.memory_space<semaphore_mem>>) src(%dma_wait3A_695 : memref<65536x128xf32, #tpu.memory_space<hbm>>) dst(%dma_wait3A_690 : memref<128x128xf32, #tpu.memory_space<vmem>>)
      %mul3A_698 = arith.constant 128 : i32
      %mul3A_699 = arith.muli %add3A, %mul3A_698 : i32
      %dma_start3A_700 = arith.constant 1 : i32
      %dma_start3A_701 = arith.constant 1 : i32
      %dma_start3A_702 = arith.constant 0 : i32
      %dma_start3A_703 = arith.constant 0 : i32
      %dma_start3A_704 = tpu.memref_slice %arg8[%dma_start3A_700, %dma_start3A_702, %dma_start3A_703] : memref<3x128x256xf32, #tpu.memory_space<vmem>> -> memref<1x128x256xf32, #tpu.memory_space<vmem>>
      %dma_start3A_705 = tpu.memref_squeeze %dma_start3A_704 : memref<1x128x256xf32, #tpu.memory_space<vmem>> -> memref<128x256xf32, #tpu.memory_space<vmem>>
      %dma_start3A_706 = arith.constant 0 : i32
      %dma_start3A_707 = tpu.memref_slice %arg5[%add3A_657, %mul3A_699, %dma_start3A_706] : memref<50x4096x256xf32, #tpu.memory_space<hbm>> -> memref<1x128x256xf32, #tpu.memory_space<hbm>>
      %dma_start3A_708 = tpu.memref_squeeze %dma_start3A_707 : memref<1x128x256xf32, #tpu.memory_space<hbm>> -> memref<128x256xf32, #tpu.memory_space<hbm>>
      %dma_start3A_709 = tpu.memref_slice %arg10[%dma_start3A_701] : memref<3x!tpu.dma_semaphore, #tpu.memory_space<semaphore_mem>> -> memref<1x!tpu.dma_semaphore, #tpu.memory_space<semaphore_mem>>
      %dma_start3A_710 = tpu.memref_squeeze %dma_start3A_709 : memref<1x!tpu.dma_semaphore, #tpu.memory_space<semaphore_mem>> -> memref<!tpu.dma_semaphore, #tpu.memory_space<semaphore_mem>>
      %dma_start3A_711 = arith.constant 0 : i32
      %dma_start3A_712 = tpu.memref_slice %arg5[%add3A_657, %mul3A_699, %dma_start3A_711] : memref<50x4096x256xf32, #tpu.memory_space<hbm>> -> memref<1x128x256xf32, #tpu.memory_space<hbm>>
      %dma_start3A_713 = tpu.memref_squeeze %dma_start3A_712 : memref<1x128x256xf32, #tpu.memory_space<hbm>> -> memref<128x256xf32, #tpu.memory_space<hbm>>
      %dma_start3A_714 = arith.constant 0 : i32
      %dma_start3A_715 = arith.constant 0 : i32
      %dma_start3A_716 = tpu.memref_slice %arg8[%dma_start3A_700, %dma_start3A_714, %dma_start3A_715] : memref<3x128x256xf32, #tpu.memory_space<vmem>> -> memref<1x128x256xf32, #tpu.memory_space<vmem>>
      %dma_start3A_717 = tpu.memref_squeeze %dma_start3A_716 : memref<1x128x256xf32, #tpu.memory_space<vmem>> -> memref<128x256xf32, #tpu.memory_space<vmem>>
      tpu.enqueue_dma source(%dma_start3A_717 : memref<128x256xf32, #tpu.memory_space<vmem>>) target(%dma_start3A_713 : memref<128x256xf32, #tpu.memory_space<hbm>>) target_semaphore(%dma_start3A_710 : memref<!tpu.dma_semaphore, #tpu.memory_space<semaphore_mem>>)
      %add3A_718 = arith.constant 2 : i32
      %add3A_719 = arith.addi %add3A_598, %add3A_718 : i32
      %ge3A_720 = arith.constant 1 : i32
      %ge3A_721 = arith.cmpi sge, %add3A_719, %ge3A_720 : i32
      %convert_element_type3A_722 = arith.extui %ge3A_721 : i1 to i32
      %cond3A_723 = arith.constant 0 : i32
      %cond3A_724 = arith.cmpi ne, %convert_element_type3A_722, %cond3A_723 : i32
      scf.if %cond3A_724 {
        %dma_wait3A_780 = arith.constant 1 : i32
        %dma_wait3A_781 = arith.constant 0 : i32
        %dma_wait3A_782 = arith.constant 1 : i32
        %dma_wait3A_783 = arith.constant 0 : i32
        %dma_wait3A_784 = arith.constant 0 : i32
        %dma_wait3A_785 = tpu.memref_slice %arg8[%dma_wait3A_780, %dma_wait3A_783, %dma_wait3A_784] : memref<3x128x256xf32, #tpu.memory_space<vmem>> -> memref<1x128x256xf32, #tpu.memory_space<vmem>>
        %dma_wait3A_786 = tpu.memref_squeeze %dma_wait3A_785 : memref<1x128x256xf32, #tpu.memory_space<vmem>> -> memref<128x256xf32, #tpu.memory_space<vmem>>
        %dma_wait3A_787 = arith.constant 0 : i32
        %dma_wait3A_788 = arith.constant 0 : i32
        %dma_wait3A_789 = tpu.memref_slice %arg5[%dma_wait3A_781, %dma_wait3A_787, %dma_wait3A_788] : memref<50x4096x256xf32, #tpu.memory_space<hbm>> -> memref<1x128x256xf32, #tpu.memory_space<hbm>>
        %dma_wait3A_790 = tpu.memref_squeeze %dma_wait3A_789 : memref<1x128x256xf32, #tpu.memory_space<hbm>> -> memref<128x256xf32, #tpu.memory_space<hbm>>
        %dma_wait3A_791 = tpu.memref_slice %arg10[%dma_wait3A_782] : memref<3x!tpu.dma_semaphore, #tpu.memory_space<semaphore_mem>> -> memref<1x!tpu.dma_semaphore, #tpu.memory_space<semaphore_mem>>
        %dma_wait3A_792 = tpu.memref_squeeze %dma_wait3A_791 : memref<1x!tpu.dma_semaphore, #tpu.memory_space<semaphore_mem>> -> memref<!tpu.dma_semaphore, #tpu.memory_space<semaphore_mem>>
        %dma_wait3A_793 = arith.constant 0 : i32
        %dma_wait3A_794 = arith.constant 0 : i32
        %dma_wait3A_795 = tpu.memref_slice %arg5[%dma_wait3A_781, %dma_wait3A_793, %dma_wait3A_794] : memref<50x4096x256xf32, #tpu.memory_space<hbm>> -> memref<1x128x256xf32, #tpu.memory_space<hbm>>
        %dma_wait3A_796 = tpu.memref_squeeze %dma_wait3A_795 : memref<1x128x256xf32, #tpu.memory_space<hbm>> -> memref<128x256xf32, #tpu.memory_space<hbm>>
        %dma_wait3A_797 = arith.constant 0 : i32
        %dma_wait3A_798 = arith.constant 0 : i32
        %dma_wait3A_799 = tpu.memref_slice %arg8[%dma_wait3A_780, %dma_wait3A_797, %dma_wait3A_798] : memref<3x128x256xf32, #tpu.memory_space<vmem>> -> memref<1x128x256xf32, #tpu.memory_space<vmem>>
        %dma_wait3A_800 = tpu.memref_squeeze %dma_wait3A_799 : memref<1x128x256xf32, #tpu.memory_space<vmem>> -> memref<128x256xf32, #tpu.memory_space<vmem>>
        tpu.wait_dma2 semaphore(%dma_wait3A_792 : memref<!tpu.dma_semaphore, #tpu.memory_space<semaphore_mem>>) src(%dma_wait3A_800 : memref<128x256xf32, #tpu.memory_space<vmem>>) dst(%dma_wait3A_796 : memref<128x256xf32, #tpu.memory_space<hbm>>)
      } else {
      }
      %add3A_725 = arith.constant 3 : i32
      %add3A_726 = arith.addi %add3A_719, %add3A_725 : i32
      %sub3A_727 = arith.constant 1 : i32
      %sub3A_728 = arith.subi %add3A_726, %sub3A_727 : i32
      %lt3A_729 = arith.constant 50 : i32
      %lt3A_730 = arith.cmpi slt, %sub3A_728, %lt3A_729 : i32
      %convert_element_type3A_731 = arith.extui %lt3A_730 : i1 to i32
      %cond3A_732 = arith.constant 0 : i32
      %cond3A_733 = arith.cmpi ne, %convert_element_type3A_731, %cond3A_732 : i32
      scf.if %cond3A_733 {
        %add3A_780 = arith.constant 3 : i32
        %add3A_781 = arith.addi %add3A_719, %add3A_780 : i32
        %sub3A_782 = arith.constant 1 : i32
        %sub3A_783 = arith.subi %add3A_781, %sub3A_782 : i32
        %add3A_784 = arith.constant 0 : i32
        %add3A_785 = vector.broadcast %add3A_784 : i32 to vector<16xi32>
        %add3A_786 = arith.addi %add3A_785, %iota3A : vector<16xi32>
        %mul3A_787 = arith.constant 50 : i32
        %mul3A_788 = vector.broadcast %mul3A_787 : i32 to vector<16xi32>
        %mul3A_789 = arith.muli %add3A_786, %mul3A_788 : vector<16xi32>
        %add3A_790 = vector.broadcast %sub3A_783 : i32 to vector<16xi32>
        %add3A_791 = arith.addi %mul3A_789, %add3A_790 : vector<16xi32>
        %mul3A_792 = arith.constant 2 : i32
        %mul3A_793 = vector.broadcast %mul3A_792 : i32 to vector<16xi32>
        %mul3A_794 = arith.muli %mul3A_793, %add3A_791 : vector<16xi32>
        %gather3A_795 = tpu.vector_load_idx %arg6[%mul3A_794] : memref<12800xi32, #tpu.memory_space<vmem>>[vector<16xi32>], vector<16xi32>,
        %mul3A_796 = arith.constant 128 : i32
        %mul3A_797 = arith.muli %sub3A_783, %mul3A_796 : i32
        %add3A_798 = arith.constant 0 : i32
        %add3A_799 = arith.addi %mul3A_797, %add3A_798 : i32
        %swap3A_800 = arith.index_cast %add3A_799 : i32 to index
        %swap3A_801 = tpu.vector_load %arg7[%swap3A_800] {strides = array<i32>} : memref<12800xi32, #tpu.memory_space<vmem>>, vector<16xi32>,
        tpu.vector_store %arg7[%swap3A_800], %gather3A_795 {strides = array<i32>} : memref<12800xi32, #tpu.memory_space<vmem>>, vector<16xi32>,
        %mul3A_802 = arith.constant 2 : i32
        %mul3A_803 = vector.broadcast %mul3A_802 : i32 to vector<16xi32>
        %mul3A_804 = arith.muli %mul3A_803, %add3A_791 : vector<16xi32>
        %add3A_805 = arith.constant 1 : i32
        %add3A_806 = vector.broadcast %add3A_805 : i32 to vector<16xi32>
        %add3A_807 = arith.addi %mul3A_804, %add3A_806 : vector<16xi32>
        %gather3A_808 = tpu.vector_load_idx %arg6[%add3A_807] : memref<12800xi32, #tpu.memory_space<vmem>>[vector<16xi32>], vector<16xi32>,
        %mul3A_809 = arith.constant 128 : i32
        %mul3A_810 = arith.muli %sub3A_783, %mul3A_809 : i32
        %add3A_811 = arith.constant 6400 : i32
        %add3A_812 = arith.addi %add3A_811, %mul3A_810 : i32
        %add3A_813 = arith.constant 0 : i32
        %add3A_814 = arith.addi %add3A_812, %add3A_813 : i32
        %swap3A_815 = arith.index_cast %add3A_814 : i32 to index
        %swap3A_816 = tpu.vector_load %arg7[%swap3A_815] {strides = array<i32>} : memref<12800xi32, #tpu.memory_space<vmem>>, vector<16xi32>,
        tpu.vector_store %arg7[%swap3A_815], %gather3A_808 {strides = array<i32>} : memref<12800xi32, #tpu.memory_space<vmem>>, vector<16xi32>,
        %add3A_817 = arith.constant 16 : i32
        %add3A_818 = vector.broadcast %add3A_817 : i32 to vector<16xi32>
        %add3A_819 = arith.addi %add3A_818, %iota3A : vector<16xi32>
        %mul3A_820 = arith.constant 50 : i32
        %mul3A_821 = vector.broadcast %mul3A_820 : i32 to vector<16xi32>
        %mul3A_822 = arith.muli %add3A_819, %mul3A_821 : vector<16xi32>
        %add3A_823 = vector.broadcast %sub3A_783 : i32 to vector<16xi32>
        %add3A_824 = arith.addi %mul3A_822, %add3A_823 : vector<16xi32>
        %mul3A_825 = arith.constant 2 : i32
        %mul3A_826 = vector.broadcast %mul3A_825 : i32 to vector<16xi32>
        %mul3A_827 = arith.muli %mul3A_826, %add3A_824 : vector<16xi32>
        %gather3A_828 = tpu.vector_load_idx %arg6[%mul3A_827] : memref<12800xi32, #tpu.memory_space<vmem>>[vector<16xi32>], vector<16xi32>,
        %mul3A_829 = arith.constant 128 : i32
        %mul3A_830 = arith.muli %sub3A_783, %mul3A_829 : i32
        %add3A_831 = arith.constant 16 : i32
        %add3A_832 = arith.addi %mul3A_830, %add3A_831 : i32
        %swap3A_833 = arith.index_cast %add3A_832 : i32 to index
        %swap3A_834 = tpu.vector_load %arg7[%swap3A_833] {strides = array<i32>} : memref<12800xi32, #tpu.memory_space<vmem>>, vector<16xi32>,
        tpu.vector_store %arg7[%swap3A_833], %gather3A_828 {strides = array<i32>} : memref<12800xi32, #tpu.memory_space<vmem>>, vector<16xi32>,
        %mul3A_835 = arith.constant 2 : i32
        %mul3A_836 = vector.broadcast %mul3A_835 : i32 to vector<16xi32>
        %mul3A_837 = arith.muli %mul3A_836, %add3A_824 : vector<16xi32>
        %add3A_838 = arith.constant 1 : i32
        %add3A_839 = vector.broadcast %add3A_838 : i32 to vector<16xi32>
        %add3A_840 = arith.addi %mul3A_837, %add3A_839 : vector<16xi32>
        %gather3A_841 = tpu.vector_load_idx %arg6[%add3A_840] : memref<12800xi32, #tpu.memory_space<vmem>>[vector<16xi32>], vector<16xi32>,
        %mul3A_842 = arith.constant 128 : i32
        %mul3A_843 = arith.muli %sub3A_783, %mul3A_842 : i32
        %add3A_844 = arith.constant 6400 : i32
        %add3A_845 = arith.addi %add3A_844, %mul3A_843 : i32
        %add3A_846 = arith.constant 16 : i32
        %add3A_847 = arith.addi %add3A_845, %add3A_846 : i32
        %swap3A_848 = arith.index_cast %add3A_847 : i32 to index
        %swap3A_849 = tpu.vector_load %arg7[%swap3A_848] {strides = array<i32>} : memref<12800xi32, #tpu.memory_space<vmem>>, vector<16xi32>,
        tpu.vector_store %arg7[%swap3A_848], %gather3A_841 {strides = array<i32>} : memref<12800xi32, #tpu.memory_space<vmem>>, vector<16xi32>,
        %add3A_850 = arith.constant 32 : i32
        %add3A_851 = vector.broadcast %add3A_850 : i32 to vector<16xi32>
        %add3A_852 = arith.addi %add3A_851, %iota3A : vector<16xi32>
        %mul3A_853 = arith.constant 50 : i32
        %mul3A_854 = vector.broadcast %mul3A_853 : i32 to vector<16xi32>
        %mul3A_855 = arith.muli %add3A_852, %mul3A_854 : vector<16xi32>
        %add3A_856 = vector.broadcast %sub3A_783 : i32 to vector<16xi32>
        %add3A_857 = arith.addi %mul3A_855, %add3A_856 : vector<16xi32>
        %mul3A_858 = arith.constant 2 : i32
        %mul3A_859 = vector.broadcast %mul3A_858 : i32 to vector<16xi32>
        %mul3A_860 = arith.muli %mul3A_859, %add3A_857 : vector<16xi32>
        %gather3A_861 = tpu.vector_load_idx %arg6[%mul3A_860] : memref<12800xi32, #tpu.memory_space<vmem>>[vector<16xi32>], vector<16xi32>,
        %mul3A_862 = arith.constant 128 : i32
        %mul3A_863 = arith.muli %sub3A_783, %mul3A_862 : i32
        %add3A_864 = arith.constant 32 : i32
        %add3A_865 = arith.addi %mul3A_863, %add3A_864 : i32
        %swap3A_866 = arith.index_cast %add3A_865 : i32 to index
        %swap3A_867 = tpu.vector_load %arg7[%swap3A_866] {strides = array<i32>} : memref<12800xi32, #tpu.memory_space<vmem>>, vector<16xi32>,
        tpu.vector_store %arg7[%swap3A_866], %gather3A_861 {strides = array<i32>} : memref<12800xi32, #tpu.memory_space<vmem>>, vector<16xi32>,
        %mul3A_868 = arith.constant 2 : i32
        %mul3A_869 = vector.broadcast %mul3A_868 : i32 to vector<16xi32>
        %mul3A_870 = arith.muli %mul3A_869, %add3A_857 : vector<16xi32>
        %add3A_871 = arith.constant 1 : i32
        %add3A_872 = vector.broadcast %add3A_871 : i32 to vector<16xi32>
        %add3A_873 = arith.addi %mul3A_870, %add3A_872 : vector<16xi32>
        %gather3A_874 = tpu.vector_load_idx %arg6[%add3A_873] : memref<12800xi32, #tpu.memory_space<vmem>>[vector<16xi32>], vector<16xi32>,
        %mul3A_875 = arith.constant 128 : i32
        %mul3A_876 = arith.muli %sub3A_783, %mul3A_875 : i32
        %add3A_877 = arith.constant 6400 : i32
        %add3A_878 = arith.addi %add3A_877, %mul3A_876 : i32
        %add3A_879 = arith.constant 32 : i32
        %add3A_880 = arith.addi %add3A_878, %add3A_879 : i32
        %swap3A_881 = arith.index_cast %add3A_880 : i32 to index
        %swap3A_882 = tpu.vector_load %arg7[%swap3A_881] {strides = array<i32>} : memref<12800xi32, #tpu.memory_space<vmem>>, vector<16xi32>,
        tpu.vector_store %arg7[%swap3A_881], %gather3A_874 {strides = array<i32>} : memref<12800xi32, #tpu.memory_space<vmem>>, vector<16xi32>,
        %add3A_883 = arith.constant 48 : i32
        %add3A_884 = vector.broadcast %add3A_883 : i32 to vector<16xi32>
        %add3A_885 = arith.addi %add3A_884, %iota3A : vector<16xi32>
        %mul3A_886 = arith.constant 50 : i32
        %mul3A_887 = vector.broadcast %mul3A_886 : i32 to vector<16xi32>
        %mul3A_888 = arith.muli %add3A_885, %mul3A_887 : vector<16xi32>
        %add3A_889 = vector.broadcast %sub3A_783 : i32 to vector<16xi32>
        %add3A_890 = arith.addi %mul3A_888, %add3A_889 : vector<16xi32>
        %mul3A_891 = arith.constant 2 : i32
        %mul3A_892 = vector.broadcast %mul3A_891 : i32 to vector<16xi32>
        %mul3A_893 = arith.muli %mul3A_892, %add3A_890 : vector<16xi32>
        %gather3A_894 = tpu.vector_load_idx %arg6[%mul3A_893] : memref<12800xi32, #tpu.memory_space<vmem>>[vector<16xi32>], vector<16xi32>,
        %mul3A_895 = arith.constant 128 : i32
        %mul3A_896 = arith.muli %sub3A_783, %mul3A_895 : i32
        %add3A_897 = arith.constant 48 : i32
        %add3A_898 = arith.addi %mul3A_896, %add3A_897 : i32
        %swap3A_899 = arith.index_cast %add3A_898 : i32 to index
        %swap3A_900 = tpu.vector_load %arg7[%swap3A_899] {strides = array<i32>} : memref<12800xi32, #tpu.memory_space<vmem>>, vector<16xi32>,
        tpu.vector_store %arg7[%swap3A_899], %gather3A_894 {strides = array<i32>} : memref<12800xi32, #tpu.memory_space<vmem>>, vector<16xi32>,
        %mul3A_901 = arith.constant 2 : i32
        %mul3A_902 = vector.broadcast %mul3A_901 : i32 to vector<16xi32>
        %mul3A_903 = arith.muli %mul3A_902, %add3A_890 : vector<16xi32>
        %add3A_904 = arith.constant 1 : i32
        %add3A_905 = vector.broadcast %add3A_904 : i32 to vector<16xi32>
        %add3A_906 = arith.addi %mul3A_903, %add3A_905 : vector<16xi32>
        %gather3A_907 = tpu.vector_load_idx %arg6[%add3A_906] : memref<12800xi32, #tpu.memory_space<vmem>>[vector<16xi32>], vector<16xi32>,
        %mul3A_908 = arith.constant 128 : i32
        %mul3A_909 = arith.muli %sub3A_783, %mul3A_908 : i32
        %add3A_910 = arith.constant 6400 : i32
        %add3A_911 = arith.addi %add3A_910, %mul3A_909 : i32
        %add3A_912 = arith.constant 48 : i32
        %add3A_913 = arith.addi %add3A_911, %add3A_912 : i32
        %swap3A_914 = arith.index_cast %add3A_913 : i32 to index
        %swap3A_915 = tpu.vector_load %arg7[%swap3A_914] {strides = array<i32>} : memref<12800xi32, #tpu.memory_space<vmem>>, vector<16xi32>,
        tpu.vector_store %arg7[%swap3A_914], %gather3A_907 {strides = array<i32>} : memref<12800xi32, #tpu.memory_space<vmem>>, vector<16xi32>,
        %add3A_916 = arith.constant 64 : i32
        %add3A_917 = vector.broadcast %add3A_916 : i32 to vector<16xi32>
        %add3A_918 = arith.addi %add3A_917, %iota3A : vector<16xi32>
        %mul3A_919 = arith.constant 50 : i32
        %mul3A_920 = vector.broadcast %mul3A_919 : i32 to vector<16xi32>
        %mul3A_921 = arith.muli %add3A_918, %mul3A_920 : vector<16xi32>
        %add3A_922 = vector.broadcast %sub3A_783 : i32 to vector<16xi32>
        %add3A_923 = arith.addi %mul3A_921, %add3A_922 : vector<16xi32>
        %mul3A_924 = arith.constant 2 : i32
        %mul3A_925 = vector.broadcast %mul3A_924 : i32 to vector<16xi32>
        %mul3A_926 = arith.muli %mul3A_925, %add3A_923 : vector<16xi32>
        %gather3A_927 = tpu.vector_load_idx %arg6[%mul3A_926] : memref<12800xi32, #tpu.memory_space<vmem>>[vector<16xi32>], vector<16xi32>,
        %mul3A_928 = arith.constant 128 : i32
        %mul3A_929 = arith.muli %sub3A_783, %mul3A_928 : i32
        %add3A_930 = arith.constant 64 : i32
        %add3A_931 = arith.addi %mul3A_929, %add3A_930 : i32
        %swap3A_932 = arith.index_cast %add3A_931 : i32 to index
        %swap3A_933 = tpu.vector_load %arg7[%swap3A_932] {strides = array<i32>} : memref<12800xi32, #tpu.memory_space<vmem>>, vector<16xi32>,
        tpu.vector_store %arg7[%swap3A_932], %gather3A_927 {strides = array<i32>} : memref<12800xi32, #tpu.memory_space<vmem>>, vector<16xi32>,
        %mul3A_934 = arith.constant 2 : i32
        %mul3A_935 = vector.broadcast %mul3A_934 : i32 to vector<16xi32>
        %mul3A_936 = arith.muli %mul3A_935, %add3A_923 : vector<16xi32>
        %add3A_937 = arith.constant 1 : i32
        %add3A_938 = vector.broadcast %add3A_937 : i32 to vector<16xi32>
        %add3A_939 = arith.addi %mul3A_936, %add3A_938 : vector<16xi32>
        %gather3A_940 = tpu.vector_load_idx %arg6[%add3A_939] : memref<12800xi32, #tpu.memory_space<vmem>>[vector<16xi32>], vector<16xi32>,
        %mul3A_941 = arith.constant 128 : i32
        %mul3A_942 = arith.muli %sub3A_783, %mul3A_941 : i32
        %add3A_943 = arith.constant 6400 : i32
        %add3A_944 = arith.addi %add3A_943, %mul3A_942 : i32
        %add3A_945 = arith.constant 64 : i32
        %add3A_946 = arith.addi %add3A_944, %add3A_945 : i32
        %swap3A_947 = arith.index_cast %add3A_946 : i32 to index
        %swap3A_948 = tpu.vector_load %arg7[%swap3A_947] {strides = array<i32>} : memref<12800xi32, #tpu.memory_space<vmem>>, vector<16xi32>,
        tpu.vector_store %arg7[%swap3A_947], %gather3A_940 {strides = array<i32>} : memref<12800xi32, #tpu.memory_space<vmem>>, vector<16xi32>,
        %add3A_949 = arith.constant 80 : i32
        %add3A_950 = vector.broadcast %add3A_949 : i32 to vector<16xi32>
        %add3A_951 = arith.addi %add3A_950, %iota3A : vector<16xi32>
        %mul3A_952 = arith.constant 50 : i32
        %mul3A_953 = vector.broadcast %mul3A_952 : i32 to vector<16xi32>
        %mul3A_954 = arith.muli %add3A_951, %mul3A_953 : vector<16xi32>
        %add3A_955 = vector.broadcast %sub3A_783 : i32 to vector<16xi32>
        %add3A_956 = arith.addi %mul3A_954, %add3A_955 : vector<16xi32>
        %mul3A_957 = arith.constant 2 : i32
        %mul3A_958 = vector.broadcast %mul3A_957 : i32 to vector<16xi32>
        %mul3A_959 = arith.muli %mul3A_958, %add3A_956 : vector<16xi32>
        %gather3A_960 = tpu.vector_load_idx %arg6[%mul3A_959] : memref<12800xi32, #tpu.memory_space<vmem>>[vector<16xi32>], vector<16xi32>,
        %mul3A_961 = arith.constant 128 : i32
        %mul3A_962 = arith.muli %sub3A_783, %mul3A_961 : i32
        %add3A_963 = arith.constant 80 : i32
        %add3A_964 = arith.addi %mul3A_962, %add3A_963 : i32
        %swap3A_965 = arith.index_cast %add3A_964 : i32 to index
        %swap3A_966 = tpu.vector_load %arg7[%swap3A_965] {strides = array<i32>} : memref<12800xi32, #tpu.memory_space<vmem>>, vector<16xi32>,
        tpu.vector_store %arg7[%swap3A_965], %gather3A_960 {strides = array<i32>} : memref<12800xi32, #tpu.memory_space<vmem>>, vector<16xi32>,
        %mul3A_967 = arith.constant 2 : i32
        %mul3A_968 = vector.broadcast %mul3A_967 : i32 to vector<16xi32>
        %mul3A_969 = arith.muli %mul3A_968, %add3A_956 : vector<16xi32>
        %add3A_970 = arith.constant 1 : i32
        %add3A_971 = vector.broadcast %add3A_970 : i32 to vector<16xi32>
        %add3A_972 = arith.addi %mul3A_969, %add3A_971 : vector<16xi32>
        %gather3A_973 = tpu.vector_load_idx %arg6[%add3A_972] : memref<12800xi32, #tpu.memory_space<vmem>>[vector<16xi32>], vector<16xi32>,
        %mul3A_974 = arith.constant 128 : i32
        %mul3A_975 = arith.muli %sub3A_783, %mul3A_974 : i32
        %add3A_976 = arith.constant 6400 : i32
        %add3A_977 = arith.addi %add3A_976, %mul3A_975 : i32
        %add3A_978 = arith.constant 80 : i32
        %add3A_979 = arith.addi %add3A_977, %add3A_978 : i32
        %swap3A_980 = arith.index_cast %add3A_979 : i32 to index
        %swap3A_981 = tpu.vector_load %arg7[%swap3A_980] {strides = array<i32>} : memref<12800xi32, #tpu.memory_space<vmem>>, vector<16xi32>,
        tpu.vector_store %arg7[%swap3A_980], %gather3A_973 {strides = array<i32>} : memref<12800xi32, #tpu.memory_space<vmem>>, vector<16xi32>,
        %add3A_982 = arith.constant 96 : i32
        %add3A_983 = vector.broadcast %add3A_982 : i32 to vector<16xi32>
        %add3A_984 = arith.addi %add3A_983, %iota3A : vector<16xi32>
        %mul3A_985 = arith.constant 50 : i32
        %mul3A_986 = vector.broadcast %mul3A_985 : i32 to vector<16xi32>
        %mul3A_987 = arith.muli %add3A_984, %mul3A_986 : vector<16xi32>
        %add3A_988 = vector.broadcast %sub3A_783 : i32 to vector<16xi32>
        %add3A_989 = arith.addi %mul3A_987, %add3A_988 : vector<16xi32>
        %mul3A_990 = arith.constant 2 : i32
        %mul3A_991 = vector.broadcast %mul3A_990 : i32 to vector<16xi32>
        %mul3A_992 = arith.muli %mul3A_991, %add3A_989 : vector<16xi32>
        %gather3A_993 = tpu.vector_load_idx %arg6[%mul3A_992] : memref<12800xi32, #tpu.memory_space<vmem>>[vector<16xi32>], vector<16xi32>,
        %mul3A_994 = arith.constant 128 : i32
        %mul3A_995 = arith.muli %sub3A_783, %mul3A_994 : i32
        %add3A_996 = arith.constant 96 : i32
        %add3A_997 = arith.addi %mul3A_995, %add3A_996 : i32
        %swap3A_998 = arith.index_cast %add3A_997 : i32 to index
        %swap3A_999 = tpu.vector_load %arg7[%swap3A_998] {strides = array<i32>} : memref<12800xi32, #tpu.memory_space<vmem>>, vector<16xi32>,
        tpu.vector_store %arg7[%swap3A_998], %gather3A_993 {strides = array<i32>} : memref<12800xi32, #tpu.memory_space<vmem>>, vector<16xi32>,
        %mul3A_1000 = arith.constant 2 : i32
        %mul3A_1001 = vector.broadcast %mul3A_1000 : i32 to vector<16xi32>
        %mul3A_1002 = arith.muli %mul3A_1001, %add3A_989 : vector<16xi32>
        %add3A_1003 = arith.constant 1 : i32
        %add3A_1004 = vector.broadcast %add3A_1003 : i32 to vector<16xi32>
        %add3A_1005 = arith.addi %mul3A_1002, %add3A_1004 : vector<16xi32>
        %gather3A_1006 = tpu.vector_load_idx %arg6[%add3A_1005] : memref<12800xi32, #tpu.memory_space<vmem>>[vector<16xi32>], vector<16xi32>,
        %mul3A_1007 = arith.constant 128 : i32
        %mul3A_1008 = arith.muli %sub3A_783, %mul3A_1007 : i32
        %add3A_1009 = arith.constant 6400 : i32
        %add3A_1010 = arith.addi %add3A_1009, %mul3A_1008 : i32
        %add3A_1011 = arith.constant 96 : i32
        %add3A_1012 = arith.addi %add3A_1010, %add3A_1011 : i32
        %swap3A_1013 = arith.index_cast %add3A_1012 : i32 to index
        %swap3A_1014 = tpu.vector_load %arg7[%swap3A_1013] {strides = array<i32>} : memref<12800xi32, #tpu.memory_space<vmem>>, vector<16xi32>,
        tpu.vector_store %arg7[%swap3A_1013], %gather3A_1006 {strides = array<i32>} : memref<12800xi32, #tpu.memory_space<vmem>>, vector<16xi32>,
        %add3A_1015 = arith.constant 112 : i32
        %add3A_1016 = vector.broadcast %add3A_1015 : i32 to vector<16xi32>
        %add3A_1017 = arith.addi %add3A_1016, %iota3A : vector<16xi32>
        %mul3A_1018 = arith.constant 50 : i32
        %mul3A_1019 = vector.broadcast %mul3A_1018 : i32 to vector<16xi32>
        %mul3A_1020 = arith.muli %add3A_1017, %mul3A_1019 : vector<16xi32>
        %add3A_1021 = vector.broadcast %sub3A_783 : i32 to vector<16xi32>
        %add3A_1022 = arith.addi %mul3A_1020, %add3A_1021 : vector<16xi32>
        %mul3A_1023 = arith.constant 2 : i32
        %mul3A_1024 = vector.broadcast %mul3A_1023 : i32 to vector<16xi32>
        %mul3A_1025 = arith.muli %mul3A_1024, %add3A_1022 : vector<16xi32>
        %gather3A_1026 = tpu.vector_load_idx %arg6[%mul3A_1025] : memref<12800xi32, #tpu.memory_space<vmem>>[vector<16xi32>], vector<16xi32>,
        %mul3A_1027 = arith.constant 128 : i32
        %mul3A_1028 = arith.muli %sub3A_783, %mul3A_1027 : i32
        %add3A_1029 = arith.constant 112 : i32
        %add3A_1030 = arith.addi %mul3A_1028, %add3A_1029 : i32
        %swap3A_1031 = arith.index_cast %add3A_1030 : i32 to index
        %swap3A_1032 = tpu.vector_load %arg7[%swap3A_1031] {strides = array<i32>} : memref<12800xi32, #tpu.memory_space<vmem>>, vector<16xi32>,
        tpu.vector_store %arg7[%swap3A_1031], %gather3A_1026 {strides = array<i32>} : memref<12800xi32, #tpu.memory_space<vmem>>, vector<16xi32>,
        %mul3A_1033 = arith.constant 2 : i32
        %mul3A_1034 = vector.broadcast %mul3A_1033 : i32 to vector<16xi32>
        %mul3A_1035 = arith.muli %mul3A_1034, %add3A_1022 : vector<16xi32>
        %add3A_1036 = arith.constant 1 : i32
        %add3A_1037 = vector.broadcast %add3A_1036 : i32 to vector<16xi32>
        %add3A_1038 = arith.addi %mul3A_1035, %add3A_1037 : vector<16xi32>
        %gather3A_1039 = tpu.vector_load_idx %arg6[%add3A_1038] : memref<12800xi32, #tpu.memory_space<vmem>>[vector<16xi32>], vector<16xi32>,
        %mul3A_1040 = arith.constant 128 : i32
        %mul3A_1041 = arith.muli %sub3A_783, %mul3A_1040 : i32
        %add3A_1042 = arith.constant 6400 : i32
        %add3A_1043 = arith.addi %add3A_1042, %mul3A_1041 : i32
        %add3A_1044 = arith.constant 112 : i32
        %add3A_1045 = arith.addi %add3A_1043, %add3A_1044 : i32
        %swap3A_1046 = arith.index_cast %add3A_1045 : i32 to index
        %swap3A_1047 = tpu.vector_load %arg7[%swap3A_1046] {strides = array<i32>} : memref<12800xi32, #tpu.memory_space<vmem>>, vector<16xi32>,
        tpu.vector_store %arg7[%swap3A_1046], %gather3A_1039 {strides = array<i32>} : memref<12800xi32, #tpu.memory_space<vmem>>, vector<16xi32>,
        %add3A_1048 = arith.constant 3 : i32
        %add3A_1049 = arith.addi %add3A_719, %add3A_1048 : i32
        %sub3A_1050 = arith.constant 1 : i32
        %sub3A_1051 = arith.subi %add3A_1049, %sub3A_1050 : i32
        %mul3A_1052 = arith.constant 128 : i32
        %mul3A_1053 = arith.muli %sub3A_1051, %mul3A_1052 : i32
        %dma_start3A_1054 = arith.constant 1 : i32
        %dma_start3A_1055 = arith.constant 1 : i32
        %dma_start3A_1056 = arith.constant 0 : i32
        %dma_start3A_1057 = arith.constant 0 : i32
        %dma_start3A_1058 = tpu.memref_slice %arg8[%dma_start3A_1054, %dma_start3A_1056, %dma_start3A_1057] : memref<3x128x256xf32, #tpu.memory_space<vmem>> -> memref<1x128x128xf32, #tpu.memory_space<vmem>>
        %dma_start3A_1059 = tpu.memref_squeeze %dma_start3A_1058 : memref<1x128x128xf32, #tpu.memory_space<vmem>> -> memref<128x128xf32, #tpu.memory_space<vmem>>
        %dma_start3A_1060 = tpu.memref_slice %arg7[%mul3A_1053] : memref<12800xi32, #tpu.memory_space<vmem>> -> memref<128xi32, #tpu.memory_space<vmem>>
        %dma_start3A_1061 = arith.constant 0 : i32
        %dma_start3A_1062 = arith.constant 0 : i32
        %dma_start3A_1063 = tpu.memref_slice %arg3[%dma_start3A_1061, %dma_start3A_1062] : memref<65536x128xf32, #tpu.memory_space<hbm>> -> memref<65536x128xf32, #tpu.memory_space<hbm>>
        %dma_start3A_1064 = tpu.memref_slice %arg9[%dma_start3A_1055] : memref<3x!tpu.dma_semaphore, #tpu.memory_space<semaphore_mem>> -> memref<1x!tpu.dma_semaphore, #tpu.memory_space<semaphore_mem>>
        %dma_start3A_1065 = tpu.memref_squeeze %dma_start3A_1064 : memref<1x!tpu.dma_semaphore, #tpu.memory_space<semaphore_mem>> -> memref<!tpu.dma_semaphore, #tpu.memory_space<semaphore_mem>>
        tpu.enqueue_indirect_dma source(%dma_start3A_1063 : memref<65536x128xf32, #tpu.memory_space<hbm>>) target(%dma_start3A_1059 : memref<128x128xf32, #tpu.memory_space<vmem>>) offsets(%dma_start3A_1060 : memref<128xi32, #tpu.memory_space<vmem>>) semaphore(%dma_start3A_1065 : memref<!tpu.dma_semaphore, #tpu.memory_space<semaphore_mem>>)
        %mul3A_1066 = arith.constant 128 : i32
        %mul3A_1067 = arith.muli %sub3A_1051, %mul3A_1066 : i32
        %add3A_1068 = arith.constant 6400 : i32
        %add3A_1069 = arith.addi %add3A_1068, %mul3A_1067 : i32
        %dma_start3A_1070 = arith.constant 1 : i32
        %dma_start3A_1071 = arith.constant 1 : i32
        %dma_start3A_1072 = arith.constant 0 : i32
        %dma_start3A_1073 = arith.constant 128 : i32
        %dma_start3A_1074 = tpu.memref_slice %arg8[%dma_start3A_1070, %dma_start3A_1072, %dma_start3A_1073] : memref<3x128x256xf32, #tpu.memory_space<vmem>> -> memref<1x128x128xf32, #tpu.memory_space<vmem>>
        %dma_start3A_1075 = tpu.memref_squeeze %dma_start3A_1074 : memref<1x128x128xf32, #tpu.memory_space<vmem>> -> memref<128x128xf32, #tpu.memory_space<vmem>>
        %dma_start3A_1076 = tpu.memref_slice %arg7[%add3A_1069] : memref<12800xi32, #tpu.memory_space<vmem>> -> memref<128xi32, #tpu.memory_space<vmem>>
        %dma_start3A_1077 = arith.constant 0 : i32
        %dma_start3A_1078 = arith.constant 0 : i32
        %dma_start3A_1079 = tpu.memref_slice %arg4[%dma_start3A_1077, %dma_start3A_1078] : memref<65536x128xf32, #tpu.memory_space<hbm>> -> memref<65536x128xf32, #tpu.memory_space<hbm>>
        %dma_start3A_1080 = tpu.memref_slice %arg9[%dma_start3A_1071] : memref<3x!tpu.dma_semaphore, #tpu.memory_space<semaphore_mem>> -> memref<1x!tpu.dma_semaphore, #tpu.memory_space<semaphore_mem>>
        %dma_start3A_1081 = tpu.memref_squeeze %dma_start3A_1080 : memref<1x!tpu.dma_semaphore, #tpu.memory_space<semaphore_mem>> -> memref<!tpu.dma_semaphore, #tpu.memory_space<semaphore_mem>>
        tpu.enqueue_indirect_dma source(%dma_start3A_1079 : memref<65536x128xf32, #tpu.memory_space<hbm>>) target(%dma_start3A_1075 : memref<128x128xf32, #tpu.memory_space<vmem>>) offsets(%dma_start3A_1076 : memref<128xi32, #tpu.memory_space<vmem>>) semaphore(%dma_start3A_1081 : memref<!tpu.dma_semaphore, #tpu.memory_space<semaphore_mem>>)
      } else {
      }
      %dma_wait3A_734 = arith.constant 2 : i32
      %dma_wait3A_735 = arith.constant 2 : i32
      %dma_wait3A_736 = arith.constant 0 : i32
      %dma_wait3A_737 = arith.constant 0 : i32
      %dma_wait3A_738 = tpu.memref_slice %arg8[%dma_wait3A_734, %dma_wait3A_736, %dma_wait3A_737] : memref<3x128x256xf32, #tpu.memory_space<vmem>> -> memref<1x128x128xf32, #tpu.memory_space<vmem>>
      %dma_wait3A_739 = tpu.memref_squeeze %dma_wait3A_738 : memref<1x128x128xf32, #tpu.memory_space<vmem>> -> memref<128x128xf32, #tpu.memory_space<vmem>>
      %dma_wait3A_740 = arith.constant 0 : i32
      %dma_wait3A_741 = tpu.memref_slice %arg7[%dma_wait3A_740] : memref<12800xi32, #tpu.memory_space<vmem>> -> memref<128xi32, #tpu.memory_space<vmem>>
      %dma_wait3A_742 = arith.constant 0 : i32
      %dma_wait3A_743 = arith.constant 0 : i32
      %dma_wait3A_744 = tpu.memref_slice %arg3[%dma_wait3A_742, %dma_wait3A_743] : memref<65536x128xf32, #tpu.memory_space<hbm>> -> memref<65536x128xf32, #tpu.memory_space<hbm>>
      %dma_wait3A_745 = tpu.memref_slice %arg9[%dma_wait3A_735] : memref<3x!tpu.dma_semaphore, #tpu.memory_space<semaphore_mem>> -> memref<1x!tpu.dma_semaphore, #tpu.memory_space<semaphore_mem>>
      %dma_wait3A_746 = tpu.memref_squeeze %dma_wait3A_745 : memref<1x!tpu.dma_semaphore, #tpu.memory_space<semaphore_mem>> -> memref<!tpu.dma_semaphore, #tpu.memory_space<semaphore_mem>>
      tpu.wait_indirect_dma semaphore(%dma_wait3A_746 : memref<!tpu.dma_semaphore, #tpu.memory_space<semaphore_mem>>) src(%dma_wait3A_744 : memref<65536x128xf32, #tpu.memory_space<hbm>>) dst(%dma_wait3A_739 : memref<128x128xf32, #tpu.memory_space<vmem>>)
      %dma_wait3A_747 = arith.constant 2 : i32
      %dma_wait3A_748 = arith.constant 2 : i32
      %dma_wait3A_749 = arith.constant 0 : i32
      %dma_wait3A_750 = arith.constant 128 : i32
      %dma_wait3A_751 = tpu.memref_slice %arg8[%dma_wait3A_747, %dma_wait3A_749, %dma_wait3A_750] : memref<3x128x256xf32, #tpu.memory_space<vmem>> -> memref<1x128x128xf32, #tpu.memory_space<vmem>>
      %dma_wait3A_752 = tpu.memref_squeeze %dma_wait3A_751 : memref<1x128x128xf32, #tpu.memory_space<vmem>> -> memref<128x128xf32, #tpu.memory_space<vmem>>
      %dma_wait3A_753 = arith.constant 0 : i32
      %dma_wait3A_754 = tpu.memref_slice %arg7[%dma_wait3A_753] : memref<12800xi32, #tpu.memory_space<vmem>> -> memref<128xi32, #tpu.memory_space<vmem>>
      %dma_wait3A_755 = arith.constant 0 : i32
      %dma_wait3A_756 = arith.constant 0 : i32
      %dma_wait3A_757 = tpu.memref_slice %arg4[%dma_wait3A_755, %dma_wait3A_756] : memref<65536x128xf32, #tpu.memory_space<hbm>> -> memref<65536x128xf32, #tpu.memory_space<hbm>>
      %dma_wait3A_758 = tpu.memref_slice %arg9[%dma_wait3A_748] : memref<3x!tpu.dma_semaphore, #tpu.memory_space<semaphore_mem>> -> memref<1x!tpu.dma_semaphore, #tpu.memory_space<semaphore_mem>>
      %dma_wait3A_759 = tpu.memref_squeeze %dma_wait3A_758 : memref<1x!tpu.dma_semaphore, #tpu.memory_space<semaphore_mem>> -> memref<!tpu.dma_semaphore, #tpu.memory_space<semaphore_mem>>
      tpu.wait_indirect_dma semaphore(%dma_wait3A_759 : memref<!tpu.dma_semaphore, #tpu.memory_space<semaphore_mem>>) src(%dma_wait3A_757 : memref<65536x128xf32, #tpu.memory_space<hbm>>) dst(%dma_wait3A_752 : memref<128x128xf32, #tpu.memory_space<vmem>>)
      %mul3A_760 = arith.constant 128 : i32
      %mul3A_761 = arith.muli %add3A, %mul3A_760 : i32
      %dma_start3A_762 = arith.constant 2 : i32
      %dma_start3A_763 = arith.constant 2 : i32
      %dma_start3A_764 = arith.constant 0 : i32
      %dma_start3A_765 = arith.constant 0 : i32
      %dma_start3A_766 = tpu.memref_slice %arg8[%dma_start3A_762, %dma_start3A_764, %dma_start3A_765] : memref<3x128x256xf32, #tpu.memory_space<vmem>> -> memref<1x128x256xf32, #tpu.memory_space<vmem>>
      %dma_start3A_767 = tpu.memref_squeeze %dma_start3A_766 : memref<1x128x256xf32, #tpu.memory_space<vmem>> -> memref<128x256xf32, #tpu.memory_space<vmem>>
      %dma_start3A_768 = arith.constant 0 : i32
      %dma_start3A_769 = tpu.memref_slice %arg5[%add3A_719, %mul3A_761, %dma_start3A_768] : memref<50x4096x256xf32, #tpu.memory_space<hbm>> -> memref<1x128x256xf32, #tpu.memory_space<hbm>>
      %dma_start3A_770 = tpu.memref_squeeze %dma_start3A_769 : memref<1x128x256xf32, #tpu.memory_space<hbm>> -> memref<128x256xf32, #tpu.memory_space<hbm>>
      %dma_start3A_771 = tpu.memref_slice %arg10[%dma_start3A_763] : memref<3x!tpu.dma_semaphore, #tpu.memory_space<semaphore_mem>> -> memref<1x!tpu.dma_semaphore, #tpu.memory_space<semaphore_mem>>
      %dma_start3A_772 = tpu.memref_squeeze %dma_start3A_771 : memref<1x!tpu.dma_semaphore, #tpu.memory_space<semaphore_mem>> -> memref<!tpu.dma_semaphore, #tpu.memory_space<semaphore_mem>>
      %dma_start3A_773 = arith.constant 0 : i32
      %dma_start3A_774 = tpu.memref_slice %arg5[%add3A_719, %mul3A_761, %dma_start3A_773] : memref<50x4096x256xf32, #tpu.memory_space<hbm>> -> memref<1x128x256xf32, #tpu.memory_space<hbm>>
      %dma_start3A_775 = tpu.memref_squeeze %dma_start3A_774 : memref<1x128x256xf32, #tpu.memory_space<hbm>> -> memref<128x256xf32, #tpu.memory_space<hbm>>
      %dma_start3A_776 = arith.constant 0 : i32
      %dma_start3A_777 = arith.constant 0 : i32
      %dma_start3A_778 = tpu.memref_slice %arg8[%dma_start3A_762, %dma_start3A_776, %dma_start3A_777] : memref<3x128x256xf32, #tpu.memory_space<vmem>> -> memref<1x128x256xf32, #tpu.memory_space<vmem>>
      %dma_start3A_779 = tpu.memref_squeeze %dma_start3A_778 : memref<1x128x256xf32, #tpu.memory_space<vmem>> -> memref<128x256xf32, #tpu.memory_space<vmem>>
      tpu.enqueue_dma source(%dma_start3A_779 : memref<128x256xf32, #tpu.memory_space<vmem>>) target(%dma_start3A_775 : memref<128x256xf32, #tpu.memory_space<hbm>>) target_semaphore(%dma_start3A_772 : memref<!tpu.dma_semaphore, #tpu.memory_space<semaphore_mem>>)
    }
    %scan3A_437 = arith.constant 16 : i32
    %dma_wait3A = arith.constant 2 : i32
    %dma_wait3A_438 = arith.constant 0 : i32
    %dma_wait3A_439 = arith.constant 2 : i32
    %dma_wait3A_440 = arith.constant 0 : i32
    %dma_wait3A_441 = arith.constant 0 : i32
    %dma_wait3A_442 = tpu.memref_slice %arg8[%dma_wait3A, %dma_wait3A_440, %dma_wait3A_441] : memref<3x128x256xf32, #tpu.memory_space<vmem>> -> memref<1x128x256xf32, #tpu.memory_space<vmem>>
    %dma_wait3A_443 = tpu.memref_squeeze %dma_wait3A_442 : memref<1x128x256xf32, #tpu.memory_space<vmem>> -> memref<128x256xf32, #tpu.memory_space<vmem>>
    %dma_wait3A_444 = arith.constant 0 : i32
    %dma_wait3A_445 = arith.constant 0 : i32
    %dma_wait3A_446 = tpu.memref_slice %arg5[%dma_wait3A_438, %dma_wait3A_444, %dma_wait3A_445] : memref<50x4096x256xf32, #tpu.memory_space<hbm>> -> memref<1x128x256xf32, #tpu.memory_space<hbm>>
    %dma_wait3A_447 = tpu.memref_squeeze %dma_wait3A_446 : memref<1x128x256xf32, #tpu.memory_space<hbm>> -> memref<128x256xf32, #tpu.memory_space<hbm>>
    %dma_wait3A_448 = tpu.memref_slice %arg10[%dma_wait3A_439] : memref<3x!tpu.dma_semaphore, #tpu.memory_space<semaphore_mem>> -> memref<1x!tpu.dma_semaphore, #tpu.memory_space<semaphore_mem>>
    %dma_wait3A_449 = tpu.memref_squeeze %dma_wait3A_448 : memref<1x!tpu.dma_semaphore, #tpu.memory_space<semaphore_mem>> -> memref<!tpu.dma_semaphore, #tpu.memory_space<semaphore_mem>>
    %dma_wait3A_450 = arith.constant 0 : i32
    %dma_wait3A_451 = arith.constant 0 : i32
    %dma_wait3A_452 = tpu.memref_slice %arg5[%dma_wait3A_438, %dma_wait3A_450, %dma_wait3A_451] : memref<50x4096x256xf32, #tpu.memory_space<hbm>> -> memref<1x128x256xf32, #tpu.memory_space<hbm>>
    %dma_wait3A_453 = tpu.memref_squeeze %dma_wait3A_452 : memref<1x128x256xf32, #tpu.memory_space<hbm>> -> memref<128x256xf32, #tpu.memory_space<hbm>>
    %dma_wait3A_454 = arith.constant 0 : i32
    %dma_wait3A_455 = arith.constant 0 : i32
    %dma_wait3A_456 = tpu.memref_slice %arg8[%dma_wait3A, %dma_wait3A_454, %dma_wait3A_455] : memref<3x128x256xf32, #tpu.memory_space<vmem>> -> memref<1x128x256xf32, #tpu.memory_space<vmem>>
    %dma_wait3A_457 = tpu.memref_squeeze %dma_wait3A_456 : memref<1x128x256xf32, #tpu.memory_space<vmem>> -> memref<128x256xf32, #tpu.memory_space<vmem>>
    tpu.wait_dma2 semaphore(%dma_wait3A_449 : memref<!tpu.dma_semaphore, #tpu.memory_space<semaphore_mem>>) src(%dma_wait3A_457 : memref<128x256xf32, #tpu.memory_space<vmem>>) dst(%dma_wait3A_453 : memref<128x256xf32, #tpu.memory_space<hbm>>)
    %dma_wait3A_458 = arith.constant 0 : i32
    %dma_wait3A_459 = arith.constant 0 : i32
    %dma_wait3A_460 = arith.constant 0 : i32
    %dma_wait3A_461 = arith.constant 0 : i32
    %dma_wait3A_462 = tpu.memref_slice %arg8[%dma_wait3A_458, %dma_wait3A_460, %dma_wait3A_461] : memref<3x128x256xf32, #tpu.memory_space<vmem>> -> memref<1x128x128xf32, #tpu.memory_space<vmem>>
    %dma_wait3A_463 = tpu.memref_squeeze %dma_wait3A_462 : memref<1x128x128xf32, #tpu.memory_space<vmem>> -> memref<128x128xf32, #tpu.memory_space<vmem>>
    %dma_wait3A_464 = arith.constant 0 : i32
    %dma_wait3A_465 = tpu.memref_slice %arg7[%dma_wait3A_464] : memref<12800xi32, #tpu.memory_space<vmem>> -> memref<128xi32, #tpu.memory_space<vmem>>
    %dma_wait3A_466 = arith.constant 0 : i32
    %dma_wait3A_467 = arith.constant 0 : i32
    %dma_wait3A_468 = tpu.memref_slice %arg3[%dma_wait3A_466, %dma_wait3A_467] : memref<65536x128xf32, #tpu.memory_space<hbm>> -> memref<65536x128xf32, #tpu.memory_space<hbm>>
    %dma_wait3A_469 = tpu.memref_slice %arg9[%dma_wait3A_459] : memref<3x!tpu.dma_semaphore, #tpu.memory_space<semaphore_mem>> -> memref<1x!tpu.dma_semaphore, #tpu.memory_space<semaphore_mem>>
    %dma_wait3A_470 = tpu.memref_squeeze %dma_wait3A_469 : memref<1x!tpu.dma_semaphore, #tpu.memory_space<semaphore_mem>> -> memref<!tpu.dma_semaphore, #tpu.memory_space<semaphore_mem>>
    tpu.wait_indirect_dma semaphore(%dma_wait3A_470 : memref<!tpu.dma_semaphore, #tpu.memory_space<semaphore_mem>>) src(%dma_wait3A_468 : memref<65536x128xf32, #tpu.memory_space<hbm>>) dst(%dma_wait3A_463 : memref<128x128xf32, #tpu.memory_space<vmem>>)
    %dma_wait3A_471 = arith.constant 0 : i32
    %dma_wait3A_472 = arith.constant 0 : i32
    %dma_wait3A_473 = arith.constant 0 : i32
    %dma_wait3A_474 = arith.constant 128 : i32
    %dma_wait3A_475 = tpu.memref_slice %arg8[%dma_wait3A_471, %dma_wait3A_473, %dma_wait3A_474] : memref<3x128x256xf32, #tpu.memory_space<vmem>> -> memref<1x128x128xf32, #tpu.memory_space<vmem>>
    %dma_wait3A_476 = tpu.memref_squeeze %dma_wait3A_475 : memref<1x128x128xf32, #tpu.memory_space<vmem>> -> memref<128x128xf32, #tpu.memory_space<vmem>>
    %dma_wait3A_477 = arith.constant 0 : i32
    %dma_wait3A_478 = tpu.memref_slice %arg7[%dma_wait3A_477] : memref<12800xi32, #tpu.memory_space<vmem>> -> memref<128xi32, #tpu.memory_space<vmem>>
    %dma_wait3A_479 = arith.constant 0 : i32
    %dma_wait3A_480 = arith.constant 0 : i32
    %dma_wait3A_481 = tpu.memref_slice %arg4[%dma_wait3A_479, %dma_wait3A_480] : memref<65536x128xf32, #tpu.memory_space<hbm>> -> memref<65536x128xf32, #tpu.memory_space<hbm>>
    %dma_wait3A_482 = tpu.memref_slice %arg9[%dma_wait3A_472] : memref<3x!tpu.dma_semaphore, #tpu.memory_space<semaphore_mem>> -> memref<1x!tpu.dma_semaphore, #tpu.memory_space<semaphore_mem>>
    %dma_wait3A_483 = tpu.memref_squeeze %dma_wait3A_482 : memref<1x!tpu.dma_semaphore, #tpu.memory_space<semaphore_mem>> -> memref<!tpu.dma_semaphore, #tpu.memory_space<semaphore_mem>>
    tpu.wait_indirect_dma semaphore(%dma_wait3A_483 : memref<!tpu.dma_semaphore, #tpu.memory_space<semaphore_mem>>) src(%dma_wait3A_481 : memref<65536x128xf32, #tpu.memory_space<hbm>>) dst(%dma_wait3A_476 : memref<128x128xf32, #tpu.memory_space<vmem>>)
    %mul3A_484 = arith.constant 128 : i32
    %mul3A_485 = arith.muli %add3A, %mul3A_484 : i32
    %dma_start3A_486 = arith.constant 0 : i32
    %dma_start3A_487 = arith.constant 48 : i32
    %dma_start3A_488 = arith.constant 0 : i32
    %dma_start3A_489 = arith.constant 0 : i32
    %dma_start3A_490 = arith.constant 0 : i32
    %dma_start3A_491 = tpu.memref_slice %arg8[%dma_start3A_486, %dma_start3A_489, %dma_start3A_490] : memref<3x128x256xf32, #tpu.memory_space<vmem>> -> memref<1x128x256xf32, #tpu.memory_space<vmem>>
    %dma_start3A_492 = tpu.memref_squeeze %dma_start3A_491 : memref<1x128x256xf32, #tpu.memory_space<vmem>> -> memref<128x256xf32, #tpu.memory_space<vmem>>
    %dma_start3A_493 = arith.constant 0 : i32
    %dma_start3A_494 = tpu.memref_slice %arg5[%dma_start3A_487, %mul3A_485, %dma_start3A_493] : memref<50x4096x256xf32, #tpu.memory_space<hbm>> -> memref<1x128x256xf32, #tpu.memory_space<hbm>>
    %dma_start3A_495 = tpu.memref_squeeze %dma_start3A_494 : memref<1x128x256xf32, #tpu.memory_space<hbm>> -> memref<128x256xf32, #tpu.memory_space<hbm>>
    %dma_start3A_496 = tpu.memref_slice %arg10[%dma_start3A_488] : memref<3x!tpu.dma_semaphore, #tpu.memory_space<semaphore_mem>> -> memref<1x!tpu.dma_semaphore, #tpu.memory_space<semaphore_mem>>
    %dma_start3A_497 = tpu.memref_squeeze %dma_start3A_496 : memref<1x!tpu.dma_semaphore, #tpu.memory_space<semaphore_mem>> -> memref<!tpu.dma_semaphore, #tpu.memory_space<semaphore_mem>>
    %dma_start3A_498 = arith.constant 0 : i32
    %dma_start3A_499 = tpu.memref_slice %arg5[%dma_start3A_487, %mul3A_485, %dma_start3A_498] : memref<50x4096x256xf32, #tpu.memory_space<hbm>> -> memref<1x128x256xf32, #tpu.memory_space<hbm>>
    %dma_start3A_500 = tpu.memref_squeeze %dma_start3A_499 : memref<1x128x256xf32, #tpu.memory_space<hbm>> -> memref<128x256xf32, #tpu.memory_space<hbm>>
    %dma_start3A_501 = arith.constant 0 : i32
    %dma_start3A_502 = arith.constant 0 : i32
    %dma_start3A_503 = tpu.memref_slice %arg8[%dma_start3A_486, %dma_start3A_501, %dma_start3A_502] : memref<3x128x256xf32, #tpu.memory_space<vmem>> -> memref<1x128x256xf32, #tpu.memory_space<vmem>>
    %dma_start3A_504 = tpu.memref_squeeze %dma_start3A_503 : memref<1x128x256xf32, #tpu.memory_space<vmem>> -> memref<128x256xf32, #tpu.memory_space<vmem>>
    tpu.enqueue_dma source(%dma_start3A_504 : memref<128x256xf32, #tpu.memory_space<vmem>>) target(%dma_start3A_500 : memref<128x256xf32, #tpu.memory_space<hbm>>) target_semaphore(%dma_start3A_497 : memref<!tpu.dma_semaphore, #tpu.memory_space<semaphore_mem>>)
    %dma_wait3A_505 = arith.constant 0 : i32
    %dma_wait3A_506 = arith.constant 0 : i32
    %dma_wait3A_507 = arith.constant 0 : i32
    %dma_wait3A_508 = arith.constant 0 : i32
    %dma_wait3A_509 = arith.constant 0 : i32
    %dma_wait3A_510 = tpu.memref_slice %arg8[%dma_wait3A_505, %dma_wait3A_508, %dma_wait3A_509] : memref<3x128x256xf32, #tpu.memory_space<vmem>> -> memref<1x128x256xf32, #tpu.memory_space<vmem>>
    %dma_wait3A_511 = tpu.memref_squeeze %dma_wait3A_510 : memref<1x128x256xf32, #tpu.memory_space<vmem>> -> memref<128x256xf32, #tpu.memory_space<vmem>>
    %dma_wait3A_512 = arith.constant 0 : i32
    %dma_wait3A_513 = arith.constant 0 : i32
    %dma_wait3A_514 = tpu.memref_slice %arg5[%dma_wait3A_506, %dma_wait3A_512, %dma_wait3A_513] : memref<50x4096x256xf32, #tpu.memory_space<hbm>> -> memref<1x128x256xf32, #tpu.memory_space<hbm>>
    %dma_wait3A_515 = tpu.memref_squeeze %dma_wait3A_514 : memref<1x128x256xf32, #tpu.memory_space<hbm>> -> memref<128x256xf32, #tpu.memory_space<hbm>>
    %dma_wait3A_516 = tpu.memref_slice %arg10[%dma_wait3A_507] : memref<3x!tpu.dma_semaphore, #tpu.memory_space<semaphore_mem>> -> memref<1x!tpu.dma_semaphore, #tpu.memory_space<semaphore_mem>>
    %dma_wait3A_517 = tpu.memref_squeeze %dma_wait3A_516 : memref<1x!tpu.dma_semaphore, #tpu.memory_space<semaphore_mem>> -> memref<!tpu.dma_semaphore, #tpu.memory_space<semaphore_mem>>
    %dma_wait3A_518 = arith.constant 0 : i32
    %dma_wait3A_519 = arith.constant 0 : i32
    %dma_wait3A_520 = tpu.memref_slice %arg5[%dma_wait3A_506, %dma_wait3A_518, %dma_wait3A_519] : memref<50x4096x256xf32, #tpu.memory_space<hbm>> -> memref<1x128x256xf32, #tpu.memory_space<hbm>>
    %dma_wait3A_521 = tpu.memref_squeeze %dma_wait3A_520 : memref<1x128x256xf32, #tpu.memory_space<hbm>> -> memref<128x256xf32, #tpu.memory_space<hbm>>
    %dma_wait3A_522 = arith.constant 0 : i32
    %dma_wait3A_523 = arith.constant 0 : i32
    %dma_wait3A_524 = tpu.memref_slice %arg8[%dma_wait3A_505, %dma_wait3A_522, %dma_wait3A_523] : memref<3x128x256xf32, #tpu.memory_space<vmem>> -> memref<1x128x256xf32, #tpu.memory_space<vmem>>
    %dma_wait3A_525 = tpu.memref_squeeze %dma_wait3A_524 : memref<1x128x256xf32, #tpu.memory_space<vmem>> -> memref<128x256xf32, #tpu.memory_space<vmem>>
    tpu.wait_dma2 semaphore(%dma_wait3A_517 : memref<!tpu.dma_semaphore, #tpu.memory_space<semaphore_mem>>) src(%dma_wait3A_525 : memref<128x256xf32, #tpu.memory_space<vmem>>) dst(%dma_wait3A_521 : memref<128x256xf32, #tpu.memory_space<hbm>>)
    %dma_wait3A_526 = arith.constant 1 : i32
    %dma_wait3A_527 = arith.constant 1 : i32
    %dma_wait3A_528 = arith.constant 0 : i32
    %dma_wait3A_529 = arith.constant 0 : i32
    %dma_wait3A_530 = tpu.memref_slice %arg8[%dma_wait3A_526, %dma_wait3A_528, %dma_wait3A_529] : memref<3x128x256xf32, #tpu.memory_space<vmem>> -> memref<1x128x128xf32, #tpu.memory_space<vmem>>
    %dma_wait3A_531 = tpu.memref_squeeze %dma_wait3A_530 : memref<1x128x128xf32, #tpu.memory_space<vmem>> -> memref<128x128xf32, #tpu.memory_space<vmem>>
    %dma_wait3A_532 = arith.constant 0 : i32
    %dma_wait3A_533 = tpu.memref_slice %arg7[%dma_wait3A_532] : memref<12800xi32, #tpu.memory_space<vmem>> -> memref<128xi32, #tpu.memory_space<vmem>>
    %dma_wait3A_534 = arith.constant 0 : i32
    %dma_wait3A_535 = arith.constant 0 : i32
    %dma_wait3A_536 = tpu.memref_slice %arg3[%dma_wait3A_534, %dma_wait3A_535] : memref<65536x128xf32, #tpu.memory_space<hbm>> -> memref<65536x128xf32, #tpu.memory_space<hbm>>
    %dma_wait3A_537 = tpu.memref_slice %arg9[%dma_wait3A_527] : memref<3x!tpu.dma_semaphore, #tpu.memory_space<semaphore_mem>> -> memref<1x!tpu.dma_semaphore, #tpu.memory_space<semaphore_mem>>
    %dma_wait3A_538 = tpu.memref_squeeze %dma_wait3A_537 : memref<1x!tpu.dma_semaphore, #tpu.memory_space<semaphore_mem>> -> memref<!tpu.dma_semaphore, #tpu.memory_space<semaphore_mem>>
    tpu.wait_indirect_dma semaphore(%dma_wait3A_538 : memref<!tpu.dma_semaphore, #tpu.memory_space<semaphore_mem>>) src(%dma_wait3A_536 : memref<65536x128xf32, #tpu.memory_space<hbm>>) dst(%dma_wait3A_531 : memref<128x128xf32, #tpu.memory_space<vmem>>)
    %dma_wait3A_539 = arith.constant 1 : i32
    %dma_wait3A_540 = arith.constant 1 : i32
    %dma_wait3A_541 = arith.constant 0 : i32
    %dma_wait3A_542 = arith.constant 128 : i32
    %dma_wait3A_543 = tpu.memref_slice %arg8[%dma_wait3A_539, %dma_wait3A_541, %dma_wait3A_542] : memref<3x128x256xf32, #tpu.memory_space<vmem>> -> memref<1x128x128xf32, #tpu.memory_space<vmem>>
    %dma_wait3A_544 = tpu.memref_squeeze %dma_wait3A_543 : memref<1x128x128xf32, #tpu.memory_space<vmem>> -> memref<128x128xf32, #tpu.memory_space<vmem>>
    %dma_wait3A_545 = arith.constant 0 : i32
    %dma_wait3A_546 = tpu.memref_slice %arg7[%dma_wait3A_545] : memref<12800xi32, #tpu.memory_space<vmem>> -> memref<128xi32, #tpu.memory_space<vmem>>
    %dma_wait3A_547 = arith.constant 0 : i32
    %dma_wait3A_548 = arith.constant 0 : i32
    %dma_wait3A_549 = tpu.memref_slice %arg4[%dma_wait3A_547, %dma_wait3A_548] : memref<65536x128xf32, #tpu.memory_space<hbm>> -> memref<65536x128xf32, #tpu.memory_space<hbm>>
    %dma_wait3A_550 = tpu.memref_slice %arg9[%dma_wait3A_540] : memref<3x!tpu.dma_semaphore, #tpu.memory_space<semaphore_mem>> -> memref<1x!tpu.dma_semaphore, #tpu.memory_space<semaphore_mem>>
    %dma_wait3A_551 = tpu.memref_squeeze %dma_wait3A_550 : memref<1x!tpu.dma_semaphore, #tpu.memory_space<semaphore_mem>> -> memref<!tpu.dma_semaphore, #tpu.memory_space<semaphore_mem>>
    tpu.wait_indirect_dma semaphore(%dma_wait3A_551 : memref<!tpu.dma_semaphore, #tpu.memory_space<semaphore_mem>>) src(%dma_wait3A_549 : memref<65536x128xf32, #tpu.memory_space<hbm>>) dst(%dma_wait3A_544 : memref<128x128xf32, #tpu.memory_space<vmem>>)
    %mul3A_552 = arith.constant 128 : i32
    %mul3A_553 = arith.muli %add3A, %mul3A_552 : i32
    %dma_start3A_554 = arith.constant 1 : i32
    %dma_start3A_555 = arith.constant 49 : i32
    %dma_start3A_556 = arith.constant 1 : i32
    %dma_start3A_557 = arith.constant 0 : i32
    %dma_start3A_558 = arith.constant 0 : i32
    %dma_start3A_559 = tpu.memref_slice %arg8[%dma_start3A_554, %dma_start3A_557, %dma_start3A_558] : memref<3x128x256xf32, #tpu.memory_space<vmem>> -> memref<1x128x256xf32, #tpu.memory_space<vmem>>
    %dma_start3A_560 = tpu.memref_squeeze %dma_start3A_559 : memref<1x128x256xf32, #tpu.memory_space<vmem>> -> memref<128x256xf32, #tpu.memory_space<vmem>>
    %dma_start3A_561 = arith.constant 0 : i32
    %dma_start3A_562 = tpu.memref_slice %arg5[%dma_start3A_555, %mul3A_553, %dma_start3A_561] : memref<50x4096x256xf32, #tpu.memory_space<hbm>> -> memref<1x128x256xf32, #tpu.memory_space<hbm>>
    %dma_start3A_563 = tpu.memref_squeeze %dma_start3A_562 : memref<1x128x256xf32, #tpu.memory_space<hbm>> -> memref<128x256xf32, #tpu.memory_space<hbm>>
    %dma_start3A_564 = tpu.memref_slice %arg10[%dma_start3A_556] : memref<3x!tpu.dma_semaphore, #tpu.memory_space<semaphore_mem>> -> memref<1x!tpu.dma_semaphore, #tpu.memory_space<semaphore_mem>>
    %dma_start3A_565 = tpu.memref_squeeze %dma_start3A_564 : memref<1x!tpu.dma_semaphore, #tpu.memory_space<semaphore_mem>> -> memref<!tpu.dma_semaphore, #tpu.memory_space<semaphore_mem>>
    %dma_start3A_566 = arith.constant 0 : i32
    %dma_start3A_567 = tpu.memref_slice %arg5[%dma_start3A_555, %mul3A_553, %dma_start3A_566] : memref<50x4096x256xf32, #tpu.memory_space<hbm>> -> memref<1x128x256xf32, #tpu.memory_space<hbm>>
    %dma_start3A_568 = tpu.memref_squeeze %dma_start3A_567 : memref<1x128x256xf32, #tpu.memory_space<hbm>> -> memref<128x256xf32, #tpu.memory_space<hbm>>
    %dma_start3A_569 = arith.constant 0 : i32
    %dma_start3A_570 = arith.constant 0 : i32
    %dma_start3A_571 = tpu.memref_slice %arg8[%dma_start3A_554, %dma_start3A_569, %dma_start3A_570] : memref<3x128x256xf32, #tpu.memory_space<vmem>> -> memref<1x128x256xf32, #tpu.memory_space<vmem>>
    %dma_start3A_572 = tpu.memref_squeeze %dma_start3A_571 : memref<1x128x256xf32, #tpu.memory_space<vmem>> -> memref<128x256xf32, #tpu.memory_space<vmem>>
    tpu.enqueue_dma source(%dma_start3A_572 : memref<128x256xf32, #tpu.memory_space<vmem>>) target(%dma_start3A_568 : memref<128x256xf32, #tpu.memory_space<hbm>>) target_semaphore(%dma_start3A_565 : memref<!tpu.dma_semaphore, #tpu.memory_space<semaphore_mem>>)
    %dma_wait3A_573 = arith.constant 1 : i32
    %dma_wait3A_574 = arith.constant 0 : i32
    %dma_wait3A_575 = arith.constant 1 : i32
    %dma_wait3A_576 = arith.constant 0 : i32
    %dma_wait3A_577 = arith.constant 0 : i32
    %dma_wait3A_578 = tpu.memref_slice %arg8[%dma_wait3A_573, %dma_wait3A_576, %dma_wait3A_577] : memref<3x128x256xf32, #tpu.memory_space<vmem>> -> memref<1x128x256xf32, #tpu.memory_space<vmem>>
    %dma_wait3A_579 = tpu.memref_squeeze %dma_wait3A_578 : memref<1x128x256xf32, #tpu.memory_space<vmem>> -> memref<128x256xf32, #tpu.memory_space<vmem>>
    %dma_wait3A_580 = arith.constant 0 : i32
    %dma_wait3A_581 = arith.constant 0 : i32
    %dma_wait3A_582 = tpu.memref_slice %arg5[%dma_wait3A_574, %dma_wait3A_580, %dma_wait3A_581] : memref<50x4096x256xf32, #tpu.memory_space<hbm>> -> memref<1x128x256xf32, #tpu.memory_space<hbm>>
    %dma_wait3A_583 = tpu.memref_squeeze %dma_wait3A_582 : memref<1x128x256xf32, #tpu.memory_space<hbm>> -> memref<128x256xf32, #tpu.memory_space<hbm>>
    %dma_wait3A_584 = tpu.memref_slice %arg10[%dma_wait3A_575] : memref<3x!tpu.dma_semaphore, #tpu.memory_space<semaphore_mem>> -> memref<1x!tpu.dma_semaphore, #tpu.memory_space<semaphore_mem>>
    %dma_wait3A_585 = tpu.memref_squeeze %dma_wait3A_584 : memref<1x!tpu.dma_semaphore, #tpu.memory_space<semaphore_mem>> -> memref<!tpu.dma_semaphore, #tpu.memory_space<semaphore_mem>>
    %dma_wait3A_586 = arith.constant 0 : i32
    %dma_wait3A_587 = arith.constant 0 : i32
    %dma_wait3A_588 = tpu.memref_slice %arg5[%dma_wait3A_574, %dma_wait3A_586, %dma_wait3A_587] : memref<50x4096x256xf32, #tpu.memory_space<hbm>> -> memref<1x128x256xf32, #tpu.memory_space<hbm>>
    %dma_wait3A_589 = tpu.memref_squeeze %dma_wait3A_588 : memref<1x128x256xf32, #tpu.memory_space<hbm>> -> memref<128x256xf32, #tpu.memory_space<hbm>>
    %dma_wait3A_590 = arith.constant 0 : i32
    %dma_wait3A_591 = arith.constant 0 : i32
    %dma_wait3A_592 = tpu.memref_slice %arg8[%dma_wait3A_573, %dma_wait3A_590, %dma_wait3A_591] : memref<3x128x256xf32, #tpu.memory_space<vmem>> -> memref<1x128x256xf32, #tpu.memory_space<vmem>>
    %dma_wait3A_593 = tpu.memref_squeeze %dma_wait3A_592 : memref<1x128x256xf32, #tpu.memory_space<vmem>> -> memref<128x256xf32, #tpu.memory_space<vmem>>
    tpu.wait_dma2 semaphore(%dma_wait3A_585 : memref<!tpu.dma_semaphore, #tpu.memory_space<semaphore_mem>>) src(%dma_wait3A_593 : memref<128x256xf32, #tpu.memory_space<vmem>>) dst(%dma_wait3A_589 : memref<128x256xf32, #tpu.memory_space<hbm>>)
    return
  }
}

</mosaic_0001>

<sc_bundles>
// kernel: _run.3.cloned.1.call-start
scs
__scs_entry_jumppad:
0x0: {  	(pc) =	sbr.rel $0x88, $3  }
0x1: {  	(tag) =	ssettag $0x0;
	lr =	simm.s32 $0x1  }
0x2: {  	[smem:$0x3F9E] =	sst lr;
	_ =	strace $0xD0000000  }
0x3: {  	_ = 	snop  }
0x4: {  	_ = 	snop  }
0x5: {  	_ = 	snop  }
0x6: {  	_ = 	snop  }
0x7: {  	_ = 	snop  }
__scs_overlays_trampoline_lowered:
0x8: {  	[smem:$0x3FAD] =	sst s0  }
0x9: {  	[smem:$0x3FAE] =	sst s1  }
0xa: {  	[smem:$0x3FAF] =	sst s2  }
0xb: {  	[smem:$0x3FB0] =	sst s3  }
0xc: {  	[smem:$0x3FB1] =	sst s4  }
0xd: {  	[smem:$0x3FB2] =	sst s5  }
0xe: {  	[smem:$0x3FB3] =	sst s6  }
0xf: {  	[smem:$0x3FB4] =	sst s7  }
0x10: {  	[smem:$0x3FB5] =	sst s8  }
0x11: {  	[smem:$0x3FB6] =	sst s9;
	s0 =	simm.s32 @!p0 $0x0  }
0x12: {  	s1 =	sld [smem:$0x3F9C];
	s0 =	simm.s32 @p0 $0x1  }
0x13: {  	[smem:$0x3FB7] =	sst s0;
	s0 =	simm.s32 @!p1 $0x0  }
0x14: {  	s2 =	sld [smem:$0x3F9B];
	s0 =	simm.s32 @p1 $0x1  }
0x15: {  	[smem:$0x3FB8] =	sst s0;
	s0 =	simm.s32 @!p2 $0x0  }
0x16: {  	s3 =	sld [smem:$0x3FDB];
	s0 =	simm.s32 @p2 $0x1  }
0x17: {  	s4 =	simm.s32 $0x1BF5;
	[smem:$0x3FBA] =	sst s0  }
0x18: {  	s0 =	sld [smem:$0x3F9D];
	_ =	swait.ge [sflag:s4], $0x0  }
0x19: {  	s7 =	sld [smem:$0x3F9E]  }
0x1a: {  	s8 =	sadd.s32 $0xFFFFE003, lr  }
0x1b: {  	s9 =	sadd.s32 $0xFFFFFEF7, lr;
	s5 =	simm.s32 $0xFFFFFFFF;
	p2 =	slt.u32 s8, $0xFFFFF086  }
0x1c: {  	p1 =	slt.u32 s9, $0xF7A;
	s5 =	simm.s32 @!p2 $0x0  }
0x1d: {  	s5 =	simm.s32 @p1 $0x1;
	p0 =	seq.s32 s7, s2  }
0x1e: {  	s7 =	smul.u32 @!p0 $0xF7A, s2;
	p2 =	seq.s32 @!p0 s5, $0x0  }
0x1f: {  	s9 =	smul.u32 $0xF7A, s1;
	s8 =	simm.s32 @!p0 $0x1BF5;
	p2 =	por !p2, p0  }
0x20: {  	[sflag:s8] =	ssyncset.s32 @!p0 $0xFFFFF086;
	s6 =	sadd.s32 @!p0 s3, s7;
	s7 =	simm.s32 @!p0 $0x108  }
0x21: {  	s3 =	sadd.s32 s3, s9;
	s6 =	sadd.s32 @!p0 $0x88, s6;
	s7 =	simm.s32 @p2 $0x1082  }
0x22: {  	[simem:s7], [sflag:s8] =	dma.local @!p0 [hbm:s6], $0xF7A  }
0x23: {  	s9 =	sor.u32 $0xD0000000, s2;
	s6 =	simm.s32 $0x108;
	_ =	swait.ge @!p0 [sflag:s8], $0x0  }
0x24: {  	s3 =	sadd.s32 $0x88, s3;
	s6 =	simm.s32 @!p1 $0x1082;
	[sflag:s4] =	ssyncset.s32 $0xFFFFF086  }
0x25: {  	[simem:s6], [sflag:s4] =	dma.local [hbm:s3], $0xF7A  }
0x26: {  	[smem:$0x3F9E] =	sst s1;
	(tag) =	ssettag s2;
	_ =	strace s9  }
0x27: {  	s1 =	sld [smem:$0x3FAE]  }
0x28: {  	s2 =	sld [smem:$0x3FAF]  }
0x29: {  	s4 =	sld [smem:$0x3FB1]  }
0x2a: {  	p0 =	seq.s32 s5, $0x0;
	s5 =	sld [smem:$0x3FB2]  }
0x2b: {  	s6 =	sld [smem:$0x3FB3]  }
0x2c: {  	s7 =	sld [smem:$0x3FB4]  }
0x2d: {  	s3 =	simm.s32 $0x108;
	s8 =	sld [smem:$0x3FB5]  }
0x2e: {  	s3 =	simm.s32 @!p0 $0x1082;
	s9 =	sld [smem:$0x3FB6]  }
0x2f: {  	lr =	sadd.s32 s0, s3;
	s0 =	sld [smem:$0x3FAD]  }
0x30: {  	s3 =	sld [smem:$0x3FB0]  }
0x31: {  	[smem:$0x3FB9] =	sst s10  }
0x32: {  	s10 =	sld [smem:$0x3FB7];
	_ =	sdelay $0x3  }
0x33: {  	p0 =	seq.s32 s10, $0x1;
	s10 =	sld [smem:$0x3FB9];
	_ =	sdelay $0x3  }
0x34: {  	[smem:$0x3FB9] =	sst s10  }
0x35: {  	s10 =	sld [smem:$0x3FB8];
	_ =	sdelay $0x3  }
0x36: {  	p1 =	seq.s32 s10, $0x1;
	s10 =	sld [smem:$0x3FB9];
	_ =	sdelay $0x3  }
0x37: {  	[smem:$0x3FB9] =	sst s10  }
0x38: {  	s10 =	sld [smem:$0x3FBA]  }
0x39: {  	_ = 	snop;
	(pc) =	sbr.ind lr, $3  }
0x3a: {  	_ = 	snop  }
0x3b: {  	_ = 	snop  }
0x3c: {  	p2 =	seq.s32 s10, $0x1;
	s10 =	sld [smem:$0x3FB9]  }
0x3d: {  	_ =	shalt  }
0x3e: {  	_ =	shalt  }
0x3f: {  	_ =	shalt  }
0x40: {  	_ =	shalt  }
0x41: {  	_ =	shalt  }
0x42: {  	_ =	shalt  }
0x43: {  	_ =	shalt  }
0x44: {  	_ =	shalt  }
0x45: {  	_ =	shalt  }
0x46: {  	_ =	shalt  }
0x47: {  	_ =	shalt  }
0x48: {  	_ =	shalt  }
0x49: {  	_ =	shalt  }
0x4a: {  	_ =	shalt  }
0x4b: {  	_ =	shalt  }
0x4c: {  	_ =	shalt  }
0x4d: {  	_ =	shalt  }
0x4e: {  	_ =	shalt  }
0x4f: {  	_ =	shalt  }
0x50: {  	_ =	shalt  }
0x51: {  	_ =	shalt  }
0x52: {  	_ =	shalt  }
0x53: {  	_ =	shalt  }
0x54: {  	_ =	shalt  }
0x55: {  	_ =	shalt  }
0x56: {  	_ =	shalt  }
0x57: {  	_ =	shalt  }
0x58: {  	_ =	shalt  }
0x59: {  	_ =	shalt  }
0x5a: {  	_ =	shalt  }
0x5b: {  	_ =	shalt  }
0x5c: {  	_ =	shalt  }
0x5d: {  	_ =	shalt  }
0x5e: {  	_ =	shalt  }
0x5f: {  	_ =	shalt  }
0x60: {  	_ =	shalt  }
0x61: {  	_ =	shalt  }
0x62: {  	_ =	shalt  }
0x63: {  	_ =	shalt  }
0x64: {  	_ =	shalt  }
0x65: {  	_ =	shalt  }
0x66: {  	_ =	shalt  }
0x67: {  	_ =	shalt  }
0x68: {  	_ =	shalt  }
0x69: {  	_ =	shalt  }
0x6a: {  	_ =	shalt  }
0x6b: {  	_ =	shalt  }
0x6c: {  	_ =	shalt  }
0x6d: {  	_ =	shalt  }
0x6e: {  	_ =	shalt  }
0x6f: {  	_ =	shalt  }
0x70: {  	_ =	shalt  }
0x71: {  	_ =	shalt  }
0x72: {  	_ =	shalt  }
0x73: {  	_ =	shalt  }
0x74: {  	_ =	shalt  }
0x75: {  	_ =	shalt  }
0x76: {  	_ =	shalt  }
0x77: {  	_ =	shalt  }
0x78: {  	_ =	shalt  }
0x79: {  	_ =	shalt  }
0x7a: {  	_ =	shalt  }
0x7b: {  	_ =	shalt  }
0x7c: {  	_ =	shalt  }
0x7d: {  	_ =	shalt  }
0x7e: {  	_ =	shalt  }
0x7f: {  	_ =	shalt  }
0x80: {  	_ =	shalt  }
0x81: {  	_ =	shalt  }
0x82: {  	_ =	shalt  }
0x83: {  	_ =	shalt  }
0x84: {  	_ =	shalt  }
0x85: {  	_ =	shalt  }
0x86: {  	_ =	shalt  }
0x87: {  	_ =	shalt  }
.Lfunc_end0:
.L_simem_size_0:
called_computation_lowered:
.L_overlay_start_0:
0x88: {  	s2 =	sld [smem:$0x3FD9]  }
0x89: {  	s3 =	sld [smem:$0x3FFE];
	_ =	sdelay $0x1  }
0x8a: {  	s1 =	srdreg.scid  }
0x8b: {  	s0 =	sand.u32 $0x1, s1  }
0x8c: {  	s18 =	sshll.u32 s0, $0xA;
	s2 =	sadd.s32 s3, s2  }
0x8d: {  	s2 =	sadd.s32 s2, s18  }
0x8e: {  	[smem:$0x3FC5] =	sst s2  }
0x8f: {  	_ = 	snop  }
0x90: {  	s2 =	sld [smem:$0x3FC9]  }
0x91: {  	s19 =	sld [smem:$0x3FC8]  }
0x92: {  	s4 =	sld [smem:$0x3FC7]  }
0x93: {  	s5 =	sld [smem:$0x3FD0];
	(tm) =	ssettm $0x1  }
0x94: {  	s6 =	sld [smem:$0x3FFB];
	_ =	sdelay $0x3  }
0x95: {  	_ =	strace s6  }
0x96: {  	s6 =	sld [smem:$0x3FFC];
	_ =	sdelay $0x3  }
0x97: {  	_ =	strace s6  }
0x98: {  	s6 =	sld [smem:$0x3FFD];
	_ =	sdelay $0x3  }
0x99: {  	_ =	strace s6  }
0x9a: {  	_ =	strace $0x8FFFFFFF  }
0x9b: {  	s20 =	sld [smem:$0x3FDB];
	_ =	sdelay $0x1  }
0x9c: {  	s7 =	simm.s32 $_scs_section_size  }
0x9d: {  	s8 =	simm.s32 $_size__tile_overlayer_lowered;
	s9 =	simm.s32 $_tile_overlayer_lowered  }
0x9e: {  	s23 =	simm.s32 $0x1BFF;
	s22 =	sshll.u32 s9, $0x1;
	s6 =	sadd.s32 s7, s20  }
0x9f: {  	s10 =	simm.s32 $0x0;
	s21 =	sshll.u32 s8, $0x1;
	s8 =	sadd.s32 s22, s6  }
0xa0: {  	[timem:s10], [sflag:s23] =	dma.local [hbm:s8], s21  }
0xa1: {  	_ =	swait.ge [sflag:s23], s21  }
0xa2: {  	s7 =	ssub.s32 $0x0, s21;
	[sflag:s23] =	ssyncset.done $0x0  }
0xa3: {  	[sflag:s23] =	ssyncadd.s32 s7;
	_ =	sdelay $0x1  }
0xa4: {  	s24 =	simm.s32 $0x1B8B  }
0xa5: {  	_ =	swait.ge [sflag:s24], $0x1  }
0xa6: {  	[sflag:s24] =	ssyncset.done $0x0  }
0xa7: {  	s25 =	simm.s32 $0x1B8E;
	[sflag:s24] =	ssyncadd.s32 $0xFFFFFFFF  }
0xa8: {  	s26 =	simm.s32 $execute0_lowered;
	[smem:$0x3FD2] =	sst s25  }
0xa9: {  	s7 =	sshll.u32 s26, $0x1;
	_ =	strace $0x80000046;
	[dreg:$0x1] =	wrdreg $0xFFFFFFFF  }
0xaa: {  	s28 =	simm.s32 $_size_execute0_lowered;
	s6 =	sadd.s32 s6, s7;
	[dreg:$0x0] =	wrdreg $0x0  }
0xab: {  	s7 =	sshll.u32 s28, $0x1;
	[dreg:$0x2] =	wrdreg s6  }
0xac: {  	[dreg:$0x3] =	wrdreg s7  }
0xad: {  	[dreg:$0x4] =	wrdreg $0xC0  }
0xae: {  	_ =	task [dreg:s10], $0x5FFFF  }
0xaf: {  	[dreg:$0x1] =	wrdreg $0xFFFFFFFF  }
0xb0: {  	[dreg:$0x0] =	wrdreg $0x60  }
0xb1: {  	[dreg:$0x2] =	wrdreg s2  }
0xb2: {  	[dreg:$0x3] =	wrdreg s19  }
0xb3: {  	[dreg:$0x4] =	wrdreg s4  }
0xb4: {  	[dreg:$0x5] =	wrdreg s5  }
0xb5: {  	[dreg:$0x6] =	wrdreg $0x9  }
0xb6: {  	_ =	task.clear_ibuf [dreg:s10], $0x7FFFF;
	_ =	strace $0x90000046  }
0xb7: {  	s29 =	simm.s32 $0x9;
	_ =	strace $0x80000048  }
0xb8: {  	_ =	swait.ge [sflag:s29], $0x1  }
0xb9: {  	[sflag:s29] =	ssyncadd.s32 $0xFFFFFFFF  }
0xba: {  	_ =	strace $0x90000048  }
0xbb: {  	_ =	sfence  }
0xbc: {  	s30 =	sld [smem:$0x0];
	_ =	sdelay $0x2  }
0xbd: {  	s31 =	sshll.u32 s1, $0xD;
	s1 =	sshrl.u32 s1, $0x2  }
0xbe: {  	s3 =	sand.u32 $0x4000, s31;
	s1 =	sadd.s32 s1, s30  }
0xbf: {  	s0 =	sor.u32 s3, s0;
	s1 =	sshll.u32 s1, $0x11  }
0xc0: {  	s0 =	sor.u32 s1, s0  }
0xc1: {  	s0 =	sadd.s32 $0x8F2B, s0  }
0xc2: {  	[sflag:s0] =	ssyncadd.remote.s32 $0x1  }
0xc3: {  	_ =	sfence.sel $0xFFFF  }
0xc4: {  	[dreg:$0x0] =	wrdreg $0xFFFFFFFF;
	(pc) =	sbr.abs _section_cstart, $3  }
0xc5: {  	[dreg:$0x1] =	wrdreg $0xFFFFFFFF  }
0xc6: {  	_ =	task.clear_ibuf [dreg:s10], $0x2FFFF;
	_ =	strace $0x9FFFFFFF  }
0xc7: {  	(tm) =	ssettm $0x7FFFFFFF  }
tec
execute0_lowered:
.L_overlay_start_1:
0x0: {  	(tag) =	ssettag $0x1  }
0x1: {  	s2 =	rddreg [dreg:$0x0]  }
0x2: {  	s1 =	rddreg [dreg:$0x1]  }
0x3: {  	s3 =	rddreg [dreg:$0x2];
	s4 =	srdreg.scid  }
0x4: {  	s0 =	rddreg [dreg:$0x3];
	s5 =	sand.u32 $0x1, s4;
	s4 =	simm.s32 $0x0  }
0x5: {  	s11 =	stileid.u32;
	s12 =	simm.s32 $0x16C00;
	[smem:$0x7FF] =	sst s4  }
0x6: {  	s13 =	simm.s32 $0x17400;
	_ =	strace $0x80000047;
	[dreg:$0x5] =	wrdreg s12  }
0x7: {  	s14 =	simm.s32 $0x17C00;
	s15 =	simm.s32 $0x18400;
	[dreg:$0x6] =	wrdreg s13  }
0x8: {  	s17 =	simm.s32 $0x18C00;
	s18 =	simm.s32 $0x19400;
	[dreg:$0x7] =	wrdreg s14  }
0x9: {  	s20 =	simm.s32 $0x19C00;
	s22 =	simm.s32 $0x1A400;
	[dreg:$0x8] =	wrdreg s15  }
0xa: {  	s23 =	simm.s32 $0x1AC00;
	s24 =	simm.s32 $0x1B400;
	[dreg:$0x9] =	wrdreg s17  }
0xb: {  	s25 =	simm.s32 $0x1BC00;
	s26 =	simm.s32 $0x1C400;
	[dreg:$0xa] =	wrdreg s18  }
0xc: {  	s28 =	simm.s32 $0x1;
	s29 =	simm.s32 $0x4;
	[dreg:$0xb] =	wrdreg s20  }
0xd: {  	s30 =	simm.s32 $0x2;
	s31 =	simm.s32 $0x5;
	[dreg:$0xc] =	wrdreg s22  }
0xe: {  	s9 =	sshll.u32 s11, $0x1;
	s7 =	sshrl.u32 s11, $0x2;
	[dreg:$0xd] =	wrdreg s23  }
0xf: {  	s21 =	sshll.u32 s11, $0x10;
	s11 =	simm.s32 $0x16800;
	[dreg:$0xe] =	wrdreg s24  }
0x10: {  	s6 =	sor.u32 s5, s9;
	s7 =	smul.u32 $0x19000, s7;
	[dreg:$0xf] =	wrdreg s25  }
0x11: {  	s9 =	ssub.s32 $0x2, s5;
	s5 =	sshll.u32 s5, $0xF;
	[dreg:$0x10] =	wrdreg s26  }
0x12: {  	s8 =	sshll.u32 s6, $0x7;
	[dreg:$0x14] =	wrdreg s11;
	s12 =	simm.s32 $0x17000  }
0x13: {  	s10 =	sshrl.u32 s9, $0x1;
	s13 =	simm.s32 $0x17800;
	[dreg:$0x15] =	wrdreg s12  }
0x14: {  	s6 =	sshll.u32 s6, $0xC;
	s14 =	simm.s32 $0x18000;
	[dreg:$0x16] =	wrdreg s13  }
0x15: {  	s5 =	sor.u32 s5, s21;
	s15 =	simm.s32 $0x18800;
	[dreg:$0x17] =	wrdreg s14  }
0x16: {  	s17 =	simm.s32 $0x19800;
	s18 =	simm.s32 $0x1A000;
	[dreg:$0x18] =	wrdreg s15  }
0x17: {  	s20 =	simm.s32 $0x1B000;
	s21 =	simm.s32 $0x1B800;
	[dreg:$0x1a] =	wrdreg s17  }
0x18: {  	s11 =	simm.s32 $0x8C00;
	s22 =	simm.s32 $0x1C000;
	[dreg:$0x1b] =	wrdreg s18  }
0x19: {  	s23 =	simm.s32 $0x1C800;
	s24 =	simm.s32 $0x1D000;
	[dreg:$0x1d] =	wrdreg s20  }
0x1a: {  	s25 =	simm.s32 $0x1D800;
	s26 =	simm.s32 $0x1E000;
	[dreg:$0x1e] =	wrdreg s21  }
0x1b: {  	s8 =	sand.u32 $0x380, s8;
	s10 =	ssub.s32 s9, s10;
	[dreg:$0x1f] =	wrdreg s22  }
0x1c: {  	s6 =	sadd.s32 s6, s0;
	s9 =	simm.s32 $0x1D400;
	[smem:$0x7FA] =	sst s23  }
0x1d: {  	s15 =	simm.s32 $0x6400;
	s12 =	simm.s32 $0x9400;
	[smem:$0x7FB] =	sst s24  }
0x1e: {  	s13 =	simm.s32 $0x9C00;
	s14 =	simm.s32 $0xA400;
	[smem:$0x7FC] =	sst s25  }
0x1f: {  	[smem:$0x7FD] =	sst s26;
	s17 =	simm.s32 $0xB400;
	s18 =	simm.s32 $0xBC00  }
0x20: {  	s21 =	simm.s32 $0xCC00;
	s22 =	simm.s32 $0xD400;
	s23 =	simm.s32 $0xDC00  }
0x21: {  	v18 =	vlaneseq.u32;
	s24 =	simm.s32 $0x6800;
	s25 =	simm.s32 $0x7000;
	s20 =	simm.s32 $0xE400  }
0x22: {  	v0 =	vmul.u32 $0x64, v18;
	s26 =	simm.s32 $0x16400;
	s7 =	sor.u32 s7, s8;
	s16 =	sadd.s32 $0x600000, s6  }
0x23: {  	vm0 =	vmmov $0xff;
	v17 =	vshrl.u32 v18, $0x3;
	v16 =	vand.u32 $0x7, v18;
	s6 =	sadd.s32 $0x620000, s6;
	s19 =	smax.u32 s10, $0x1;
	[dreg:$0x12] =	wrdreg s9  }
0x24: {  	v18 =	vor.u32 $0x8, v18;
	v17 =	vmul.u32 $0x8, v17;
	v1 =	vor.u32 $0x1, v0;
	s8 =	sshrl.u32 s5, $0x3;
	s10 =	simm.s32 $0x1DC00;
	[smem:$0x7F4] =	sst s16  }
0x25: {  	v2 =	vadd.s32 $0x640, v0;
	v3 =	vadd.s32 $0x641, v0;
	v4 =	vadd.s32 $0xC80, v0;
	s9 =	simm.s32 $0x7C00;
	s7 =	sshrl.u32 s7, $0x3;
	[smem:$0x7F5] =	sst s6  }
0x26: {  	v5 =	vadd.s32 $0xC81, v0;
	v6 =	vadd.s32 $0x12C0, v0;
	v7 =	vadd.s32 $0x12C1, v0;
	[smem:$0x7F6] =	sst s19;
	s6 =	sor.u32 $0x100000, s5;
	s5 =	sor.u32 $0x200000, s5  }
0x27: {  	v8 =	vadd.s32 $0x1900, v0;
	v9 =	vadd.s32 $0x1901, v0;
	v10 =	vadd.s32 $0x1F40, v0;
	[dreg:$0x13] =	wrdreg s10;
	s16 =	simm.s32 $0x19000;
	s19 =	simm.s32 $0x1A800  }
0x28: {  	v11 =	vadd.s32 $0x1F41, v0;
	v12 =	vadd.s32 $0x2580, v0;
	v13 =	vadd.s32 $0x2581, v0;
	s10 =	simm.s32 $0x8400;
	s2 =	sadd.s32 s2, s7;
	[dreg:$0x19] =	wrdreg s16  }
0x29: {  	v14 =	vadd.s32 $0x2BC0, v0;
	v15 =	vadd.s32 $0x2BC1, v0;
	v19 =	vor.u32 $0x2, v0;
	s6 =	sshrl.u32 s6, $0x3;
	s7 =	simm.s32 $0x1CC00;
	[dreg:$0x1c] =	wrdreg s19  }
0x2a: {  	v20 =	vor.u32 $0x3, v0;
	v21 =	vadd.s32 $0x642, v0;
	v22 =	vadd.s32 $0x643, v0;
	s5 =	sshrl.u32 s5, $0x3;
	s16 =	simm.s32 $0xAC00;
	[smem:$0x7F3] =	sst s2  }
0x2b: {  	v23 =	vadd.s32 $0xC82, v0;
	v24 =	vadd.s32 $0xC83, v0;
	v25 =	vadd.s32 $0x12C2, v0;
	s19 =	simm.s32 $0xC400;
	s6 =	sadd.s32 s6, s0;
	[dreg:$0x11] =	wrdreg s7  }
0x2c: {  	v26 =	vadd.s32 $0x12C3, v0;
	v27 =	vadd.s32 $0x1902, v0;
	v28 =	vadd.s32 $0x1903, v0;
	s7 =	simm.s32 $0x6C00;
	[smem:$0x7F7] =	sst s6;
	s6 =	sadd.s32 s8, s0  }
0x2d: {  	v29 =	vadd.s32 $0x1F42, v0;
	v30 =	vadd.s32 $0x1F43, v0;
	v31 =	vadd.s32 $0x2582, v0;
	s2 =	simm.s32 $0x3;
	s0 =	sadd.s32 s5, s0;
	[smem:$0x7F8] =	sst s6  }
0x2e: {  	v32 =	vadd.s32 $0x2583, v0;
	v33 =	vadd.s32 $0x2BC2, v0;
	v34 =	vadd.s32 $0x2BC3, v0;
	s8 =	simm.s32 $0x7400;
	s5 =	simm.s32 $0x0;
	[smem:$0x7F9] =	sst s0  }
.LBB2_1:
0x2f: {  	s0 =	sld [smem:$0x7F3];
	_ =	sdelay $0x1  }
0x30: {  	[smem:$0x7F2] =	sst s5;
	s5 =	simm.s32 $0x80;
	s6 =	simm.s32 $0x400  }
0x31: {  	[tilespmem:s4], [sflag:$0x7] =	stream.strided.gather [hbm4b:s0+s5], $0x3200, s6, s5, $0x38;
	[tilespmem:$0x1E400] =	vst v63  }
0x32: {  	s6 =	simm.s32 $0x7  }
0x33: {  	_ =	swait.ge [sflag:s6], $0x3200  }
0x34: {  	[sflag:s6] =	ssyncset.done $0x0  }
0x35: {  	[sflag:s6] =	ssyncadd.s32 $0xFFFFCE00  }
0x36: {  	v35 =	vld.idx.msk [tilespmem:v0+s4+$0x0], $0xffff;
	_ =	sdelay $0x4  }
0x37: {  	[tilespmem:$0x3200] =	vst v35  }
0x38: {  	v36 =	vld.idx.msk [tilespmem:v1+s4+$0x0], $0xffff;
	_ =	sdelay $0x4  }
0x39: {  	[tilespmem:$0x4B00] =	vst v36  }
0x3a: {  	v36 =	vld.idx.msk [tilespmem:v2+s4+$0x0], $0xffff;
	_ =	sdelay $0x4  }
0x3b: {  	[tilespmem:$0x3210] =	vst v36  }
0x3c: {  	v36 =	vld.idx.msk [tilespmem:v3+s4+$0x0], $0xffff;
	_ =	sdelay $0x4  }
0x3d: {  	[tilespmem:$0x4B10] =	vst v36  }
0x3e: {  	v36 =	vld.idx.msk [tilespmem:v4+s4+$0x0], $0xffff;
	_ =	sdelay $0x4  }
0x3f: {  	[tilespmem:$0x3220] =	vst v36  }
0x40: {  	v36 =	vld.idx.msk [tilespmem:v5+s4+$0x0], $0xffff;
	_ =	sdelay $0x4  }
0x41: {  	[tilespmem:$0x4B20] =	vst v36  }
0x42: {  	v36 =	vld.idx.msk [tilespmem:v6+s4+$0x0], $0xffff;
	_ =	sdelay $0x4  }
0x43: {  	[tilespmem:$0x3230] =	vst v36  }
0x44: {  	v36 =	vld.idx.msk [tilespmem:v7+s4+$0x0], $0xffff;
	_ =	sdelay $0x4  }
0x45: {  	[tilespmem:$0x4B30] =	vst v36  }
0x46: {  	v36 =	vld.idx.msk [tilespmem:v8+s4+$0x0], $0xffff;
	_ =	sdelay $0x4  }
0x47: {  	[tilespmem:$0x3240] =	vst v36  }
0x48: {  	v36 =	vld.idx.msk [tilespmem:v9+s4+$0x0], $0xffff;
	_ =	sdelay $0x4  }
0x49: {  	[tilespmem:$0x4B40] =	vst v36  }
0x4a: {  	v36 =	vld.idx.msk [tilespmem:v10+s4+$0x0], $0xffff;
	_ =	sdelay $0x4  }
0x4b: {  	[tilespmem:$0x3250] =	vst v36  }
0x4c: {  	v36 =	vld.idx.msk [tilespmem:v11+s4+$0x0], $0xffff;
	_ =	sdelay $0x4  }
0x4d: {  	[tilespmem:$0x4B50] =	vst v36  }
0x4e: {  	v36 =	vld.idx.msk [tilespmem:v12+s4+$0x0], $0xffff;
	_ =	sdelay $0x4  }
0x4f: {  	[tilespmem:$0x3260] =	vst v36  }
0x50: {  	v36 =	vld.idx.msk [tilespmem:v13+s4+$0x0], $0xffff;
	_ =	sdelay $0x4  }
0x51: {  	[tilespmem:$0x4B60] =	vst v36  }
0x52: {  	v36 =	vld.idx.msk [tilespmem:v14+s4+$0x0], $0xffff;
	_ =	sdelay $0x4  }
0x53: {  	v56 =	vperm.xlane v35, v16;
	[tilespmem:$0x3270] =	vst v36  }
0x54: {  	v37 =	vld.idx.msk [tilespmem:v15+s4+$0x0], $0xffff  }
0x55: {  	v35 =	vperm.xlane v35, v18;
	v36 =	vadd.s32 v17, v56;
	_ =	sdelay $0x1  }
0x56: {  	v35 =	vadd.s32 v17, v35;
	_ =	sdelay $0x1  }
0x57: {  	[tilespmem:$0x4B70] =	vst v37  }
0x58: {  	[tilespmem:s15], [sflag:$0x1] =	stream.indirect_vreg.gather [hbm4b:s1+s4], $0x80, v36, vm0, $0xb8;
	[tilespmem:$0x1E400] =	vst v63  }
0x59: {  	_ = 	snop  }
0x5a: {  	[tilespmem:s7], [sflag:$0x1] =	stream.indirect_vreg.gather [hbm4b:s1+s4], $0x80, v35, vm0, $0xb8;
	[tilespmem:$0x1E400] =	vst v63  }
0x5b: {  	v35 =	vld [tilespmem:$0x3210];
	_ =	sdelay $0x4  }
0x5c: {  	v57 =	vperm.xlane v35, v16;
	_ =	sdelay $0x1  }
0x5d: {  	v35 =	vperm.xlane v35, v18;
	v36 =	vadd.s32 v17, v57;
	_ =	sdelay $0x1  }
0x5e: {  	v35 =	vadd.s32 v17, v35;
	_ =	sdelay $0x2  }
0x5f: {  	[tilespmem:s8], [sflag:$0x1] =	stream.indirect_vreg.gather [hbm4b:s1+s4], $0x80, v36, vm0, $0xb8;
	[tilespmem:$0x1E400] =	vst v63  }
0x60: {  	_ = 	snop  }
0x61: {  	[tilespmem:s9], [sflag:$0x1] =	stream.indirect_vreg.gather [hbm4b:s1+s4], $0x80, v35, vm0, $0xb8;
	[tilespmem:$0x1E400] =	vst v63  }
0x62: {  	v35 =	vld [tilespmem:$0x3220];
	_ =	sdelay $0x4  }
0x63: {  	v58 =	vperm.xlane v35, v16;
	_ =	sdelay $0x1  }
0x64: {  	v35 =	vperm.xlane v35, v18;
	v36 =	vadd.s32 v17, v58;
	_ =	sdelay $0x1  }
0x65: {  	v35 =	vadd.s32 v17, v35;
	_ =	sdelay $0x2  }
0x66: {  	[tilespmem:s10], [sflag:$0x1] =	stream.indirect_vreg.gather [hbm4b:s1+s4], $0x80, v36, vm0, $0xb8;
	[tilespmem:$0x1E400] =	vst v63  }
0x67: {  	_ = 	snop  }
0x68: {  	[tilespmem:s11], [sflag:$0x1] =	stream.indirect_vreg.gather [hbm4b:s1+s4], $0x80, v35, vm0, $0xb8;
	[tilespmem:$0x1E400] =	vst v63  }
0x69: {  	v35 =	vld [tilespmem:$0x3230];
	_ =	sdelay $0x4  }
0x6a: {  	v59 =	vperm.xlane v35, v16;
	_ =	sdelay $0x1  }
0x6b: {  	v35 =	vperm.xlane v35, v18;
	v36 =	vadd.s32 v17, v59;
	_ =	sdelay $0x1  }
0x6c: {  	v35 =	vadd.s32 v17, v35;
	_ =	sdelay $0x2  }
0x6d: {  	[tilespmem:s12], [sflag:$0x1] =	stream.indirect_vreg.gather [hbm4b:s1+s4], $0x80, v36, vm0, $0xb8;
	[tilespmem:$0x1E400] =	vst v63  }
0x6e: {  	_ = 	snop  }
0x6f: {  	[tilespmem:s13], [sflag:$0x1] =	stream.indirect_vreg.gather [hbm4b:s1+s4], $0x80, v35, vm0, $0xb8;
	[tilespmem:$0x1E400] =	vst v63  }
0x70: {  	v35 =	vld [tilespmem:$0x3240];
	_ =	sdelay $0x4  }
0x71: {  	v60 =	vperm.xlane v35, v16;
	_ =	sdelay $0x1  }
0x72: {  	v35 =	vperm.xlane v35, v18;
	v36 =	vadd.s32 v17, v60;
	_ =	sdelay $0x1  }
0x73: {  	v35 =	vadd.s32 v17, v35;
	_ =	sdelay $0x2  }
0x74: {  	[tilespmem:s14], [sflag:$0x1] =	stream.indirect_vreg.gather [hbm4b:s1+s4], $0x80, v36, vm0, $0xb8;
	[tilespmem:$0x1E400] =	vst v63  }
0x75: {  	_ = 	snop  }
0x76: {  	[tilespmem:s16], [sflag:$0x1] =	stream.indirect_vreg.gather [hbm4b:s1+s4], $0x80, v35, vm0, $0xb8;
	[tilespmem:$0x1E400] =	vst v63  }
0x77: {  	v35 =	vld [tilespmem:$0x3250];
	_ =	sdelay $0x4  }
0x78: {  	v61 =	vperm.xlane v35, v16;
	_ =	sdelay $0x1  }
0x79: {  	v35 =	vperm.xlane v35, v18;
	v36 =	vadd.s32 v17, v61;
	_ =	sdelay $0x1  }
0x7a: {  	v35 =	vadd.s32 v17, v35;
	_ =	sdelay $0x2  }
0x7b: {  	[tilespmem:s17], [sflag:$0x1] =	stream.indirect_vreg.gather [hbm4b:s1+s4], $0x80, v36, vm0, $0xb8;
	[tilespmem:$0x1E400] =	vst v63  }
0x7c: {  	_ = 	snop  }
0x7d: {  	[tilespmem:s18], [sflag:$0x1] =	stream.indirect_vreg.gather [hbm4b:s1+s4], $0x80, v35, vm0, $0xb8;
	[tilespmem:$0x1E400] =	vst v63  }
0x7e: {  	v35 =	vld [tilespmem:$0x3260];
	_ =	sdelay $0x4  }
0x7f: {  	v62 =	vperm.xlane v35, v16;
	_ =	sdelay $0x1  }
0x80: {  	v35 =	vperm.xlane v35, v18;
	v36 =	vadd.s32 v17, v62;
	_ =	sdelay $0x1  }
0x81: {  	v35 =	vadd.s32 v17, v35;
	_ =	sdelay $0x2  }
0x82: {  	[tilespmem:s19], [sflag:$0x1] =	stream.indirect_vreg.gather [hbm4b:s1+s4], $0x80, v36, vm0, $0xb8;
	[tilespmem:$0x1E400] =	vst v63  }
0x83: {  	_ = 	snop  }
0x84: {  	[tilespmem:s21], [sflag:$0x1] =	stream.indirect_vreg.gather [hbm4b:s1+s4], $0x80, v35, vm0, $0xb8;
	[tilespmem:$0x1E400] =	vst v63  }
0x85: {  	v35 =	vld [tilespmem:$0x3270];
	_ =	sdelay $0x4  }
0x86: {  	v63 =	vperm.xlane v35, v16;
	_ =	sdelay $0x1  }
0x87: {  	v35 =	vperm.xlane v35, v18;
	v36 =	vadd.s32 v17, v63;
	_ =	sdelay $0x1  }
0x88: {  	v35 =	vadd.s32 v17, v35;
	_ =	sdelay $0x2  }
0x89: {  	[tilespmem:s22], [sflag:$0x1] =	stream.indirect_vreg.gather [hbm4b:s1+s4], $0x80, v36, vm0, $0xb8;
	[tilespmem:$0x1E400] =	vst v63  }
0x8a: {  	_ = 	snop  }
0x8b: {  	[tilespmem:s23], [sflag:$0x1] =	stream.indirect_vreg.gather [hbm4b:s1+s4], $0x80, v35, vm0, $0xb8;
	[tilespmem:$0x1E400] =	vst v63  }
0x8c: {  	v35 =	vld [tilespmem:$0x4B00];
	_ =	sdelay $0x4  }
0x8d: {  	v40 =	vperm.xlane v35, v16;
	_ =	sdelay $0x1  }
0x8e: {  	v35 =	vperm.xlane v35, v18;
	v36 =	vadd.s32 v17, v40;
	_ =	sdelay $0x1  }
0x8f: {  	v35 =	vadd.s32 v17, v35;
	_ =	sdelay $0x2  }
0x90: {  	[tilespmem:s24], [sflag:$0x1] =	stream.indirect_vreg.gather [hbm4b:s3+s4], $0x80, v36, vm0, $0xb8;
	[tilespmem:$0x1E400] =	vst v63  }
0x91: {  	_ = 	snop  }
0x92: {  	[tilespmem:s25], [sflag:$0x1] =	stream.indirect_vreg.gather [hbm4b:s3+s4], $0x80, v35, vm0, $0xb8;
	[tilespmem:$0x1E400] =	vst v63  }
0x93: {  	v35 =	vld [tilespmem:$0x4B10];
	_ =	sdelay $0x4  }
0x94: {  	v41 =	vperm.xlane v35, v16;
	_ =	sdelay $0x1  }
0x95: {  	v35 =	vperm.xlane v35, v18;
	v36 =	vadd.s32 v17, v41;
	_ =	sdelay $0x1  }
0x96: {  	v35 =	vadd.s32 v17, v35;
	_ =	sdelay $0x1  }
0x97: {  	s24 =	simm.s32 $0x7800  }
0x98: {  	[tilespmem:s24], [sflag:$0x1] =	stream.indirect_vreg.gather [hbm4b:s3+s4], $0x80, v36, vm0, $0xb8;
	[tilespmem:$0x1E400] =	vst v63  }
0x99: {  	s25 =	simm.s32 $0x8000  }
0x9a: {  	[tilespmem:s25], [sflag:$0x1] =	stream.indirect_vreg.gather [hbm4b:s3+s4], $0x80, v35, vm0, $0xb8;
	[tilespmem:$0x1E400] =	vst v63  }
0x9b: {  	v35 =	vld [tilespmem:$0x4B20];
	_ =	sdelay $0x4  }
0x9c: {  	v42 =	vperm.xlane v35, v16;
	_ =	sdelay $0x1  }
0x9d: {  	v35 =	vperm.xlane v35, v18;
	v36 =	vadd.s32 v17, v42;
	_ =	sdelay $0x1  }
0x9e: {  	v35 =	vadd.s32 v17, v35;
	_ =	sdelay $0x1  }
0x9f: {  	s5 =	simm.s32 $0x8800  }
0xa0: {  	[tilespmem:s5], [sflag:$0x1] =	stream.indirect_vreg.gather [hbm4b:s3+s4], $0x80, v36, vm0, $0xb8;
	[tilespmem:$0x1E400] =	vst v63  }
0xa1: {  	s6 =	simm.s32 $0x9000  }
0xa2: {  	[tilespmem:s6], [sflag:$0x1] =	stream.indirect_vreg.gather [hbm4b:s3+s4], $0x80, v35, vm0, $0xb8;
	[tilespmem:$0x1E400] =	vst v63  }
0xa3: {  	v35 =	vld [tilespmem:$0x4B30];
	_ =	sdelay $0x4  }
0xa4: {  	v43 =	vperm.xlane v35, v16;
	_ =	sdelay $0x1  }
0xa5: {  	v35 =	vperm.xlane v35, v18;
	v36 =	vadd.s32 v17, v43;
	_ =	sdelay $0x1  }
0xa6: {  	v35 =	vadd.s32 v17, v35;
	_ =	sdelay $0x1  }
0xa7: {  	s7 =	simm.s32 $0x9800  }
0xa8: {  	[tilespmem:s7], [sflag:$0x1] =	stream.indirect_vreg.gather [hbm4b:s3+s4], $0x80, v36, vm0, $0xb8;
	[tilespmem:$0x1E400] =	vst v63  }
0xa9: {  	s8 =	simm.s32 $0xA000  }
0xaa: {  	[tilespmem:s8], [sflag:$0x1] =	stream.indirect_vreg.gather [hbm4b:s3+s4], $0x80, v35, vm0, $0xb8;
	[tilespmem:$0x1E400] =	vst v63  }
0xab: {  	v35 =	vld [tilespmem:$0x4B40];
	_ =	sdelay $0x4  }
0xac: {  	v44 =	vperm.xlane v35, v16;
	_ =	sdelay $0x1  }
0xad: {  	v35 =	vperm.xlane v35, v18;
	v36 =	vadd.s32 v17, v44;
	_ =	sdelay $0x1  }
0xae: {  	v35 =	vadd.s32 v17, v35;
	_ =	sdelay $0x1  }
0xaf: {  	s9 =	simm.s32 $0xA800  }
0xb0: {  	[tilespmem:s9], [sflag:$0x1] =	stream.indirect_vreg.gather [hbm4b:s3+s4], $0x80, v36, vm0, $0xb8;
	[tilespmem:$0x1E400] =	vst v63  }
0xb1: {  	s10 =	simm.s32 $0xB000  }
0xb2: {  	[tilespmem:s10], [sflag:$0x1] =	stream.indirect_vreg.gather [hbm4b:s3+s4], $0x80, v35, vm0, $0xb8;
	[tilespmem:$0x1E400] =	vst v63  }
0xb3: {  	v35 =	vld [tilespmem:$0x4B50];
	_ =	sdelay $0x4  }
0xb4: {  	v45 =	vperm.xlane v35, v16;
	_ =	sdelay $0x1  }
0xb5: {  	v35 =	vperm.xlane v35, v18;
	v36 =	vadd.s32 v17, v45;
	_ =	sdelay $0x1  }
0xb6: {  	v35 =	vadd.s32 v17, v35;
	_ =	sdelay $0x1  }
0xb7: {  	s11 =	simm.s32 $0xB800  }
0xb8: {  	[tilespmem:s11], [sflag:$0x1] =	stream.indirect_vreg.gather [hbm4b:s3+s4], $0x80, v36, vm0, $0xb8;
	[tilespmem:$0x1E400] =	vst v63  }
0xb9: {  	s12 =	simm.s32 $0xC000  }
0xba: {  	[tilespmem:s12], [sflag:$0x1] =	stream.indirect_vreg.gather [hbm4b:s3+s4], $0x80, v35, vm0, $0xb8;
	[tilespmem:$0x1E400] =	vst v63  }
0xbb: {  	v35 =	vld [tilespmem:$0x4B60];
	_ =	sdelay $0x4  }
0xbc: {  	v46 =	vperm.xlane v35, v16;
	_ =	sdelay $0x1  }
0xbd: {  	v35 =	vperm.xlane v35, v18;
	v36 =	vadd.s32 v17, v46;
	_ =	sdelay $0x1  }
0xbe: {  	v35 =	vadd.s32 v17, v35;
	_ =	sdelay $0x1  }
0xbf: {  	s13 =	simm.s32 $0xC800  }
0xc0: {  	[tilespmem:s13], [sflag:$0x1] =	stream.indirect_vreg.gather [hbm4b:s3+s4], $0x80, v36, vm0, $0xb8;
	[tilespmem:$0x1E400] =	vst v63  }
0xc1: {  	s14 =	simm.s32 $0xD000  }
0xc2: {  	[tilespmem:s14], [sflag:$0x1] =	stream.indirect_vreg.gather [hbm4b:s3+s4], $0x80, v35, vm0, $0xb8;
	[tilespmem:$0x1E400] =	vst v63  }
0xc3: {  	v35 =	vld [tilespmem:$0x4B70];
	_ =	sdelay $0x4  }
0xc4: {  	v47 =	vperm.xlane v35, v16;
	_ =	sdelay $0x1  }
0xc5: {  	v35 =	vperm.xlane v35, v18;
	v36 =	vadd.s32 v17, v47;
	_ =	sdelay $0x1  }
0xc6: {  	v35 =	vadd.s32 v17, v35;
	_ =	sdelay $0x1  }
0xc7: {  	s16 =	simm.s32 $0xD800  }
0xc8: {  	[tilespmem:s16], [sflag:$0x1] =	stream.indirect_vreg.gather [hbm4b:s3+s4], $0x80, v36, vm0, $0xb8;
	[tilespmem:$0x1E400] =	vst v63  }
0xc9: {  	s17 =	simm.s32 $0xE000  }
0xca: {  	[tilespmem:s17], [sflag:$0x1] =	stream.indirect_vreg.gather [hbm4b:s3+s4], $0x80, v35, vm0, $0xb8;
	[tilespmem:$0x1E400] =	vst v63  }
0xcb: {  	v35 =	vld.idx.msk [tilespmem:v19+s4+$0x0], $0xffff;
	_ =	sdelay $0x4  }
0xcc: {  	[tilespmem:$0x3280] =	vst v35  }
0xcd: {  	v36 =	vld.idx.msk [tilespmem:v20+s4+$0x0], $0xffff;
	_ =	sdelay $0x4  }
0xce: {  	[tilespmem:$0x4B80] =	vst v36  }
0xcf: {  	v36 =	vld.idx.msk [tilespmem:v21+s4+$0x0], $0xffff;
	_ =	sdelay $0x4  }
0xd0: {  	[tilespmem:$0x3290] =	vst v36  }
0xd1: {  	v36 =	vld.idx.msk [tilespmem:v22+s4+$0x0], $0xffff;
	_ =	sdelay $0x4  }
0xd2: {  	[tilespmem:$0x4B90] =	vst v36  }
0xd3: {  	v36 =	vld.idx.msk [tilespmem:v23+s4+$0x0], $0xffff;
	_ =	sdelay $0x4  }
0xd4: {  	[tilespmem:$0x32A0] =	vst v36  }
0xd5: {  	v36 =	vld.idx.msk [tilespmem:v24+s4+$0x0], $0xffff;
	_ =	sdelay $0x4  }
0xd6: {  	[tilespmem:$0x4BA0] =	vst v36  }
0xd7: {  	v36 =	vld.idx.msk [tilespmem:v25+s4+$0x0], $0xffff;
	_ =	sdelay $0x4  }
0xd8: {  	[tilespmem:$0x32B0] =	vst v36  }
0xd9: {  	v36 =	vld.idx.msk [tilespmem:v26+s4+$0x0], $0xffff;
	_ =	sdelay $0x4  }
0xda: {  	[tilespmem:$0x4BB0] =	vst v36  }
0xdb: {  	v36 =	vld.idx.msk [tilespmem:v27+s4+$0x0], $0xffff;
	_ =	sdelay $0x4  }
0xdc: {  	[tilespmem:$0x32C0] =	vst v36  }
0xdd: {  	v36 =	vld.idx.msk [tilespmem:v28+s4+$0x0], $0xffff;
	_ =	sdelay $0x4  }
0xde: {  	[tilespmem:$0x4BC0] =	vst v36  }
0xdf: {  	v36 =	vld.idx.msk [tilespmem:v29+s4+$0x0], $0xffff;
	_ =	sdelay $0x4  }
0xe0: {  	[tilespmem:$0x32D0] =	vst v36  }
0xe1: {  	v36 =	vld.idx.msk [tilespmem:v30+s4+$0x0], $0xffff;
	_ =	sdelay $0x4  }
0xe2: {  	[tilespmem:$0x4BD0] =	vst v36  }
0xe3: {  	v36 =	vld.idx.msk [tilespmem:v31+s4+$0x0], $0xffff;
	_ =	sdelay $0x4  }
0xe4: {  	[tilespmem:$0x32E0] =	vst v36  }
0xe5: {  	v36 =	vld.idx.msk [tilespmem:v32+s4+$0x0], $0xffff;
	_ =	sdelay $0x4  }
0xe6: {  	[tilespmem:$0x4BE0] =	vst v36  }
0xe7: {  	v36 =	vld.idx.msk [tilespmem:v33+s4+$0x0], $0xffff;
	_ =	sdelay $0x4  }
0xe8: {  	v48 =	vperm.xlane v35, v16;
	[tilespmem:$0x32F0] =	vst v36  }
0xe9: {  	v37 =	vld.idx.msk [tilespmem:v34+s4+$0x0], $0xffff  }
0xea: {  	v35 =	vperm.xlane v35, v18;
	v36 =	vadd.s32 v17, v48;
	_ =	sdelay $0x1  }
0xeb: {  	v35 =	vadd.s32 v17, v35;
	_ =	sdelay $0x1  }
0xec: {  	[tilespmem:$0x4BF0] =	vst v37  }
0xed: {  	[tilespmem:s20], [sflag:$0x2] =	stream.indirect_vreg.gather [hbm4b:s1+s4], $0x80, v36, vm0, $0xb8;
	[tilespmem:$0x1E400] =	vst v63  }
0xee: {  	s18 =	simm.s32 $0xEC00  }
0xef: {  	[tilespmem:s18], [sflag:$0x2] =	stream.indirect_vreg.gather [hbm4b:s1+s4], $0x80, v35, vm0, $0xb8;
	[tilespmem:$0x1E400] =	vst v63  }
0xf0: {  	v35 =	vld [tilespmem:$0x3290];
	_ =	sdelay $0x4  }
0xf1: {  	v49 =	vperm.xlane v35, v16;
	_ =	sdelay $0x1  }
0xf2: {  	v35 =	vperm.xlane v35, v18;
	v36 =	vadd.s32 v17, v49;
	_ =	sdelay $0x1  }
0xf3: {  	v35 =	vadd.s32 v17, v35;
	_ =	sdelay $0x1  }
0xf4: {  	s19 =	simm.s32 $0xF400  }
0xf5: {  	[tilespmem:s19], [sflag:$0x2] =	stream.indirect_vreg.gather [hbm4b:s1+s4], $0x80, v36, vm0, $0xb8;
	[tilespmem:$0x1E400] =	vst v63  }
0xf6: {  	s21 =	simm.s32 $0xFC00  }
0xf7: {  	[tilespmem:s21], [sflag:$0x2] =	stream.indirect_vreg.gather [hbm4b:s1+s4], $0x80, v35, vm0, $0xb8;
	[tilespmem:$0x1E400] =	vst v63  }
0xf8: {  	v35 =	vld [tilespmem:$0x32A0];
	_ =	sdelay $0x4  }
0xf9: {  	v50 =	vperm.xlane v35, v16;
	_ =	sdelay $0x1  }
0xfa: {  	v35 =	vperm.xlane v35, v18;
	v36 =	vadd.s32 v17, v50;
	_ =	sdelay $0x1  }
0xfb: {  	v35 =	vadd.s32 v17, v35;
	_ =	sdelay $0x1  }
0xfc: {  	s22 =	simm.s32 $0x10400  }
0xfd: {  	[tilespmem:s22], [sflag:$0x2] =	stream.indirect_vreg.gather [hbm4b:s1+s4], $0x80, v36, vm0, $0xb8;
	[tilespmem:$0x1E400] =	vst v63  }
0xfe: {  	s23 =	simm.s32 $0x10C00  }
0xff: {  	[tilespmem:s23], [sflag:$0x2] =	stream.indirect_vreg.gather [hbm4b:s1+s4], $0x80, v35, vm0, $0xb8;
	[tilespmem:$0x1E400] =	vst v63  }
0x100: {  	v35 =	vld [tilespmem:$0x32B0];
	_ =	sdelay $0x4  }
0x101: {  	v51 =	vperm.xlane v35, v16;
	_ =	sdelay $0x1  }
0x102: {  	v35 =	vperm.xlane v35, v18;
	v36 =	vadd.s32 v17, v51;
	_ =	sdelay $0x1  }
0x103: {  	v35 =	vadd.s32 v17, v35;
	_ =	sdelay $0x1  }
0x104: {  	s24 =	simm.s32 $0x11400  }
0x105: {  	[tilespmem:s24], [sflag:$0x2] =	stream.indirect_vreg.gather [hbm4b:s1+s4], $0x80, v36, vm0, $0xb8;
	[tilespmem:$0x1E400] =	vst v63  }
0x106: {  	s25 =	simm.s32 $0x11C00  }
0x107: {  	[tilespmem:s25], [sflag:$0x2] =	stream.indirect_vreg.gather [hbm4b:s1+s4], $0x80, v35, vm0, $0xb8;
	[tilespmem:$0x1E400] =	vst v63  }
0x108: {  	v35 =	vld [tilespmem:$0x32C0];
	_ =	sdelay $0x4  }
0x109: {  	v52 =	vperm.xlane v35, v16;
	_ =	sdelay $0x1  }
0x10a: {  	v35 =	vperm.xlane v35, v18;
	v36 =	vadd.s32 v17, v52;
	_ =	sdelay $0x1  }
0x10b: {  	v35 =	vadd.s32 v17, v35;
	_ =	sdelay $0x1  }
0x10c: {  	s5 =	simm.s32 $0x12400  }
0x10d: {  	[tilespmem:s5], [sflag:$0x2] =	stream.indirect_vreg.gather [hbm4b:s1+s4], $0x80, v36, vm0, $0xb8;
	[tilespmem:$0x1E400] =	vst v63  }
0x10e: {  	s6 =	simm.s32 $0x12C00  }
0x10f: {  	[tilespmem:s6], [sflag:$0x2] =	stream.indirect_vreg.gather [hbm4b:s1+s4], $0x80, v35, vm0, $0xb8;
	[tilespmem:$0x1E400] =	vst v63  }
0x110: {  	v35 =	vld [tilespmem:$0x32D0];
	_ =	sdelay $0x4  }
0x111: {  	v53 =	vperm.xlane v35, v16;
	_ =	sdelay $0x1  }
0x112: {  	v35 =	vperm.xlane v35, v18;
	v36 =	vadd.s32 v17, v53;
	_ =	sdelay $0x1  }
0x113: {  	v35 =	vadd.s32 v17, v35;
	_ =	sdelay $0x1  }
0x114: {  	s7 =	simm.s32 $0x13400  }
0x115: {  	[tilespmem:s7], [sflag:$0x2] =	stream.indirect_vreg.gather [hbm4b:s1+s4], $0x80, v36, vm0, $0xb8;
	[tilespmem:$0x1E400] =	vst v63  }
0x116: {  	s8 =	simm.s32 $0x13C00  }
0x117: {  	[tilespmem:s8], [sflag:$0x2] =	stream.indirect_vreg.gather [hbm4b:s1+s4], $0x80, v35, vm0, $0xb8;
	[tilespmem:$0x1E400] =	vst v63  }
0x118: {  	v35 =	vld [tilespmem:$0x32E0];
	_ =	sdelay $0x4  }
0x119: {  	v54 =	vperm.xlane v35, v16;
	_ =	sdelay $0x1  }
0x11a: {  	v35 =	vperm.xlane v35, v18;
	v36 =	vadd.s32 v17, v54;
	_ =	sdelay $0x1  }
0x11b: {  	v35 =	vadd.s32 v17, v35;
	_ =	sdelay $0x1  }
0x11c: {  	s9 =	simm.s32 $0x14400  }
0x11d: {  	[tilespmem:s9], [sflag:$0x2] =	stream.indirect_vreg.gather [hbm4b:s1+s4], $0x80, v36, vm0, $0xb8;
	[tilespmem:$0x1E400] =	vst v63  }
0x11e: {  	s10 =	simm.s32 $0x14C00  }
0x11f: {  	[tilespmem:s10], [sflag:$0x2] =	stream.indirect_vreg.gather [hbm4b:s1+s4], $0x80, v35, vm0, $0xb8;
	[tilespmem:$0x1E400] =	vst v63  }
0x120: {  	v35 =	vld [tilespmem:$0x32F0];
	_ =	sdelay $0x4  }
0x121: {  	v55 =	vperm.xlane v35, v16;
	_ =	sdelay $0x1  }
0x122: {  	v35 =	vperm.xlane v35, v18;
	v36 =	vadd.s32 v17, v55;
	_ =	sdelay $0x1  }
0x123: {  	v35 =	vadd.s32 v17, v35;
	_ =	sdelay $0x1  }
0x124: {  	s11 =	simm.s32 $0x15400  }
0x125: {  	[tilespmem:s11], [sflag:$0x2] =	stream.indirect_vreg.gather [hbm4b:s1+s4], $0x80, v36, vm0, $0xb8;
	[tilespmem:$0x1E400] =	vst v63  }
0x126: {  	s12 =	simm.s32 $0x15C00  }
0x127: {  	[tilespmem:s12], [sflag:$0x2] =	stream.indirect_vreg.gather [hbm4b:s1+s4], $0x80, v35, vm0, $0xb8;
	[tilespmem:$0x1E400] =	vst v63  }
0x128: {  	v35 =	vld [tilespmem:$0x4B80];
	_ =	sdelay $0x4  }
0x129: {  	v56 =	vperm.xlane v35, v16;
	_ =	sdelay $0x1  }
0x12a: {  	v35 =	vperm.xlane v35, v18;
	v36 =	vadd.s32 v17, v56;
	_ =	sdelay $0x1  }
0x12b: {  	v35 =	vadd.s32 v17, v35;
	_ =	sdelay $0x1  }
0x12c: {  	s13 =	simm.s32 $0xE800  }
0x12d: {  	[tilespmem:s13], [sflag:$0x2] =	stream.indirect_vreg.gather [hbm4b:s3+s4], $0x80, v36, vm0, $0xb8;
	[tilespmem:$0x1E400] =	vst v63  }
0x12e: {  	s14 =	simm.s32 $0xF000  }
0x12f: {  	[tilespmem:s14], [sflag:$0x2] =	stream.indirect_vreg.gather [hbm4b:s3+s4], $0x80, v35, vm0, $0xb8;
	[tilespmem:$0x1E400] =	vst v63  }
0x130: {  	v35 =	vld [tilespmem:$0x4B90];
	_ =	sdelay $0x4  }
0x131: {  	v57 =	vperm.xlane v35, v16;
	_ =	sdelay $0x1  }
0x132: {  	v35 =	vperm.xlane v35, v18;
	v36 =	vadd.s32 v17, v57;
	_ =	sdelay $0x1  }
0x133: {  	v35 =	vadd.s32 v17, v35;
	_ =	sdelay $0x1  }
0x134: {  	s16 =	simm.s32 $0xF800  }
0x135: {  	[tilespmem:s16], [sflag:$0x2] =	stream.indirect_vreg.gather [hbm4b:s3+s4], $0x80, v36, vm0, $0xb8;
	[tilespmem:$0x1E400] =	vst v63  }
0x136: {  	s17 =	simm.s32 $0x10000  }
0x137: {  	[tilespmem:s17], [sflag:$0x2] =	stream.indirect_vreg.gather [hbm4b:s3+s4], $0x80, v35, vm0, $0xb8;
	[tilespmem:$0x1E400] =	vst v63  }
0x138: {  	v35 =	vld [tilespmem:$0x4BA0];
	_ =	sdelay $0x4  }
0x139: {  	v58 =	vperm.xlane v35, v16;
	_ =	sdelay $0x1  }
0x13a: {  	v35 =	vperm.xlane v35, v18;
	v36 =	vadd.s32 v17, v58;
	_ =	sdelay $0x1  }
0x13b: {  	v35 =	vadd.s32 v17, v35;
	_ =	sdelay $0x1  }
0x13c: {  	s18 =	simm.s32 $0x10800  }
0x13d: {  	[tilespmem:s18], [sflag:$0x2] =	stream.indirect_vreg.gather [hbm4b:s3+s4], $0x80, v36, vm0, $0xb8;
	[tilespmem:$0x1E400] =	vst v63  }
0x13e: {  	s19 =	simm.s32 $0x11000  }
0x13f: {  	[tilespmem:s19], [sflag:$0x2] =	stream.indirect_vreg.gather [hbm4b:s3+s4], $0x80, v35, vm0, $0xb8;
	[tilespmem:$0x1E400] =	vst v63  }
0x140: {  	v35 =	vld [tilespmem:$0x4BB0];
	_ =	sdelay $0x4  }
0x141: {  	v59 =	vperm.xlane v35, v16;
	_ =	sdelay $0x1  }
0x142: {  	v35 =	vperm.xlane v35, v18;
	v36 =	vadd.s32 v17, v59;
	_ =	sdelay $0x1  }
0x143: {  	v35 =	vadd.s32 v17, v35;
	_ =	sdelay $0x1  }
0x144: {  	s21 =	simm.s32 $0x11800  }
0x145: {  	[tilespmem:s21], [sflag:$0x2] =	stream.indirect_vreg.gather [hbm4b:s3+s4], $0x80, v36, vm0, $0xb8;
	[tilespmem:$0x1E400] =	vst v63  }
0x146: {  	s22 =	simm.s32 $0x12000  }
0x147: {  	[tilespmem:s22], [sflag:$0x2] =	stream.indirect_vreg.gather [hbm4b:s3+s4], $0x80, v35, vm0, $0xb8;
	[tilespmem:$0x1E400] =	vst v63  }
0x148: {  	v35 =	vld [tilespmem:$0x4BC0];
	_ =	sdelay $0x4  }
0x149: {  	v60 =	vperm.xlane v35, v16;
	_ =	sdelay $0x1  }
0x14a: {  	v35 =	vperm.xlane v35, v18;
	v36 =	vadd.s32 v17, v60;
	_ =	sdelay $0x1  }
0x14b: {  	v35 =	vadd.s32 v17, v35;
	_ =	sdelay $0x1  }
0x14c: {  	s23 =	simm.s32 $0x12800  }
0x14d: {  	[tilespmem:s23], [sflag:$0x2] =	stream.indirect_vreg.gather [hbm4b:s3+s4], $0x80, v36, vm0, $0xb8;
	[tilespmem:$0x1E400] =	vst v63  }
0x14e: {  	s24 =	simm.s32 $0x13000  }
0x14f: {  	[tilespmem:s24], [sflag:$0x2] =	stream.indirect_vreg.gather [hbm4b:s3+s4], $0x80, v35, vm0, $0xb8;
	[tilespmem:$0x1E400] =	vst v63  }
0x150: {  	v35 =	vld [tilespmem:$0x4BD0];
	_ =	sdelay $0x4  }
0x151: {  	v61 =	vperm.xlane v35, v16;
	_ =	sdelay $0x1  }
0x152: {  	v35 =	vperm.xlane v35, v18;
	v36 =	vadd.s32 v17, v61;
	_ =	sdelay $0x1  }
0x153: {  	v35 =	vadd.s32 v17, v35;
	_ =	sdelay $0x1  }
0x154: {  	s25 =	simm.s32 $0x13800  }
0x155: {  	[tilespmem:s25], [sflag:$0x2] =	stream.indirect_vreg.gather [hbm4b:s3+s4], $0x80, v36, vm0, $0xb8;
	[tilespmem:$0x1E400] =	vst v63  }
0x156: {  	s11 =	simm.s32 $0x14000  }
0x157: {  	[tilespmem:s11], [sflag:$0x2] =	stream.indirect_vreg.gather [hbm4b:s3+s4], $0x80, v35, vm0, $0xb8;
	[tilespmem:$0x1E400] =	vst v63  }
0x158: {  	v35 =	vld [tilespmem:$0x4BE0];
	_ =	sdelay $0x4  }
0x159: {  	v62 =	vperm.xlane v35, v16;
	_ =	sdelay $0x1  }
0x15a: {  	v35 =	vperm.xlane v35, v18;
	v36 =	vadd.s32 v17, v62;
	_ =	sdelay $0x1  }
0x15b: {  	v35 =	vadd.s32 v17, v35;
	_ =	sdelay $0x1  }
0x15c: {  	s14 =	simm.s32 $0x14800  }
0x15d: {  	[tilespmem:s14], [sflag:$0x2] =	stream.indirect_vreg.gather [hbm4b:s3+s4], $0x80, v36, vm0, $0xb8;
	[tilespmem:$0x1E400] =	vst v63  }
0x15e: {  	s19 =	simm.s32 $0x15000  }
0x15f: {  	[tilespmem:s19], [sflag:$0x2] =	stream.indirect_vreg.gather [hbm4b:s3+s4], $0x80, v35, vm0, $0xb8;
	[tilespmem:$0x1E400] =	vst v63  }
0x160: {  	v35 =	vld [tilespmem:$0x4BF0];
	_ =	sdelay $0x4  }
0x161: {  	v63 =	vperm.xlane v35, v16;
	_ =	sdelay $0x1  }
0x162: {  	v35 =	vperm.xlane v35, v18;
	v36 =	vadd.s32 v17, v63  }
0x163: {  	s0 =	simm.s32 $0x4D70;
	s5 =	sld [smem:$0x7F7]  }
0x164: {  	s6 =	simm.s32 $0x4;
	s9 =	simm.s32 $0x16000;
	s12 =	sld [smem:$0x7F9];
	v35 =	vadd.s32 v17, v35  }
0x165: {  	s10 =	simm.s32 $0x7000;
	s13 =	sld [smem:$0x7F8];
	s16 =	simm.s32 $0x9C00  }
0x166: {  	s18 =	simm.s32 $0xAC00;
	s21 =	simm.s32 $0xBC00;
	s24 =	simm.s32 $0x15800  }
0x167: {  	[tilespmem:s24], [sflag:$0x2] =	stream.indirect_vreg.gather [hbm4b:s3+s4], $0x80, v36, vm0, $0xb8;
	[tilespmem:$0x1E400] =	vst v63  }
0x168: {  	s22 =	simm.s32 $0xC400;
	s23 =	simm.s32 $0xCC00;
	s25 =	simm.s32 $0xDC00  }
0x169: {  	[tilespmem:s9], [sflag:$0x2] =	stream.indirect_vreg.gather [hbm4b:s3+s4], $0x80, v35, vm0, $0xb8;
	[tilespmem:$0x1E400] =	vst v63  }
.LBB2_2:
0x16a: {  	s7 =	sadd.s32 $0xFFFFFFFE, s6  }
0x16b: {  	v35 =	vmov s7  }
0x16c: {  	v35 =	vshll.u32 v35, $0x1  }
0x16d: {  	p0 =	seq.s32 s6, $0x4;
	v36 =	vadd.s32 v0, v35  }
0x16e: {  	s7 =	simm.s32 @!p0 $0x6  }
0x16f: {  	_ =	swait.ge @!p0 [sflag:s7], $0x8000  }
0x170: {  	[sflag:s7] =	ssyncset.done @!p0 $0x0  }
0x171: {  	[sflag:s7] =	ssyncadd.s32 @!p0 $0xFFFF8000  }
0x172: {  	v37 =	vld.idx.msk [tilespmem:v36+s4+$0x0], $0xffff  }
0x173: {  	v36 =	vor.u32 $0x1, v36;
	_ =	sdelay $0x3  }
0x174: {  	[tilespmem:s0+$0xFFFFE590] =	vst v37  }
0x175: {  	v36 =	vld.idx.msk [tilespmem:v36+s4+$0x0], $0xffff  }
0x176: {  	v38 =	vadd.s32 v2, v35;
	_ =	sdelay $0x3  }
0x177: {  	[tilespmem:s0+$0xFFFFFE90] =	vst v36  }
0x178: {  	v36 =	vld.idx.msk [tilespmem:v38+s4+$0x0], $0xffff  }
0x179: {  	v38 =	vor.u32 $0x1, v38;
	_ =	sdelay $0x3  }
0x17a: {  	[tilespmem:s0+$0xFFFFE5A0] =	vst v36  }
0x17b: {  	v36 =	vld.idx.msk [tilespmem:v38+s4+$0x0], $0xffff  }
0x17c: {  	v62 =	vadd.s32 v4, v35;
	_ =	sdelay $0x3  }
0x17d: {  	[tilespmem:s0+$0xFFFFFEA0] =	vst v36  }
0x17e: {  	v36 =	vld.idx.msk [tilespmem:v62+s4+$0x0], $0xffff  }
0x17f: {  	v38 =	vor.u32 $0x1, v62;
	_ =	sdelay $0x3  }
0x180: {  	[tilespmem:s0+$0xFFFFE5B0] =	vst v36  }
0x181: {  	v36 =	vld.idx.msk [tilespmem:v38+s4+$0x0], $0xffff  }
0x182: {  	v63 =	vadd.s32 v6, v35;
	_ =	sdelay $0x3  }
0x183: {  	[tilespmem:s0+$0xFFFFFEB0] =	vst v36  }
0x184: {  	v36 =	vld.idx.msk [tilespmem:v63+s4+$0x0], $0xffff  }
0x185: {  	v38 =	vor.u32 $0x1, v63;
	_ =	sdelay $0x3  }
0x186: {  	[tilespmem:s0+$0xFFFFE5C0] =	vst v36  }
0x187: {  	v36 =	vld.idx.msk [tilespmem:v38+s4+$0x0], $0xffff  }
0x188: {  	v40 =	vadd.s32 v8, v35;
	_ =	sdelay $0x3  }
0x189: {  	[tilespmem:s0+$0xFFFFFEC0] =	vst v36  }
0x18a: {  	v36 =	vld.idx.msk [tilespmem:v40+s4+$0x0], $0xffff  }
0x18b: {  	v38 =	vor.u32 $0x1, v40;
	_ =	sdelay $0x3  }
0x18c: {  	[tilespmem:s0+$0xFFFFE5D0] =	vst v36  }
0x18d: {  	v36 =	vld.idx.msk [tilespmem:v38+s4+$0x0], $0xffff  }
0x18e: {  	v41 =	vadd.s32 v10, v35;
	_ =	sdelay $0x3  }
0x18f: {  	[tilespmem:s0+$0xFFFFFED0] =	vst v36  }
0x190: {  	v36 =	vld.idx.msk [tilespmem:v41+s4+$0x0], $0xffff  }
0x191: {  	v38 =	vor.u32 $0x1, v41;
	_ =	sdelay $0x3  }
0x192: {  	[tilespmem:s0+$0xFFFFE5E0] =	vst v36  }
0x193: {  	v36 =	vld.idx.msk [tilespmem:v38+s4+$0x0], $0xffff  }
0x194: {  	v42 =	vadd.s32 v12, v35;
	_ =	sdelay $0x3  }
0x195: {  	[tilespmem:s0+$0xFFFFFEE0] =	vst v36  }
0x196: {  	v36 =	vld.idx.msk [tilespmem:v42+s4+$0x0], $0xffff  }
0x197: {  	v38 =	vor.u32 $0x1, v42;
	_ =	sdelay $0x3  }
0x198: {  	[tilespmem:s0+$0xFFFFE5F0] =	vst v36  }
0x199: {  	v36 =	vld.idx.msk [tilespmem:v38+s4+$0x0], $0xffff  }
0x19a: {  	v35 =	vadd.s32 v14, v35;
	_ =	sdelay $0x3  }
0x19b: {  	[tilespmem:s0+$0xFFFFFEF0] =	vst v36  }
0x19c: {  	v36 =	vld.idx.msk [tilespmem:v35+s4+$0x0], $0xffff  }
0x19d: {  	v35 =	vor.u32 $0x1, v35;
	_ =	sdelay $0x3  }
0x19e: {  	v43 =	vperm.xlane v37, v16;
	[tilespmem:s0+$0xFFFFE600] =	vst v36  }
0x19f: {  	v35 =	vld.idx.msk [tilespmem:v35+s4+$0x0], $0xffff  }
0x1a0: {  	v37 =	vperm.xlane v37, v18;
	v36 =	vadd.s32 v17, v43;
	_ =	sdelay $0x1  }
0x1a1: {  	v37 =	vadd.s32 v17, v37;
	_ =	sdelay $0x1  }
0x1a2: {  	[tilespmem:s0+$0xFFFFFF00] =	vst v35  }
0x1a3: {  	[tilespmem:s26], [sflag:$0x3] =	stream.indirect_vreg.gather [hbm4b:s1+s4], $0x80, v36, vm0, $0xb8;
	[tilespmem:$0x1E400] =	vst v63  }
0x1a4: {  	s8 =	rddreg [dreg:$0x5]  }
0x1a5: {  	[tilespmem:s8], [sflag:$0x3] =	stream.indirect_vreg.gather [hbm4b:s1+s4], $0x80, v37, vm0, $0xb8;
	[tilespmem:$0x1E400] =	vst v63  }
0x1a6: {  	v44 =	vld [tilespmem:s0+$0xFFFFE5A0];
	_ =	sdelay $0x4  }
0x1a7: {  	v45 =	vperm.xlane v44, v16;
	_ =	sdelay $0x1  }
0x1a8: {  	v35 =	vperm.xlane v44, v18;
	v36 =	vadd.s32 v17, v45;
	_ =	sdelay $0x1  }
0x1a9: {  	v35 =	vadd.s32 v17, v35;
	_ =	sdelay $0x1  }
0x1aa: {  	s17 =	rddreg [dreg:$0x6]  }
0x1ab: {  	[tilespmem:s17], [sflag:$0x3] =	stream.indirect_vreg.gather [hbm4b:s1+s4], $0x80, v36, vm0, $0xb8;
	[tilespmem:$0x1E400] =	vst v63  }
0x1ac: {  	s8 =	rddreg [dreg:$0x7]  }
0x1ad: {  	[tilespmem:s8], [sflag:$0x3] =	stream.indirect_vreg.gather [hbm4b:s1+s4], $0x80, v35, vm0, $0xb8;
	[tilespmem:$0x1E400] =	vst v63  }
0x1ae: {  	v35 =	vld [tilespmem:s0+$0xFFFFE5B0];
	_ =	sdelay $0x4  }
0x1af: {  	v46 =	vperm.xlane v35, v16;
	_ =	sdelay $0x1  }
0x1b0: {  	v35 =	vperm.xlane v35, v18;
	v36 =	vadd.s32 v17, v46;
	_ =	sdelay $0x1  }
0x1b1: {  	v35 =	vadd.s32 v17, v35;
	_ =	sdelay $0x1  }
0x1b2: {  	s8 =	rddreg [dreg:$0x8]  }
0x1b3: {  	[tilespmem:s8], [sflag:$0x3] =	stream.indirect_vreg.gather [hbm4b:s1+s4], $0x80, v36, vm0, $0xb8;
	[tilespmem:$0x1E400] =	vst v63  }
0x1b4: {  	s17 =	rddreg [dreg:$0x9]  }
0x1b5: {  	[tilespmem:s17], [sflag:$0x3] =	stream.indirect_vreg.gather [hbm4b:s1+s4], $0x80, v35, vm0, $0xb8;
	[tilespmem:$0x1E400] =	vst v63  }
0x1b6: {  	v35 =	vld [tilespmem:s0+$0xFFFFE5C0];
	_ =	sdelay $0x4  }
0x1b7: {  	v47 =	vperm.xlane v35, v16;
	_ =	sdelay $0x1  }
0x1b8: {  	v35 =	vperm.xlane v35, v18;
	v36 =	vadd.s32 v17, v47;
	_ =	sdelay $0x1  }
0x1b9: {  	v35 =	vadd.s32 v17, v35;
	_ =	sdelay $0x1  }
0x1ba: {  	s8 =	rddreg [dreg:$0xa]  }
0x1bb: {  	[tilespmem:s8], [sflag:$0x3] =	stream.indirect_vreg.gather [hbm4b:s1+s4], $0x80, v36, vm0, $0xb8;
	[tilespmem:$0x1E400] =	vst v63  }
0x1bc: {  	s17 =	rddreg [dreg:$0xb]  }
0x1bd: {  	[tilespmem:s17], [sflag:$0x3] =	stream.indirect_vreg.gather [hbm4b:s1+s4], $0x80, v35, vm0, $0xb8;
	[tilespmem:$0x1E400] =	vst v63  }
0x1be: {  	v35 =	vld [tilespmem:s0+$0xFFFFE5D0];
	_ =	sdelay $0x4  }
0x1bf: {  	v48 =	vperm.xlane v35, v16;
	_ =	sdelay $0x1  }
0x1c0: {  	v35 =	vperm.xlane v35, v18;
	v36 =	vadd.s32 v17, v48;
	_ =	sdelay $0x1  }
0x1c1: {  	v35 =	vadd.s32 v17, v35;
	_ =	sdelay $0x1  }
0x1c2: {  	s8 =	rddreg [dreg:$0xc]  }
0x1c3: {  	[tilespmem:s8], [sflag:$0x3] =	stream.indirect_vreg.gather [hbm4b:s1+s4], $0x80, v36, vm0, $0xb8;
	[tilespmem:$0x1E400] =	vst v63  }
0x1c4: {  	s17 =	rddreg [dreg:$0xd]  }
0x1c5: {  	[tilespmem:s17], [sflag:$0x3] =	stream.indirect_vreg.gather [hbm4b:s1+s4], $0x80, v35, vm0, $0xb8;
	[tilespmem:$0x1E400] =	vst v63  }
0x1c6: {  	v35 =	vld [tilespmem:s0+$0xFFFFE5E0];
	_ =	sdelay $0x4  }
0x1c7: {  	v49 =	vperm.xlane v35, v16;
	_ =	sdelay $0x1  }
0x1c8: {  	v35 =	vperm.xlane v35, v18;
	v36 =	vadd.s32 v17, v49;
	_ =	sdelay $0x1  }
0x1c9: {  	v35 =	vadd.s32 v17, v35;
	_ =	sdelay $0x1  }
0x1ca: {  	s8 =	rddreg [dreg:$0xe]  }
0x1cb: {  	[tilespmem:s8], [sflag:$0x3] =	stream.indirect_vreg.gather [hbm4b:s1+s4], $0x80, v36, vm0, $0xb8;
	[tilespmem:$0x1E400] =	vst v63  }
0x1cc: {  	s17 =	rddreg [dreg:$0xf]  }
0x1cd: {  	[tilespmem:s17], [sflag:$0x3] =	stream.indirect_vreg.gather [hbm4b:s1+s4], $0x80, v35, vm0, $0xb8;
	[tilespmem:$0x1E400] =	vst v63  }
0x1ce: {  	v35 =	vld [tilespmem:s0+$0xFFFFE5F0];
	_ =	sdelay $0x4  }
0x1cf: {  	v50 =	vperm.xlane v35, v16;
	_ =	sdelay $0x1  }
0x1d0: {  	v35 =	vperm.xlane v35, v18;
	v36 =	vadd.s32 v17, v50;
	_ =	sdelay $0x1  }
0x1d1: {  	v35 =	vadd.s32 v17, v35;
	_ =	sdelay $0x1  }
0x1d2: {  	s8 =	rddreg [dreg:$0x10]  }
0x1d3: {  	[tilespmem:s8], [sflag:$0x3] =	stream.indirect_vreg.gather [hbm4b:s1+s4], $0x80, v36, vm0, $0xb8;
	[tilespmem:$0x1E400] =	vst v63  }
0x1d4: {  	s17 =	rddreg [dreg:$0x11]  }
0x1d5: {  	[tilespmem:s17], [sflag:$0x3] =	stream.indirect_vreg.gather [hbm4b:s1+s4], $0x80, v35, vm0, $0xb8;
	[tilespmem:$0x1E400] =	vst v63  }
0x1d6: {  	v35 =	vld [tilespmem:s0+$0xFFFFE600];
	_ =	sdelay $0x4  }
0x1d7: {  	v51 =	vperm.xlane v35, v16;
	_ =	sdelay $0x1  }
0x1d8: {  	v35 =	vperm.xlane v35, v18;
	v36 =	vadd.s32 v17, v51;
	_ =	sdelay $0x1  }
0x1d9: {  	v35 =	vadd.s32 v17, v35;
	_ =	sdelay $0x1  }
0x1da: {  	s8 =	rddreg [dreg:$0x12]  }
0x1db: {  	[tilespmem:s8], [sflag:$0x3] =	stream.indirect_vreg.gather [hbm4b:s1+s4], $0x80, v36, vm0, $0xb8;
	[tilespmem:$0x1E400] =	vst v63  }
0x1dc: {  	s17 =	rddreg [dreg:$0x13]  }
0x1dd: {  	[tilespmem:s17], [sflag:$0x3] =	stream.indirect_vreg.gather [hbm4b:s1+s4], $0x80, v35, vm0, $0xb8;
	[tilespmem:$0x1E400] =	vst v63  }
0x1de: {  	v35 =	vld [tilespmem:s0+$0xFFFFFE90];
	_ =	sdelay $0x4  }
0x1df: {  	v52 =	vperm.xlane v35, v16;
	_ =	sdelay $0x1  }
0x1e0: {  	v35 =	vperm.xlane v35, v18;
	v36 =	vadd.s32 v17, v52;
	_ =	sdelay $0x1  }
0x1e1: {  	v35 =	vadd.s32 v17, v35;
	_ =	sdelay $0x1  }
0x1e2: {  	s8 =	rddreg [dreg:$0x14]  }
0x1e3: {  	[tilespmem:s8], [sflag:$0x3] =	stream.indirect_vreg.gather [hbm4b:s3+s4], $0x80, v36, vm0, $0xb8;
	[tilespmem:$0x1E400] =	vst v63  }
0x1e4: {  	s17 =	rddreg [dreg:$0x15]  }
0x1e5: {  	[tilespmem:s17], [sflag:$0x3] =	stream.indirect_vreg.gather [hbm4b:s3+s4], $0x80, v35, vm0, $0xb8;
	[tilespmem:$0x1E400] =	vst v63  }
0x1e6: {  	v35 =	vld [tilespmem:s0+$0xFFFFFEA0];
	_ =	sdelay $0x4  }
0x1e7: {  	v53 =	vperm.xlane v35, v16;
	_ =	sdelay $0x1  }
0x1e8: {  	v35 =	vperm.xlane v35, v18;
	v36 =	vadd.s32 v17, v53;
	_ =	sdelay $0x1  }
0x1e9: {  	v35 =	vadd.s32 v17, v35;
	_ =	sdelay $0x1  }
0x1ea: {  	s8 =	rddreg [dreg:$0x16]  }
0x1eb: {  	[tilespmem:s8], [sflag:$0x3] =	stream.indirect_vreg.gather [hbm4b:s3+s4], $0x80, v36, vm0, $0xb8;
	[tilespmem:$0x1E400] =	vst v63  }
0x1ec: {  	s17 =	rddreg [dreg:$0x17]  }
0x1ed: {  	[tilespmem:s17], [sflag:$0x3] =	stream.indirect_vreg.gather [hbm4b:s3+s4], $0x80, v35, vm0, $0xb8;
	[tilespmem:$0x1E400] =	vst v63  }
0x1ee: {  	v35 =	vld [tilespmem:s0+$0xFFFFFEB0];
	_ =	sdelay $0x4  }
0x1ef: {  	v54 =	vperm.xlane v35, v16;
	_ =	sdelay $0x1  }
0x1f0: {  	v35 =	vperm.xlane v35, v18;
	v36 =	vadd.s32 v17, v54;
	_ =	sdelay $0x1  }
0x1f1: {  	v35 =	vadd.s32 v17, v35;
	_ =	sdelay $0x1  }
0x1f2: {  	s8 =	rddreg [dreg:$0x18]  }
0x1f3: {  	[tilespmem:s8], [sflag:$0x3] =	stream.indirect_vreg.gather [hbm4b:s3+s4], $0x80, v36, vm0, $0xb8;
	[tilespmem:$0x1E400] =	vst v63  }
0x1f4: {  	s17 =	rddreg [dreg:$0x19]  }
0x1f5: {  	[tilespmem:s17], [sflag:$0x3] =	stream.indirect_vreg.gather [hbm4b:s3+s4], $0x80, v35, vm0, $0xb8;
	[tilespmem:$0x1E400] =	vst v63  }
0x1f6: {  	v35 =	vld [tilespmem:s0+$0xFFFFFEC0];
	_ =	sdelay $0x4  }
0x1f7: {  	v55 =	vperm.xlane v35, v16;
	_ =	sdelay $0x1  }
0x1f8: {  	v35 =	vperm.xlane v35, v18;
	v36 =	vadd.s32 v17, v55;
	_ =	sdelay $0x1  }
0x1f9: {  	v35 =	vadd.s32 v17, v35;
	_ =	sdelay $0x1  }
0x1fa: {  	s8 =	rddreg [dreg:$0x1a]  }
0x1fb: {  	[tilespmem:s8], [sflag:$0x3] =	stream.indirect_vreg.gather [hbm4b:s3+s4], $0x80, v36, vm0, $0xb8;
	[tilespmem:$0x1E400] =	vst v63  }
0x1fc: {  	s17 =	rddreg [dreg:$0x1b]  }
0x1fd: {  	[tilespmem:s17], [sflag:$0x3] =	stream.indirect_vreg.gather [hbm4b:s3+s4], $0x80, v35, vm0, $0xb8;
	[tilespmem:$0x1E400] =	vst v63  }
0x1fe: {  	v35 =	vld [tilespmem:s0+$0xFFFFFED0];
	_ =	sdelay $0x4  }
0x1ff: {  	v56 =	vperm.xlane v35, v16;
	_ =	sdelay $0x1  }
0x200: {  	v35 =	vperm.xlane v35, v18;
	v36 =	vadd.s32 v17, v56;
	_ =	sdelay $0x1  }
0x201: {  	v35 =	vadd.s32 v17, v35;
	_ =	sdelay $0x1  }
0x202: {  	s8 =	rddreg [dreg:$0x1c]  }
0x203: {  	[tilespmem:s8], [sflag:$0x3] =	stream.indirect_vreg.gather [hbm4b:s3+s4], $0x80, v36, vm0, $0xb8;
	[tilespmem:$0x1E400] =	vst v63  }
0x204: {  	s17 =	rddreg [dreg:$0x1d]  }
0x205: {  	[tilespmem:s17], [sflag:$0x3] =	stream.indirect_vreg.gather [hbm4b:s3+s4], $0x80, v35, vm0, $0xb8;
	[tilespmem:$0x1E400] =	vst v63  }
0x206: {  	v35 =	vld [tilespmem:s0+$0xFFFFFEE0];
	_ =	sdelay $0x4  }
0x207: {  	v57 =	vperm.xlane v35, v16;
	_ =	sdelay $0x1  }
0x208: {  	v35 =	vperm.xlane v35, v18;
	v36 =	vadd.s32 v17, v57;
	_ =	sdelay $0x1  }
0x209: {  	v35 =	vadd.s32 v17, v35;
	_ =	sdelay $0x1  }
0x20a: {  	s8 =	rddreg [dreg:$0x1e]  }
0x20b: {  	[tilespmem:s8], [sflag:$0x3] =	stream.indirect_vreg.gather [hbm4b:s3+s4], $0x80, v36, vm0, $0xb8;
	[tilespmem:$0x1E400] =	vst v63  }
0x20c: {  	s17 =	rddreg [dreg:$0x1f]  }
0x20d: {  	[tilespmem:s17], [sflag:$0x3] =	stream.indirect_vreg.gather [hbm4b:s3+s4], $0x80, v35, vm0, $0xb8;
	[tilespmem:$0x1E400] =	vst v63  }
0x20e: {  	v35 =	vld [tilespmem:s0+$0xFFFFFEF0];
	_ =	sdelay $0x4  }
0x20f: {  	v58 =	vperm.xlane v35, v16;
	_ =	sdelay $0x1  }
0x210: {  	v35 =	vperm.xlane v35, v18;
	v36 =	vadd.s32 v17, v58;
	_ =	sdelay $0x1  }
0x211: {  	s8 =	sld [smem:$0x7FA];
	v35 =	vadd.s32 v17, v35;
	_ =	sdelay $0x1  }
0x212: {  	s17 =	sld [smem:$0x7FB]  }
0x213: {  	[tilespmem:s8], [sflag:$0x3] =	stream.indirect_vreg.gather [hbm4b:s3+s4], $0x80, v36, vm0, $0xb8;
	[tilespmem:$0x1E400] =	vst v63  }
0x214: {  	_ = 	snop  }
0x215: {  	[tilespmem:s17], [sflag:$0x3] =	stream.indirect_vreg.gather [hbm4b:s3+s4], $0x80, v35, vm0, $0xb8;
	[tilespmem:$0x1E400] =	vst v63  }
0x216: {  	v35 =	vld [tilespmem:s0+$0xFFFFFF00];
	_ =	sdelay $0x4  }
0x217: {  	v59 =	vperm.xlane v35, v16;
	_ =	sdelay $0x1  }
0x218: {  	v35 =	vperm.xlane v35, v18;
	v36 =	vadd.s32 v17, v59;
	_ =	sdelay $0x1  }
0x219: {  	s8 =	sld [smem:$0x7FC];
	v35 =	vadd.s32 v17, v35;
	_ =	sdelay $0x1  }
0x21a: {  	s17 =	sld [smem:$0x7FD]  }
0x21b: {  	[tilespmem:s8], [sflag:$0x3] =	stream.indirect_vreg.gather [hbm4b:s3+s4], $0x80, v36, vm0, $0xb8;
	[tilespmem:$0x1E400] =	vst v63  }
0x21c: {  	_ = 	snop  }
0x21d: {  	[tilespmem:s17], [sflag:$0x3] =	stream.indirect_vreg.gather [hbm4b:s3+s4], $0x80, v35, vm0, $0xb8;
	[tilespmem:$0x1E400] =	vst v63  }
0x21e: {  	_ =	swait.ge [sflag:s28], $0x4000  }
0x21f: {  	[sflag:s28] =	ssyncset.done $0x0  }
0x220: {  	s17 =	sadd.s32 $0xFFFFFFFF, s6;
	[sflag:s28] =	ssyncadd.s32 $0xFFFFC000  }
0x221: {  	v60 =	vmov s17;
	_ =	swait.ge [sflag:s28], $0x4000  }
0x222: {  	v35 =	vshll.u32 v60, $0x1;
	[sflag:s28] =	ssyncset.done $0x0  }
0x223: {  	v61 =	vadd.s32 v0, v35;
	[sflag:s28] =	ssyncadd.s32 $0xFFFFC000  }
0x224: {  	[hbm4b:s13+s4] =	stream.linear.scatter [tilespmem:s15], [sflag:$0x4], $0x8000, $0x38;
	[tilespmem:$0x1E400] =	vst v63  }
0x225: {  	_ =	swait.ge [sflag:s29], $0x8000  }
0x226: {  	[sflag:s29] =	ssyncset.done $0x0  }
0x227: {  	[sflag:s29] =	ssyncadd.s32 $0xFFFF8000  }
0x228: {  	v62 =	vld.idx.msk [tilespmem:v61+s4+$0x0], $0xffff  }
0x229: {  	v36 =	vor.u32 $0x1, v61;
	_ =	sdelay $0x3  }
0x22a: {  	[tilespmem:s0+$0xFFFFE610] =	vst v62  }
0x22b: {  	v36 =	vld.idx.msk [tilespmem:v36+s4+$0x0], $0xffff  }
0x22c: {  	v63 =	vadd.s32 v2, v35;
	_ =	sdelay $0x3  }
0x22d: {  	[tilespmem:s0+$0xFFFFFF10] =	vst v36  }
0x22e: {  	v36 =	vld.idx.msk [tilespmem:v63+s4+$0x0], $0xffff  }
0x22f: {  	v38 =	vor.u32 $0x1, v63;
	_ =	sdelay $0x3  }
0x230: {  	[tilespmem:s0+$0xFFFFE620] =	vst v36  }
0x231: {  	v36 =	vld.idx.msk [tilespmem:v38+s4+$0x0], $0xffff  }
0x232: {  	v40 =	vadd.s32 v4, v35;
	_ =	sdelay $0x3  }
0x233: {  	[tilespmem:s0+$0xFFFFFF20] =	vst v36  }
0x234: {  	v36 =	vld.idx.msk [tilespmem:v40+s4+$0x0], $0xffff  }
0x235: {  	v38 =	vor.u32 $0x1, v40;
	_ =	sdelay $0x3  }
0x236: {  	[tilespmem:s0+$0xFFFFE630] =	vst v36  }
0x237: {  	v36 =	vld.idx.msk [tilespmem:v38+s4+$0x0], $0xffff  }
0x238: {  	v41 =	vadd.s32 v6, v35;
	_ =	sdelay $0x3  }
0x239: {  	[tilespmem:s0+$0xFFFFFF30] =	vst v36  }
0x23a: {  	v36 =	vld.idx.msk [tilespmem:v41+s4+$0x0], $0xffff  }
0x23b: {  	v38 =	vor.u32 $0x1, v41;
	_ =	sdelay $0x3  }
0x23c: {  	[tilespmem:s0+$0xFFFFE640] =	vst v36  }
0x23d: {  	v36 =	vld.idx.msk [tilespmem:v38+s4+$0x0], $0xffff  }
0x23e: {  	v42 =	vadd.s32 v8, v35;
	_ =	sdelay $0x3  }
0x23f: {  	[tilespmem:s0+$0xFFFFFF40] =	vst v36  }
0x240: {  	v36 =	vld.idx.msk [tilespmem:v42+s4+$0x0], $0xffff  }
0x241: {  	v38 =	vor.u32 $0x1, v42;
	_ =	sdelay $0x3  }
0x242: {  	[tilespmem:s0+$0xFFFFE650] =	vst v36  }
0x243: {  	v36 =	vld.idx.msk [tilespmem:v38+s4+$0x0], $0xffff  }
0x244: {  	v43 =	vadd.s32 v10, v35;
	_ =	sdelay $0x3  }
0x245: {  	[tilespmem:s0+$0xFFFFFF50] =	vst v36  }
0x246: {  	v36 =	vld.idx.msk [tilespmem:v43+s4+$0x0], $0xffff  }
0x247: {  	v38 =	vor.u32 $0x1, v43;
	_ =	sdelay $0x3  }
0x248: {  	[tilespmem:s0+$0xFFFFE660] =	vst v36  }
0x249: {  	v36 =	vld.idx.msk [tilespmem:v38+s4+$0x0], $0xffff  }
0x24a: {  	v44 =	vadd.s32 v12, v35;
	_ =	sdelay $0x3  }
0x24b: {  	[tilespmem:s0+$0xFFFFFF60] =	vst v36  }
0x24c: {  	v36 =	vld.idx.msk [tilespmem:v44+s4+$0x0], $0xffff  }
0x24d: {  	v38 =	vor.u32 $0x1, v44;
	_ =	sdelay $0x3  }
0x24e: {  	[tilespmem:s0+$0xFFFFE670] =	vst v36  }
0x24f: {  	v36 =	vld.idx.msk [tilespmem:v38+s4+$0x0], $0xffff  }
0x250: {  	v35 =	vadd.s32 v14, v35;
	_ =	sdelay $0x3  }
0x251: {  	[tilespmem:s0+$0xFFFFFF70] =	vst v36  }
0x252: {  	v36 =	vld.idx.msk [tilespmem:v35+s4+$0x0], $0xffff  }
0x253: {  	v35 =	vor.u32 $0x1, v35;
	_ =	sdelay $0x3  }
0x254: {  	v45 =	vperm.xlane v62, v16;
	[tilespmem:s0+$0xFFFFE680] =	vst v36  }
0x255: {  	v35 =	vld.idx.msk [tilespmem:v35+s4+$0x0], $0xffff  }
0x256: {  	v37 =	vperm.xlane v62, v18;
	v36 =	vadd.s32 v17, v45;
	_ =	sdelay $0x1  }
0x257: {  	v37 =	vadd.s32 v17, v37;
	_ =	sdelay $0x1  }
0x258: {  	[tilespmem:s0+$0xFFFFFF80] =	vst v35  }
0x259: {  	[tilespmem:s15], [sflag:$0x1] =	stream.indirect_vreg.gather [hbm4b:s1+s4], $0x80, v36, vm0, $0xb8;
	[tilespmem:$0x1E400] =	vst v63  }
0x25a: {  	s7 =	simm.s32 $0x6C00  }
0x25b: {  	[tilespmem:s7], [sflag:$0x1] =	stream.indirect_vreg.gather [hbm4b:s1+s4], $0x80, v37, vm0, $0xb8;
	[tilespmem:$0x1E400] =	vst v63  }
0x25c: {  	v46 =	vld [tilespmem:s0+$0xFFFFE620];
	_ =	sdelay $0x4  }
0x25d: {  	v47 =	vperm.xlane v46, v16;
	_ =	sdelay $0x1  }
0x25e: {  	v35 =	vperm.xlane v46, v18;
	v36 =	vadd.s32 v17, v47;
	_ =	sdelay $0x1  }
0x25f: {  	v35 =	vadd.s32 v17, v35;
	_ =	sdelay $0x1  }
0x260: {  	s8 =	simm.s32 $0x7400  }
0x261: {  	[tilespmem:s8], [sflag:$0x1] =	stream.indirect_vreg.gather [hbm4b:s1+s4], $0x80, v36, vm0, $0xb8;
	[tilespmem:$0x1E400] =	vst v63  }
0x262: {  	s17 =	simm.s32 $0x7C00  }
0x263: {  	[tilespmem:s17], [sflag:$0x1] =	stream.indirect_vreg.gather [hbm4b:s1+s4], $0x80, v35, vm0, $0xb8;
	[tilespmem:$0x1E400] =	vst v63  }
0x264: {  	v35 =	vld [tilespmem:s0+$0xFFFFE630];
	_ =	sdelay $0x4  }
0x265: {  	v48 =	vperm.xlane v35, v16;
	_ =	sdelay $0x1  }
0x266: {  	v35 =	vperm.xlane v35, v18;
	v36 =	vadd.s32 v17, v48;
	_ =	sdelay $0x1  }
0x267: {  	v35 =	vadd.s32 v17, v35;
	_ =	sdelay $0x1  }
0x268: {  	s17 =	simm.s32 $0x8400  }
0x269: {  	[tilespmem:s17], [sflag:$0x1] =	stream.indirect_vreg.gather [hbm4b:s1+s4], $0x80, v36, vm0, $0xb8;
	[tilespmem:$0x1E400] =	vst v63  }
0x26a: {  	s17 =	simm.s32 $0x8C00  }
0x26b: {  	[tilespmem:s17], [sflag:$0x1] =	stream.indirect_vreg.gather [hbm4b:s1+s4], $0x80, v35, vm0, $0xb8;
	[tilespmem:$0x1E400] =	vst v63  }
0x26c: {  	v35 =	vld [tilespmem:s0+$0xFFFFE640];
	_ =	sdelay $0x4  }
0x26d: {  	v49 =	vperm.xlane v35, v16;
	_ =	sdelay $0x1  }
0x26e: {  	v35 =	vperm.xlane v35, v18;
	v36 =	vadd.s32 v17, v49;
	_ =	sdelay $0x1  }
0x26f: {  	v35 =	vadd.s32 v17, v35;
	_ =	sdelay $0x1  }
0x270: {  	s17 =	simm.s32 $0x9400  }
0x271: {  	[tilespmem:s17], [sflag:$0x1] =	stream.indirect_vreg.gather [hbm4b:s1+s4], $0x80, v36, vm0, $0xb8;
	[tilespmem:$0x1E400] =	vst v63  }
0x272: {  	_ = 	snop  }
0x273: {  	[tilespmem:s16], [sflag:$0x1] =	stream.indirect_vreg.gather [hbm4b:s1+s4], $0x80, v35, vm0, $0xb8;
	[tilespmem:$0x1E400] =	vst v63  }
0x274: {  	v35 =	vld [tilespmem:s0+$0xFFFFE650];
	_ =	sdelay $0x4  }
0x275: {  	v50 =	vperm.xlane v35, v16;
	_ =	sdelay $0x1  }
0x276: {  	v35 =	vperm.xlane v35, v18;
	v36 =	vadd.s32 v17, v50;
	_ =	sdelay $0x1  }
0x277: {  	v35 =	vadd.s32 v17, v35;
	_ =	sdelay $0x1  }
0x278: {  	s17 =	simm.s32 $0xA400  }
0x279: {  	[tilespmem:s17], [sflag:$0x1] =	stream.indirect_vreg.gather [hbm4b:s1+s4], $0x80, v36, vm0, $0xb8;
	[tilespmem:$0x1E400] =	vst v63  }
0x27a: {  	_ = 	snop  }
0x27b: {  	[tilespmem:s18], [sflag:$0x1] =	stream.indirect_vreg.gather [hbm4b:s1+s4], $0x80, v35, vm0, $0xb8;
	[tilespmem:$0x1E400] =	vst v63  }
0x27c: {  	v35 =	vld [tilespmem:s0+$0xFFFFE660];
	_ =	sdelay $0x4  }
0x27d: {  	v51 =	vperm.xlane v35, v16;
	_ =	sdelay $0x1  }
0x27e: {  	v35 =	vperm.xlane v35, v18;
	v36 =	vadd.s32 v17, v51;
	_ =	sdelay $0x1  }
0x27f: {  	v35 =	vadd.s32 v17, v35;
	_ =	sdelay $0x1  }
0x280: {  	s17 =	simm.s32 $0xB400  }
0x281: {  	[tilespmem:s17], [sflag:$0x1] =	stream.indirect_vreg.gather [hbm4b:s1+s4], $0x80, v36, vm0, $0xb8;
	[tilespmem:$0x1E400] =	vst v63  }
0x282: {  	_ = 	snop  }
0x283: {  	[tilespmem:s21], [sflag:$0x1] =	stream.indirect_vreg.gather [hbm4b:s1+s4], $0x80, v35, vm0, $0xb8;
	[tilespmem:$0x1E400] =	vst v63  }
0x284: {  	v35 =	vld [tilespmem:s0+$0xFFFFE670];
	_ =	sdelay $0x4  }
0x285: {  	v52 =	vperm.xlane v35, v16;
	_ =	sdelay $0x1  }
0x286: {  	v35 =	vperm.xlane v35, v18;
	v36 =	vadd.s32 v17, v52;
	_ =	sdelay $0x1  }
0x287: {  	v35 =	vadd.s32 v17, v35;
	_ =	sdelay $0x2  }
0x288: {  	[tilespmem:s22], [sflag:$0x1] =	stream.indirect_vreg.gather [hbm4b:s1+s4], $0x80, v36, vm0, $0xb8;
	[tilespmem:$0x1E400] =	vst v63  }
0x289: {  	_ = 	snop  }
0x28a: {  	[tilespmem:s23], [sflag:$0x1] =	stream.indirect_vreg.gather [hbm4b:s1+s4], $0x80, v35, vm0, $0xb8;
	[tilespmem:$0x1E400] =	vst v63  }
0x28b: {  	v35 =	vld [tilespmem:s0+$0xFFFFE680];
	_ =	sdelay $0x4  }
0x28c: {  	v53 =	vperm.xlane v35, v16;
	_ =	sdelay $0x1  }
0x28d: {  	v35 =	vperm.xlane v35, v18;
	v36 =	vadd.s32 v17, v53;
	_ =	sdelay $0x1  }
0x28e: {  	v35 =	vadd.s32 v17, v35;
	_ =	sdelay $0x1  }
0x28f: {  	s17 =	simm.s32 $0xD400  }
0x290: {  	[tilespmem:s17], [sflag:$0x1] =	stream.indirect_vreg.gather [hbm4b:s1+s4], $0x80, v36, vm0, $0xb8;
	[tilespmem:$0x1E400] =	vst v63  }
0x291: {  	_ = 	snop  }
0x292: {  	[tilespmem:s25], [sflag:$0x1] =	stream.indirect_vreg.gather [hbm4b:s1+s4], $0x80, v35, vm0, $0xb8;
	[tilespmem:$0x1E400] =	vst v63  }
0x293: {  	v35 =	vld [tilespmem:s0+$0xFFFFFF10];
	_ =	sdelay $0x4  }
0x294: {  	v54 =	vperm.xlane v35, v16;
	_ =	sdelay $0x1  }
0x295: {  	v35 =	vperm.xlane v35, v18;
	v36 =	vadd.s32 v17, v54;
	_ =	sdelay $0x1  }
0x296: {  	v35 =	vadd.s32 v17, v35;
	_ =	sdelay $0x1  }
0x297: {  	s17 =	simm.s32 $0x6800  }
0x298: {  	[tilespmem:s17], [sflag:$0x1] =	stream.indirect_vreg.gather [hbm4b:s3+s4], $0x80, v36, vm0, $0xb8;
	[tilespmem:$0x1E400] =	vst v63  }
0x299: {  	_ = 	snop  }
0x29a: {  	[tilespmem:s10], [sflag:$0x1] =	stream.indirect_vreg.gather [hbm4b:s3+s4], $0x80, v35, vm0, $0xb8;
	[tilespmem:$0x1E400] =	vst v63  }
0x29b: {  	v35 =	vld [tilespmem:s0+$0xFFFFFF20];
	_ =	sdelay $0x4  }
0x29c: {  	v55 =	vperm.xlane v35, v16;
	_ =	sdelay $0x1  }
0x29d: {  	v35 =	vperm.xlane v35, v18;
	v36 =	vadd.s32 v17, v55;
	_ =	sdelay $0x1  }
0x29e: {  	v35 =	vadd.s32 v17, v35;
	_ =	sdelay $0x1  }
0x29f: {  	s17 =	simm.s32 $0x7800  }
0x2a0: {  	[tilespmem:s17], [sflag:$0x1] =	stream.indirect_vreg.gather [hbm4b:s3+s4], $0x80, v36, vm0, $0xb8;
	[tilespmem:$0x1E400] =	vst v63  }
0x2a1: {  	s17 =	simm.s32 $0x8000  }
0x2a2: {  	[tilespmem:s17], [sflag:$0x1] =	stream.indirect_vreg.gather [hbm4b:s3+s4], $0x80, v35, vm0, $0xb8;
	[tilespmem:$0x1E400] =	vst v63  }
0x2a3: {  	v35 =	vld [tilespmem:s0+$0xFFFFFF30];
	_ =	sdelay $0x4  }
0x2a4: {  	v56 =	vperm.xlane v35, v16;
	_ =	sdelay $0x1  }
0x2a5: {  	v35 =	vperm.xlane v35, v18;
	v36 =	vadd.s32 v17, v56;
	_ =	sdelay $0x1  }
0x2a6: {  	v35 =	vadd.s32 v17, v35;
	_ =	sdelay $0x1  }
0x2a7: {  	s17 =	simm.s32 $0x8800  }
0x2a8: {  	[tilespmem:s17], [sflag:$0x1] =	stream.indirect_vreg.gather [hbm4b:s3+s4], $0x80, v36, vm0, $0xb8;
	[tilespmem:$0x1E400] =	vst v63  }
0x2a9: {  	s17 =	simm.s32 $0x9000  }
0x2aa: {  	[tilespmem:s17], [sflag:$0x1] =	stream.indirect_vreg.gather [hbm4b:s3+s4], $0x80, v35, vm0, $0xb8;
	[tilespmem:$0x1E400] =	vst v63  }
0x2ab: {  	v35 =	vld [tilespmem:s0+$0xFFFFFF40];
	_ =	sdelay $0x4  }
0x2ac: {  	v57 =	vperm.xlane v35, v16;
	_ =	sdelay $0x1  }
0x2ad: {  	v35 =	vperm.xlane v35, v18;
	v36 =	vadd.s32 v17, v57;
	_ =	sdelay $0x1  }
0x2ae: {  	v35 =	vadd.s32 v17, v35;
	_ =	sdelay $0x1  }
0x2af: {  	s17 =	simm.s32 $0x9800  }
0x2b0: {  	[tilespmem:s17], [sflag:$0x1] =	stream.indirect_vreg.gather [hbm4b:s3+s4], $0x80, v36, vm0, $0xb8;
	[tilespmem:$0x1E400] =	vst v63  }
0x2b1: {  	s17 =	simm.s32 $0xA000  }
0x2b2: {  	[tilespmem:s17], [sflag:$0x1] =	stream.indirect_vreg.gather [hbm4b:s3+s4], $0x80, v35, vm0, $0xb8;
	[tilespmem:$0x1E400] =	vst v63  }
0x2b3: {  	v35 =	vld [tilespmem:s0+$0xFFFFFF50];
	_ =	sdelay $0x4  }
0x2b4: {  	v58 =	vperm.xlane v35, v16;
	_ =	sdelay $0x1  }
0x2b5: {  	v35 =	vperm.xlane v35, v18;
	v36 =	vadd.s32 v17, v58;
	_ =	sdelay $0x1  }
0x2b6: {  	v35 =	vadd.s32 v17, v35;
	_ =	sdelay $0x1  }
0x2b7: {  	s17 =	simm.s32 $0xA800  }
0x2b8: {  	[tilespmem:s17], [sflag:$0x1] =	stream.indirect_vreg.gather [hbm4b:s3+s4], $0x80, v36, vm0, $0xb8;
	[tilespmem:$0x1E400] =	vst v63  }
0x2b9: {  	s17 =	simm.s32 $0xB000  }
0x2ba: {  	[tilespmem:s17], [sflag:$0x1] =	stream.indirect_vreg.gather [hbm4b:s3+s4], $0x80, v35, vm0, $0xb8;
	[tilespmem:$0x1E400] =	vst v63  }
0x2bb: {  	v35 =	vld [tilespmem:s0+$0xFFFFFF60];
	_ =	sdelay $0x4  }
0x2bc: {  	v59 =	vperm.xlane v35, v16;
	_ =	sdelay $0x1  }
0x2bd: {  	v35 =	vperm.xlane v35, v18;
	v36 =	vadd.s32 v17, v59;
	_ =	sdelay $0x1  }
0x2be: {  	v35 =	vadd.s32 v17, v35;
	_ =	sdelay $0x1  }
0x2bf: {  	s17 =	simm.s32 $0xB800  }
0x2c0: {  	[tilespmem:s17], [sflag:$0x1] =	stream.indirect_vreg.gather [hbm4b:s3+s4], $0x80, v36, vm0, $0xb8;
	[tilespmem:$0x1E400] =	vst v63  }
0x2c1: {  	s17 =	simm.s32 $0xC000  }
0x2c2: {  	[tilespmem:s17], [sflag:$0x1] =	stream.indirect_vreg.gather [hbm4b:s3+s4], $0x80, v35, vm0, $0xb8;
	[tilespmem:$0x1E400] =	vst v63  }
0x2c3: {  	v35 =	vld [tilespmem:s0+$0xFFFFFF70];
	_ =	sdelay $0x4  }
0x2c4: {  	v60 =	vperm.xlane v35, v16;
	_ =	sdelay $0x1  }
0x2c5: {  	v35 =	vperm.xlane v35, v18;
	v36 =	vadd.s32 v17, v60;
	_ =	sdelay $0x1  }
0x2c6: {  	v35 =	vadd.s32 v17, v35;
	_ =	sdelay $0x1  }
0x2c7: {  	s17 =	simm.s32 $0xC800  }
0x2c8: {  	[tilespmem:s17], [sflag:$0x1] =	stream.indirect_vreg.gather [hbm4b:s3+s4], $0x80, v36, vm0, $0xb8;
	[tilespmem:$0x1E400] =	vst v63  }
0x2c9: {  	s17 =	simm.s32 $0xD000  }
0x2ca: {  	[tilespmem:s17], [sflag:$0x1] =	stream.indirect_vreg.gather [hbm4b:s3+s4], $0x80, v35, vm0, $0xb8;
	[tilespmem:$0x1E400] =	vst v63  }
0x2cb: {  	v35 =	vld [tilespmem:s0+$0xFFFFFF80];
	_ =	sdelay $0x4  }
0x2cc: {  	v61 =	vperm.xlane v35, v16;
	_ =	sdelay $0x1  }
0x2cd: {  	v35 =	vperm.xlane v35, v18;
	v36 =	vadd.s32 v17, v61;
	_ =	sdelay $0x1  }
0x2ce: {  	v35 =	vadd.s32 v17, v35;
	_ =	sdelay $0x1  }
0x2cf: {  	s17 =	simm.s32 $0xD800  }
0x2d0: {  	[tilespmem:s17], [sflag:$0x1] =	stream.indirect_vreg.gather [hbm4b:s3+s4], $0x80, v36, vm0, $0xb8;
	[tilespmem:$0x1E400] =	vst v63  }
0x2d1: {  	s17 =	simm.s32 $0xE000  }
0x2d2: {  	[tilespmem:s17], [sflag:$0x1] =	stream.indirect_vreg.gather [hbm4b:s3+s4], $0x80, v35, vm0, $0xb8;
	[tilespmem:$0x1E400] =	vst v63  }
0x2d3: {  	_ =	swait.ge [sflag:s30], $0x4000  }
0x2d4: {  	[sflag:s30] =	ssyncset.done $0x0  }
0x2d5: {  	[sflag:s30] =	ssyncadd.s32 $0xFFFFC000  }
0x2d6: {  	v62 =	vmov s6;
	_ =	swait.ge [sflag:s30], $0x4000  }
0x2d7: {  	v35 =	vshll.u32 v62, $0x1;
	[sflag:s30] =	ssyncset.done $0x0  }
0x2d8: {  	v63 =	vadd.s32 v0, v35;
	[sflag:s30] =	ssyncadd.s32 $0xFFFFC000  }
0x2d9: {  	[hbm4b:s5+s4] =	stream.linear.scatter [tilespmem:s20], [sflag:$0x5], $0x8000, $0x38;
	[tilespmem:$0x1E400] =	vst v63  }
0x2da: {  	_ =	swait.ge [sflag:s31], $0x8000  }
0x2db: {  	[sflag:s31] =	ssyncset.done $0x0  }
0x2dc: {  	[sflag:s31] =	ssyncadd.s32 $0xFFFF8000  }
0x2dd: {  	v40 =	vld.idx.msk [tilespmem:v63+s4+$0x0], $0xffff  }
0x2de: {  	v36 =	vor.u32 $0x1, v63;
	_ =	sdelay $0x3  }
0x2df: {  	[tilespmem:s0+$0xFFFFE690] =	vst v40  }
0x2e0: {  	v36 =	vld.idx.msk [tilespmem:v36+s4+$0x0], $0xffff  }
0x2e1: {  	v41 =	vadd.s32 v2, v35;
	_ =	sdelay $0x3  }
0x2e2: {  	[tilespmem:s0+$0xFFFFFF90] =	vst v36  }
0x2e3: {  	v36 =	vld.idx.msk [tilespmem:v41+s4+$0x0], $0xffff  }
0x2e4: {  	v38 =	vor.u32 $0x1, v41;
	_ =	sdelay $0x3  }
0x2e5: {  	[tilespmem:s0+$0xFFFFE6A0] =	vst v36  }
0x2e6: {  	v36 =	vld.idx.msk [tilespmem:v38+s4+$0x0], $0xffff  }
0x2e7: {  	v42 =	vadd.s32 v4, v35;
	_ =	sdelay $0x3  }
0x2e8: {  	[tilespmem:s0+$0xFFFFFFA0] =	vst v36  }
0x2e9: {  	v36 =	vld.idx.msk [tilespmem:v42+s4+$0x0], $0xffff  }
0x2ea: {  	v38 =	vor.u32 $0x1, v42;
	_ =	sdelay $0x3  }
0x2eb: {  	[tilespmem:s0+$0xFFFFE6B0] =	vst v36  }
0x2ec: {  	v36 =	vld.idx.msk [tilespmem:v38+s4+$0x0], $0xffff  }
0x2ed: {  	v43 =	vadd.s32 v6, v35;
	_ =	sdelay $0x3  }
0x2ee: {  	[tilespmem:s0+$0xFFFFFFB0] =	vst v36  }
0x2ef: {  	v36 =	vld.idx.msk [tilespmem:v43+s4+$0x0], $0xffff  }
0x2f0: {  	v38 =	vor.u32 $0x1, v43;
	_ =	sdelay $0x3  }
0x2f1: {  	[tilespmem:s0+$0xFFFFE6C0] =	vst v36  }
0x2f2: {  	v36 =	vld.idx.msk [tilespmem:v38+s4+$0x0], $0xffff  }
0x2f3: {  	v44 =	vadd.s32 v8, v35;
	_ =	sdelay $0x3  }
0x2f4: {  	[tilespmem:s0+$0xFFFFFFC0] =	vst v36  }
0x2f5: {  	v36 =	vld.idx.msk [tilespmem:v44+s4+$0x0], $0xffff  }
0x2f6: {  	v38 =	vor.u32 $0x1, v44;
	_ =	sdelay $0x3  }
0x2f7: {  	[tilespmem:s0+$0xFFFFE6D0] =	vst v36  }
0x2f8: {  	v36 =	vld.idx.msk [tilespmem:v38+s4+$0x0], $0xffff  }
0x2f9: {  	v45 =	vadd.s32 v10, v35;
	_ =	sdelay $0x3  }
0x2fa: {  	[tilespmem:s0+$0xFFFFFFD0] =	vst v36  }
0x2fb: {  	v36 =	vld.idx.msk [tilespmem:v45+s4+$0x0], $0xffff  }
0x2fc: {  	v38 =	vor.u32 $0x1, v45;
	_ =	sdelay $0x3  }
0x2fd: {  	[tilespmem:s0+$0xFFFFE6E0] =	vst v36  }
0x2fe: {  	v36 =	vld.idx.msk [tilespmem:v38+s4+$0x0], $0xffff  }
0x2ff: {  	v46 =	vadd.s32 v12, v35;
	_ =	sdelay $0x3  }
0x300: {  	[tilespmem:s0+$0xFFFFFFE0] =	vst v36  }
0x301: {  	v36 =	vld.idx.msk [tilespmem:v46+s4+$0x0], $0xffff  }
0x302: {  	v38 =	vor.u32 $0x1, v46;
	_ =	sdelay $0x3  }
0x303: {  	[tilespmem:s0+$0xFFFFE6F0] =	vst v36  }
0x304: {  	v36 =	vld.idx.msk [tilespmem:v38+s4+$0x0], $0xffff  }
0x305: {  	v35 =	vadd.s32 v14, v35;
	_ =	sdelay $0x3  }
0x306: {  	[tilespmem:s0+$0xFFFFFFF0] =	vst v36  }
0x307: {  	v36 =	vld.idx.msk [tilespmem:v35+s4+$0x0], $0xffff  }
0x308: {  	v35 =	vor.u32 $0x1, v35;
	_ =	sdelay $0x3  }
0x309: {  	v47 =	vperm.xlane v40, v16;
	[tilespmem:s0+$0xFFFFE700] =	vst v36  }
0x30a: {  	v35 =	vld.idx.msk [tilespmem:v35+s4+$0x0], $0xffff  }
0x30b: {  	v37 =	vperm.xlane v40, v18;
	v36 =	vadd.s32 v17, v47;
	_ =	sdelay $0x1  }
0x30c: {  	v37 =	vadd.s32 v17, v37;
	_ =	sdelay $0x1  }
0x30d: {  	[tilespmem:s0+$0x0] =	vst v35  }
0x30e: {  	[tilespmem:s20], [sflag:$0x2] =	stream.indirect_vreg.gather [hbm4b:s1+s4], $0x80, v36, vm0, $0xb8;
	[tilespmem:$0x1E400] =	vst v63  }
0x30f: {  	s17 =	simm.s32 $0xEC00  }
0x310: {  	[tilespmem:s17], [sflag:$0x2] =	stream.indirect_vreg.gather [hbm4b:s1+s4], $0x80, v37, vm0, $0xb8;
	[tilespmem:$0x1E400] =	vst v63  }
0x311: {  	v48 =	vld [tilespmem:s0+$0xFFFFE6A0];
	_ =	sdelay $0x4  }
0x312: {  	v49 =	vperm.xlane v48, v16;
	_ =	sdelay $0x1  }
0x313: {  	v35 =	vperm.xlane v48, v18;
	v36 =	vadd.s32 v17, v49;
	_ =	sdelay $0x1  }
0x314: {  	v35 =	vadd.s32 v17, v35;
	_ =	sdelay $0x1  }
0x315: {  	s17 =	simm.s32 $0xF400  }
0x316: {  	[tilespmem:s17], [sflag:$0x2] =	stream.indirect_vreg.gather [hbm4b:s1+s4], $0x80, v36, vm0, $0xb8;
	[tilespmem:$0x1E400] =	vst v63  }
0x317: {  	s17 =	simm.s32 $0xFC00  }
0x318: {  	[tilespmem:s17], [sflag:$0x2] =	stream.indirect_vreg.gather [hbm4b:s1+s4], $0x80, v35, vm0, $0xb8;
	[tilespmem:$0x1E400] =	vst v63  }
0x319: {  	v35 =	vld [tilespmem:s0+$0xFFFFE6B0];
	_ =	sdelay $0x4  }
0x31a: {  	v50 =	vperm.xlane v35, v16;
	_ =	sdelay $0x1  }
0x31b: {  	v35 =	vperm.xlane v35, v18;
	v36 =	vadd.s32 v17, v50;
	_ =	sdelay $0x1  }
0x31c: {  	v35 =	vadd.s32 v17, v35;
	_ =	sdelay $0x1  }
0x31d: {  	s17 =	simm.s32 $0x10400  }
0x31e: {  	[tilespmem:s17], [sflag:$0x2] =	stream.indirect_vreg.gather [hbm4b:s1+s4], $0x80, v36, vm0, $0xb8;
	[tilespmem:$0x1E400] =	vst v63  }
0x31f: {  	s17 =	simm.s32 $0x10C00  }
0x320: {  	[tilespmem:s17], [sflag:$0x2] =	stream.indirect_vreg.gather [hbm4b:s1+s4], $0x80, v35, vm0, $0xb8;
	[tilespmem:$0x1E400] =	vst v63  }
0x321: {  	v35 =	vld [tilespmem:s0+$0xFFFFE6C0];
	_ =	sdelay $0x4  }
0x322: {  	v51 =	vperm.xlane v35, v16;
	_ =	sdelay $0x1  }
0x323: {  	v35 =	vperm.xlane v35, v18;
	v36 =	vadd.s32 v17, v51;
	_ =	sdelay $0x1  }
0x324: {  	v35 =	vadd.s32 v17, v35;
	_ =	sdelay $0x1  }
0x325: {  	s17 =	simm.s32 $0x11400  }
0x326: {  	[tilespmem:s17], [sflag:$0x2] =	stream.indirect_vreg.gather [hbm4b:s1+s4], $0x80, v36, vm0, $0xb8;
	[tilespmem:$0x1E400] =	vst v63  }
0x327: {  	s17 =	simm.s32 $0x11C00  }
0x328: {  	[tilespmem:s17], [sflag:$0x2] =	stream.indirect_vreg.gather [hbm4b:s1+s4], $0x80, v35, vm0, $0xb8;
	[tilespmem:$0x1E400] =	vst v63  }
0x329: {  	v35 =	vld [tilespmem:s0+$0xFFFFE6D0];
	_ =	sdelay $0x4  }
0x32a: {  	v52 =	vperm.xlane v35, v16;
	_ =	sdelay $0x1  }
0x32b: {  	v35 =	vperm.xlane v35, v18;
	v36 =	vadd.s32 v17, v52;
	_ =	sdelay $0x1  }
0x32c: {  	v35 =	vadd.s32 v17, v35;
	_ =	sdelay $0x1  }
0x32d: {  	s17 =	simm.s32 $0x12400  }
0x32e: {  	[tilespmem:s17], [sflag:$0x2] =	stream.indirect_vreg.gather [hbm4b:s1+s4], $0x80, v36, vm0, $0xb8;
	[tilespmem:$0x1E400] =	vst v63  }
0x32f: {  	s17 =	simm.s32 $0x12C00  }
0x330: {  	[tilespmem:s17], [sflag:$0x2] =	stream.indirect_vreg.gather [hbm4b:s1+s4], $0x80, v35, vm0, $0xb8;
	[tilespmem:$0x1E400] =	vst v63  }
0x331: {  	v35 =	vld [tilespmem:s0+$0xFFFFE6E0];
	_ =	sdelay $0x4  }
0x332: {  	v53 =	vperm.xlane v35, v16;
	_ =	sdelay $0x1  }
0x333: {  	v35 =	vperm.xlane v35, v18;
	v36 =	vadd.s32 v17, v53;
	_ =	sdelay $0x1  }
0x334: {  	v35 =	vadd.s32 v17, v35;
	_ =	sdelay $0x1  }
0x335: {  	s17 =	simm.s32 $0x13400  }
0x336: {  	[tilespmem:s17], [sflag:$0x2] =	stream.indirect_vreg.gather [hbm4b:s1+s4], $0x80, v36, vm0, $0xb8;
	[tilespmem:$0x1E400] =	vst v63  }
0x337: {  	s17 =	simm.s32 $0x13C00  }
0x338: {  	[tilespmem:s17], [sflag:$0x2] =	stream.indirect_vreg.gather [hbm4b:s1+s4], $0x80, v35, vm0, $0xb8;
	[tilespmem:$0x1E400] =	vst v63  }
0x339: {  	v35 =	vld [tilespmem:s0+$0xFFFFE6F0];
	_ =	sdelay $0x4  }
0x33a: {  	v54 =	vperm.xlane v35, v16;
	_ =	sdelay $0x1  }
0x33b: {  	v35 =	vperm.xlane v35, v18;
	v36 =	vadd.s32 v17, v54;
	_ =	sdelay $0x1  }
0x33c: {  	v35 =	vadd.s32 v17, v35;
	_ =	sdelay $0x1  }
0x33d: {  	s17 =	simm.s32 $0x14400  }
0x33e: {  	[tilespmem:s17], [sflag:$0x2] =	stream.indirect_vreg.gather [hbm4b:s1+s4], $0x80, v36, vm0, $0xb8;
	[tilespmem:$0x1E400] =	vst v63  }
0x33f: {  	s17 =	simm.s32 $0x14C00  }
0x340: {  	[tilespmem:s17], [sflag:$0x2] =	stream.indirect_vreg.gather [hbm4b:s1+s4], $0x80, v35, vm0, $0xb8;
	[tilespmem:$0x1E400] =	vst v63  }
0x341: {  	v35 =	vld [tilespmem:s0+$0xFFFFE700];
	_ =	sdelay $0x4  }
0x342: {  	v55 =	vperm.xlane v35, v16;
	_ =	sdelay $0x1  }
0x343: {  	v35 =	vperm.xlane v35, v18;
	v36 =	vadd.s32 v17, v55;
	_ =	sdelay $0x1  }
0x344: {  	v35 =	vadd.s32 v17, v35;
	_ =	sdelay $0x1  }
0x345: {  	s17 =	simm.s32 $0x15400  }
0x346: {  	[tilespmem:s17], [sflag:$0x2] =	stream.indirect_vreg.gather [hbm4b:s1+s4], $0x80, v36, vm0, $0xb8;
	[tilespmem:$0x1E400] =	vst v63  }
0x347: {  	s17 =	simm.s32 $0x15C00  }
0x348: {  	[tilespmem:s17], [sflag:$0x2] =	stream.indirect_vreg.gather [hbm4b:s1+s4], $0x80, v35, vm0, $0xb8;
	[tilespmem:$0x1E400] =	vst v63  }
0x349: {  	v35 =	vld [tilespmem:s0+$0xFFFFFF90];
	_ =	sdelay $0x4  }
0x34a: {  	v56 =	vperm.xlane v35, v16;
	_ =	sdelay $0x1  }
0x34b: {  	v35 =	vperm.xlane v35, v18;
	v36 =	vadd.s32 v17, v56;
	_ =	sdelay $0x1  }
0x34c: {  	v35 =	vadd.s32 v17, v35;
	_ =	sdelay $0x1  }
0x34d: {  	s17 =	simm.s32 $0xE800  }
0x34e: {  	[tilespmem:s17], [sflag:$0x2] =	stream.indirect_vreg.gather [hbm4b:s3+s4], $0x80, v36, vm0, $0xb8;
	[tilespmem:$0x1E400] =	vst v63  }
0x34f: {  	s17 =	simm.s32 $0xF000  }
0x350: {  	[tilespmem:s17], [sflag:$0x2] =	stream.indirect_vreg.gather [hbm4b:s3+s4], $0x80, v35, vm0, $0xb8;
	[tilespmem:$0x1E400] =	vst v63  }
0x351: {  	v35 =	vld [tilespmem:s0+$0xFFFFFFA0];
	_ =	sdelay $0x4  }
0x352: {  	v57 =	vperm.xlane v35, v16;
	_ =	sdelay $0x1  }
0x353: {  	v35 =	vperm.xlane v35, v18;
	v36 =	vadd.s32 v17, v57;
	_ =	sdelay $0x1  }
0x354: {  	v35 =	vadd.s32 v17, v35;
	_ =	sdelay $0x1  }
0x355: {  	s17 =	simm.s32 $0xF800  }
0x356: {  	[tilespmem:s17], [sflag:$0x2] =	stream.indirect_vreg.gather [hbm4b:s3+s4], $0x80, v36, vm0, $0xb8;
	[tilespmem:$0x1E400] =	vst v63  }
0x357: {  	s17 =	simm.s32 $0x10000  }
0x358: {  	[tilespmem:s17], [sflag:$0x2] =	stream.indirect_vreg.gather [hbm4b:s3+s4], $0x80, v35, vm0, $0xb8;
	[tilespmem:$0x1E400] =	vst v63  }
0x359: {  	v35 =	vld [tilespmem:s0+$0xFFFFFFB0];
	_ =	sdelay $0x4  }
0x35a: {  	v58 =	vperm.xlane v35, v16;
	_ =	sdelay $0x1  }
0x35b: {  	v35 =	vperm.xlane v35, v18;
	v36 =	vadd.s32 v17, v58;
	_ =	sdelay $0x1  }
0x35c: {  	v35 =	vadd.s32 v17, v35;
	_ =	sdelay $0x1  }
0x35d: {  	s17 =	simm.s32 $0x10800  }
0x35e: {  	[tilespmem:s17], [sflag:$0x2] =	stream.indirect_vreg.gather [hbm4b:s3+s4], $0x80, v36, vm0, $0xb8;
	[tilespmem:$0x1E400] =	vst v63  }
0x35f: {  	s17 =	simm.s32 $0x11000  }
0x360: {  	[tilespmem:s17], [sflag:$0x2] =	stream.indirect_vreg.gather [hbm4b:s3+s4], $0x80, v35, vm0, $0xb8;
	[tilespmem:$0x1E400] =	vst v63  }
0x361: {  	v35 =	vld [tilespmem:s0+$0xFFFFFFC0];
	_ =	sdelay $0x4  }
0x362: {  	v59 =	vperm.xlane v35, v16;
	_ =	sdelay $0x1  }
0x363: {  	v35 =	vperm.xlane v35, v18;
	v36 =	vadd.s32 v17, v59;
	_ =	sdelay $0x1  }
0x364: {  	v35 =	vadd.s32 v17, v35;
	_ =	sdelay $0x1  }
0x365: {  	s17 =	simm.s32 $0x11800  }
0x366: {  	[tilespmem:s17], [sflag:$0x2] =	stream.indirect_vreg.gather [hbm4b:s3+s4], $0x80, v36, vm0, $0xb8;
	[tilespmem:$0x1E400] =	vst v63  }
0x367: {  	s17 =	simm.s32 $0x12000  }
0x368: {  	[tilespmem:s17], [sflag:$0x2] =	stream.indirect_vreg.gather [hbm4b:s3+s4], $0x80, v35, vm0, $0xb8;
	[tilespmem:$0x1E400] =	vst v63  }
0x369: {  	v35 =	vld [tilespmem:s0+$0xFFFFFFD0];
	_ =	sdelay $0x4  }
0x36a: {  	v60 =	vperm.xlane v35, v16;
	_ =	sdelay $0x1  }
0x36b: {  	v35 =	vperm.xlane v35, v18;
	v36 =	vadd.s32 v17, v60;
	_ =	sdelay $0x1  }
0x36c: {  	v35 =	vadd.s32 v17, v35;
	_ =	sdelay $0x1  }
0x36d: {  	s17 =	simm.s32 $0x12800  }
0x36e: {  	[tilespmem:s17], [sflag:$0x2] =	stream.indirect_vreg.gather [hbm4b:s3+s4], $0x80, v36, vm0, $0xb8;
	[tilespmem:$0x1E400] =	vst v63  }
0x36f: {  	s17 =	simm.s32 $0x13000  }
0x370: {  	[tilespmem:s17], [sflag:$0x2] =	stream.indirect_vreg.gather [hbm4b:s3+s4], $0x80, v35, vm0, $0xb8;
	[tilespmem:$0x1E400] =	vst v63  }
0x371: {  	v35 =	vld [tilespmem:s0+$0xFFFFFFE0];
	_ =	sdelay $0x4  }
0x372: {  	v61 =	vperm.xlane v35, v16;
	_ =	sdelay $0x1  }
0x373: {  	v35 =	vperm.xlane v35, v18;
	v36 =	vadd.s32 v17, v61;
	_ =	sdelay $0x1  }
0x374: {  	v35 =	vadd.s32 v17, v35;
	_ =	sdelay $0x1  }
0x375: {  	s17 =	simm.s32 $0x13800  }
0x376: {  	[tilespmem:s17], [sflag:$0x2] =	stream.indirect_vreg.gather [hbm4b:s3+s4], $0x80, v36, vm0, $0xb8;
	[tilespmem:$0x1E400] =	vst v63  }
0x377: {  	_ = 	snop  }
0x378: {  	[tilespmem:s11], [sflag:$0x2] =	stream.indirect_vreg.gather [hbm4b:s3+s4], $0x80, v35, vm0, $0xb8;
	[tilespmem:$0x1E400] =	vst v63  }
0x379: {  	v35 =	vld [tilespmem:s0+$0xFFFFFFF0];
	_ =	sdelay $0x4  }
0x37a: {  	v62 =	vperm.xlane v35, v16;
	_ =	sdelay $0x1  }
0x37b: {  	v35 =	vperm.xlane v35, v18;
	v36 =	vadd.s32 v17, v62;
	_ =	sdelay $0x1  }
0x37c: {  	v35 =	vadd.s32 v17, v35;
	_ =	sdelay $0x2  }
0x37d: {  	[tilespmem:s14], [sflag:$0x2] =	stream.indirect_vreg.gather [hbm4b:s3+s4], $0x80, v36, vm0, $0xb8;
	[tilespmem:$0x1E400] =	vst v63  }
0x37e: {  	_ = 	snop  }
0x37f: {  	[tilespmem:s19], [sflag:$0x2] =	stream.indirect_vreg.gather [hbm4b:s3+s4], $0x80, v35, vm0, $0xb8;
	[tilespmem:$0x1E400] =	vst v63  }
0x380: {  	v35 =	vld [tilespmem:s0+$0x0];
	_ =	sdelay $0x4  }
0x381: {  	v63 =	vperm.xlane v35, v16;
	_ =	sdelay $0x1  }
0x382: {  	v35 =	vperm.xlane v35, v18;
	v36 =	vadd.s32 v17, v63;
	_ =	sdelay $0x1  }
0x383: {  	v35 =	vadd.s32 v17, v35;
	_ =	sdelay $0x2  }
0x384: {  	[tilespmem:s24], [sflag:$0x2] =	stream.indirect_vreg.gather [hbm4b:s3+s4], $0x80, v36, vm0, $0xb8;
	[tilespmem:$0x1E400] =	vst v63  }
0x385: {  	_ = 	snop  }
0x386: {  	[tilespmem:s9], [sflag:$0x2] =	stream.indirect_vreg.gather [hbm4b:s3+s4], $0x80, v35, vm0, $0xb8;
	[tilespmem:$0x1E400] =	vst v63  }
0x387: {  	_ =	swait.ge [sflag:s2], $0x4000  }
0x388: {  	s6 =	sadd.s32 $0x3, s6;
	[sflag:s2] =	ssyncset.done $0x0  }
0x389: {  	p0 =	sne.s32 s6, $0x34;
	[sflag:s2] =	ssyncadd.s32 $0xFFFFC000  }
.Ltmp0:
0x38a: {  	_ =	swait.ge [sflag:s2], $0x4000;
	(pc) =	sbr.rel @p0 .LBB2_2-.Ltmp0, $4  }
0x38b: {  	[sflag:s2] =	ssyncset.done $0x0  }
0x38c: {  	s13 =	sadd.s32 $0x60000, s13;
	[sflag:s2] =	ssyncadd.s32 $0xFFFFC000  }
0x38d: {  	[hbm4b:s12+s4] =	stream.linear.scatter [tilespmem:s26], [sflag:$0x6], $0x8000, $0x38;
	[tilespmem:$0x1E400] =	vst v63  }
0x38e: {  	s5 =	sadd.s32 $0x60000, s5;
	s0 =	sadd.s32 $0x180, s0;
	s12 =	sadd.s32 $0x60000, s12  }
0x38f: {  	s0 =	simm.s32 $0x6  }
0x390: {  	_ =	swait.ge [sflag:s0], $0x8000  }
0x391: {  	[sflag:s0] =	ssyncset.done $0x0  }
0x392: {  	[sflag:s0] =	ssyncadd.s32 $0xFFFF8000  }
0x393: {  	_ =	swait.ge [sflag:s28], $0x4000  }
0x394: {  	[sflag:s28] =	ssyncset.done $0x0  }
0x395: {  	[sflag:s28] =	ssyncadd.s32 $0xFFFFC000  }
0x396: {  	_ =	swait.ge [sflag:s28], $0x4000  }
0x397: {  	s23 =	sld [smem:$0x7F4]  }
0x398: {  	[sflag:s28] =	ssyncset.done $0x0  }
0x399: {  	[sflag:s28] =	ssyncadd.s32 $0xFFFFC000  }
0x39a: {  	[hbm4b:s23+s4] =	stream.linear.scatter [tilespmem:s15], [sflag:$0x4], $0x8000, $0x38;
	[tilespmem:$0x1E400] =	vst v63  }
0x39b: {  	_ =	swait.ge [sflag:s29], $0x8000  }
0x39c: {  	[sflag:s29] =	ssyncset.done $0x0  }
0x39d: {  	[sflag:s29] =	ssyncadd.s32 $0xFFFF8000  }
0x39e: {  	_ =	swait.ge [sflag:s30], $0x4000  }
0x39f: {  	[sflag:s30] =	ssyncset.done $0x0  }
0x3a0: {  	[sflag:s30] =	ssyncadd.s32 $0xFFFFC000  }
0x3a1: {  	_ =	swait.ge [sflag:s30], $0x4000  }
0x3a2: {  	s24 =	sld [smem:$0x7F5]  }
0x3a3: {  	[sflag:s30] =	ssyncset.done $0x0  }
0x3a4: {  	[sflag:s30] =	ssyncadd.s32 $0xFFFFC000  }
0x3a5: {  	[hbm4b:s24+s4] =	stream.linear.scatter [tilespmem:s20], [sflag:$0x5], $0x8000, $0x38;
	[tilespmem:$0x1E400] =	vst v63  }
0x3a6: {  	_ =	swait.ge [sflag:s31], $0x8000  }
0x3a7: {  	s5 =	sld [smem:$0x7F2]  }
0x3a8: {  	s25 =	sld [smem:$0x7F6];
	_ =	sdelay $0x1  }
0x3a9: {  	s9 =	simm.s32 $0x7C00;
	s5 =	sadd.s32 $0x1, s5  }
0x3aa: {  	s10 =	simm.s32 $0x8400;
	s11 =	simm.s32 $0x8C00;
	p0 =	sne.s32 s5, s25  }
.Ltmp1:
0x3ab: {  	s12 =	simm.s32 $0x9400;
	s13 =	simm.s32 $0x9C00;
	(pc) =	sbr.rel @p0 .LBB2_1-.Ltmp1, $4  }
0x3ac: {  	s14 =	simm.s32 $0xA400;
	s16 =	simm.s32 $0xAC00;
	s17 =	simm.s32 $0xB400  }
0x3ad: {  	s18 =	simm.s32 $0xBC00;
	s19 =	simm.s32 $0xC400;
	s21 =	simm.s32 $0xCC00  }
0x3ae: {  	s22 =	simm.s32 $0xD400;
	s23 =	simm.s32 $0xDC00;
	[sflag:s31] =	ssyncset.done $0x0  }
0x3af: {  	s24 =	simm.s32 $0x6800;
	[sflag:s31] =	ssyncadd.s32 $0xFFFF8000;
	s25 =	simm.s32 $0x7000  }
0x3b0: {  	_ =	sfence.sel $0x180000  }
0x3b1: {  	[bflag:$0x0] =	sbarrier.arrive $0xFFFF  }
0x3b2: {  	_ =	strace $0x90000047  }
0x3b3: {  	s0 =	stileid.u32;
	[bflag:$0x2] =	sbarrier.arrive $0xFFFF  }
0x3b4: {  	p0 =	sne.s32 s0, $0x0;
	s0 =	rddreg [dreg:$0x4]  }
0x3b5: {  	s0 =	sadd.s32 @!p0 $0x100000, s0  }
0x3b6: {  	[sflag:s0] =	ssyncadd.tile.s32 @!p0 $0x1;
	_ =	shalt  }
.Lfunc_end2:
_tile_overlayer_lowered:
.L_overlay_start_2:
0x3b7: {  	(tag) =	ssettag $0x2  }
0x3b8: {  	s0 =	rddreg [dreg:$0x0];
	s2 =	stileid.u32  }
0x3b9: {  	s1 =	rddreg [dreg:$0x1];
	p0 =	sne.s32 s2, $0x0  }
0x3ba: {  	s3 =	rddreg [dreg:$0x2];
	[bflag:$0x3] =	sbarrier.arrive $0xFFFF;
	s2 =	simm.s32 @!p0 $0x1C07  }
0x3bb: {  	[timem:s3], [sflag:s2] =	dma.local @!p0 [hbm:s0], s1  }
0x3bc: {  	s0 =	simm.s32 @!p0 $0x7  }
0x3bd: {  	_ =	swait.ge @!p0 [sflag:s0], s1  }
0x3be: {  	s1 =	ssub.s32 @!p0 $0x0, s1;
	[sflag:s0] =	ssyncset.done @!p0 $0x0  }
0x3bf: {  	[sflag:s0] =	ssyncadd.s32 @!p0 s1  }
0x3c0: {  	[bflag:$0x3] =	sbarrier.arrive $0xFFFF  }
0x3c1: {  	_ =	shalt  }

</sc_bundles>
